<compile_context>
chip_gen: v7x
topology: tpu7x:2x2x1
jax: 0.10.2.dev20260603
libtpu: 0.0.44.dev20260713+nightly
codegen_flags: <defaults>
</compile_context>

<pallas_src>
import functools

import jax
import jax.numpy as jnp
from jax import lax
from jax.experimental import pallas as pl
from jax.experimental.pallas import tpu as pltpu
from jax.experimental.pallas import tpu_sc as plsc

N_NODES = 10000
D = 128
N_PAD = 10240
TRASH = 10200
DW = 144
NC, NS = 2, 16
NW = NC * NS
CHUNK = 128
STEPS = 81
E_PAD = NW * STEPS * CHUNK
E_TOT = 320000 + N_NODES
BLK = 1280



def _mm2_body(x_ref, wl_ref, wr_ref, xl_ref, xr_ref):
    x = x_ref[...]
    ml = jnp.dot(x, wl_ref[...], preferred_element_type=jnp.float32)
    col = lax.broadcasted_iota(jnp.int32, (BLK, DW), 1)
    xl_ref[...] = jnp.where(col == D, 1.0, jnp.pad(ml, ((0, 0), (0, DW - D))))
    xr_ref[...] = jnp.dot(x, wr_ref[...], preferred_element_type=jnp.float32)


def _mm2(x, wl, wr):
    n = x.shape[0]
    return pl.pallas_call(
        _mm2_body,
        grid=(n // BLK,),
        in_specs=[pl.BlockSpec((BLK, D), lambda i: (i, 0)),
                  pl.BlockSpec((D, D), lambda i: (0, 0)),
                  pl.BlockSpec((D, D), lambda i: (0, 0))],
        out_specs=(pl.BlockSpec((BLK, DW), lambda i: (i, 0)),
                   pl.BlockSpec((BLK, D), lambda i: (i, 0))),
        out_shape=(jax.ShapeDtypeStruct((n, DW), jnp.float32),
                   jax.ShapeDtypeStruct((n, D), jnp.float32)),
    )(x, wl, wr)


def _mid_body(a0_ref, a1_ref, b_ref, wl_ref, wr_ref, xl_ref, xr_ref):
    i = pl.program_id(0)
    v = a0_ref[...] + a1_ref[...]
    num = v[:, :D]
    den = v[:, D:D + 1]
    x = jnp.maximum(num / (den + 1e-16) + b_ref[...], 0.0)
    rows = i * BLK + lax.broadcasted_iota(jnp.int32, x.shape, 0)
    x = jnp.where(rows < N_NODES, x, 0.0)
    ml = jnp.dot(x, wl_ref[...], preferred_element_type=jnp.float32)
    col = lax.broadcasted_iota(jnp.int32, (BLK, DW), 1)
    xl_ref[...] = jnp.where(col == D, 1.0, jnp.pad(ml, ((0, 0), (0, DW - D))))
    xr_ref[...] = jnp.dot(x, wr_ref[...], preferred_element_type=jnp.float32)


def _mid(a0, a1, b, wl, wr):
    return pl.pallas_call(
        _mid_body,
        grid=(N_PAD // BLK,),
        in_specs=[pl.BlockSpec((BLK, DW), lambda i: (i, 0)),
                  pl.BlockSpec((BLK, DW), lambda i: (i, 0)),
                  pl.BlockSpec((D,), lambda i: (0,)),
                  pl.BlockSpec((D, D), lambda i: (0, 0)),
                  pl.BlockSpec((D, D), lambda i: (0, 0))],
        out_specs=(pl.BlockSpec((BLK, DW), lambda i: (i, 0)),
                   pl.BlockSpec((BLK, D), lambda i: (i, 0))),
        out_shape=(jax.ShapeDtypeStruct((N_PAD, DW), jnp.float32),
                   jax.ShapeDtypeStruct((N_PAD, D), jnp.float32)),
    )(a0, a1, b, wl, wr)


def _fin_body(a0_ref, a1_ref, b_ref, o_ref):
    v = a0_ref[...] + a1_ref[...]
    o_ref[...] = jnp.maximum(v[:, :D] / (v[:, D:D + 1] + 1e-16) + b_ref[...], 0.0)


def _fin(a0, a1, b):
    blk = 1000
    return pl.pallas_call(
        _fin_body,
        grid=(N_NODES // blk,),
        in_specs=[pl.BlockSpec((blk, DW), lambda i: (i, 0)),
                  pl.BlockSpec((blk, DW), lambda i: (i, 0)),
                  pl.BlockSpec((D,), lambda i: (0,))],
        out_specs=pl.BlockSpec((blk, D), lambda i: (i, 0)),
        out_shape=jax.ShapeDtypeStruct((N_NODES, D), jnp.float32),
    )(a0, a1, b)



def _sc_edge_body(xl_hbm, xr_hbm, att_hbm, idx_hbm, out_hbm,
                  iv, att_v, bufa, bufb, acc_sh, sema, semb):
    cid = lax.axis_index("c")
    sid = lax.axis_index("s")
    wid = cid * NS + sid

    def zrow(r, c):
        for j in range(DW // 16):
            bufa[r, pl.ds(j * 16, 16)] = jnp.zeros((16,), jnp.float32)
        return c
    lax.fori_loop(0, CHUNK, zrow, 0)
    rows_per_tile = N_PAD // NS
    for k in range(rows_per_tile // CHUNK):
        pltpu.sync_copy(bufa, acc_sh.at[pl.ds(sid * rows_per_tile + k * CHUNK, CHUNK)])

    pltpu.sync_copy(att_hbm, att_v)
    att_c = [att_v[pl.ds(j * 16, 16)] for j in range(8)]
    e0 = jnp.where(lax.iota(jnp.int32, 16) == 0, 1.0, 0.0)
    plsc.subcore_barrier()

    def step(g, c):
        pltpu.sync_copy(idx_hbm.at[wid, g], iv)
        cpa = pltpu.async_copy(xl_hbm.at[iv.at[0]], bufa, sema)
        cpb = pltpu.async_copy(xr_hbm.at[iv.at[1]], bufb, semb)
        cpa.wait()
        cpb.wait()

        @plsc.parallel_loop(0, CHUNK, 1, unroll=4)
        def edge(e):
            a = [bufa[e, pl.ds(j * 16, 16)] for j in range(8)]
            p = []
            for j in range(8):
                s = a[j] + bufb[e, pl.ds(j * 16, 16)]
                p.append(att_c[j] * jnp.maximum(s, 0.2 * s))
            q = [p[0] + p[1], p[2] + p[3], p[4] + p[5], p[6] + p[7]]
            acc = (q[0] + q[1]) + (q[2] + q[3])
            ex = jnp.exp(lax.broadcast(jnp.sum(acc), (16,)))
            for j in range(8):
                bufa[e, pl.ds(j * 16, 16)] = ex * a[j]
            bufa[e, pl.ds(D, 16)] = ex * e0

        pltpu.sync_copy(bufa, acc_sh.at[iv.at[1]], add=True)
        return c
    lax.fori_loop(0, STEPS, step, 0)

    plsc.subcore_barrier()
    pltpu.sync_copy(acc_sh.at[pl.ds(sid * rows_per_tile, rows_per_tile)],
                    out_hbm.at[cid, sid])


@functools.cache
def _make_sc_edge():
    mesh = plsc.VectorSubcoreMesh(core_axis_name="c", subcore_axis_name="s")
    return pl.kernel(
        _sc_edge_body,
        out_type=jax.ShapeDtypeStruct((NC, NS, N_PAD // NS, DW), jnp.float32),
        mesh=mesh,
        scratch_types=[
            pltpu.VMEM((2, CHUNK), jnp.int32),
            pltpu.VMEM((D,), jnp.float32),
            pltpu.VMEM((CHUNK, DW), jnp.float32),
            pltpu.VMEM((CHUNK, D), jnp.float32),
            pltpu.VMEM_SHARED((N_PAD, DW), jnp.float32),
            pltpu.SemaphoreType.DMA,
            pltpu.SemaphoreType.DMA,
        ],
        compiler_params=pltpu.CompilerParams(use_tc_tiling_on_sc=False,
                                             needs_layout_passes=False),
    )


def _sc_edge(xl, xr, att, idx):
    acc = _make_sc_edge()(xl, xr, att, idx)
    return jnp.reshape(acc, (NC, N_PAD, DW))



def kernel(node_features, Wl1, Wr1, att1, b1, Wl2, Wr2, att2, b2, edge_index):
    x0 = jnp.pad(node_features, ((0, N_PAD - N_NODES), (0, 0)))
    ei = edge_index.astype(jnp.int32)
    loop = jnp.arange(N_NODES, dtype=jnp.int32)
    pad = jnp.full((E_PAD - E_TOT,), TRASH, jnp.int32)
    src = jnp.concatenate([ei[0], loop, pad]).reshape(NW, STEPS, 1, CHUNK)
    dst = jnp.concatenate([ei[1], loop, pad]).reshape(NW, STEPS, 1, CHUNK)
    idx = jnp.concatenate([src, dst], axis=2)

    xl1, xr1 = _mm2(x0, Wl1, Wr1)
    acc1 = _sc_edge(xl1, xr1, att1, idx)
    xl2, xr2 = _mid(acc1[0], acc1[1], b1, Wl2, Wr2)
    acc2 = _sc_edge(xl2, xr2, att2, idx)
    return _fin(acc2[0], acc2[1], b2)

# --- scband reference (transcript-rebuilt; emitter-appended) ---
"""Pipeline reference for scband-gat-26852135535161 (READ-ONLY COPY).

The authoritative reference and input builder live on the scoring server;
editing this copy changes nothing except your own understanding.
"""

import jax, jax.numpy as jnp
import numpy as np

N_NODES = 10000
N_EDGES = 320000
D_IN = 128
D_HID = 128
D_OUT = 128


def setup_inputs(seed: int = 0) -> dict:
    key = jax.random.key(seed)
    ks = jax.random.split(key, 12)
    x = jax.random.normal(ks[0], (N_NODES, D_IN), dtype=jnp.float32)
    edge_index = jax.random.randint(ks[1], (2, N_EDGES), 0, N_NODES, dtype=jnp.int64)
    def glorot(k, shape):
        fan_in, fan_out = shape[0], shape[-1]
        lim = float(np.sqrt(6.0 / (fan_in + fan_out)))
        return jax.random.uniform(k, shape, dtype=jnp.float32, minval=-lim, maxval=lim)
    # Layer 1 (GATv2Conv: lin_l, lin_r, att, bias), heads=1
    Wl1 = glorot(ks[2], (D_IN, D_HID))
    Wr1 = glorot(ks[3], (D_IN, D_HID))
    att1 = glorot(ks[4], (D_HID,))
    b1 = jnp.zeros((D_HID,), dtype=jnp.float32)
    # Layer 2
    Wl2 = glorot(ks[5], (D_HID, D_OUT))
    Wr2 = glorot(ks[6], (D_HID, D_OUT))
    att2 = glorot(ks[7], (D_OUT,))
    b2 = jnp.zeros((D_OUT,), dtype=jnp.float32)
    return {"node_features": x, "Wl1": Wl1, "Wr1": Wr1, "att1": att1, "b1": b1,
            "Wl2": Wl2, "Wr2": Wr2, "att2": att2, "b2": b2, "edge_index": edge_index}


def _gatv2_conv(x, src, dst, Wl, Wr, att, b, n_nodes):
    # PyG GATv2Conv, heads=1, concat=True, negative_slope=0.2, add_self_loops=True
    xl = x @ Wl  # source-side transform (x_j)
    xr = x @ Wr  # target-side transform (x_i)
    e = jax.nn.leaky_relu(xl[src] + xr[dst], negative_slope=0.2)  # [E, D]
    logits = e @ att  # [E]
    # softmax over incoming edges of each destination node
    amax = jax.ops.segment_max(logits, dst, num_segments=n_nodes)
    amax = jnp.where(jnp.isfinite(amax), amax, 0.0)
    amax = jax.lax.stop_gradient(amax)
    ex = jnp.exp(logits - amax[dst])
    denom = jax.ops.segment_sum(ex, dst, num_segments=n_nodes)
    alpha = ex / (denom[dst] + 1e-16)
    out = jax.ops.segment_sum(alpha[:, None] * xl[src], dst, num_segments=n_nodes)
    return out + b


def reference(node_features, Wl1, Wr1, att1, b1, Wl2, Wr2, att2, b2, edge_index):
    n_nodes = node_features.shape[0]
    # add self loops (PyG default)
    loop = jnp.arange(n_nodes, dtype=edge_index.dtype)
    src = jnp.concatenate([edge_index[0], loop])
    dst = jnp.concatenate([edge_index[1], loop])
    x = node_features
    x = _gatv2_conv(x, src, dst, Wl1, Wr1, att1, b1, n_nodes)
    x = jax.nn.relu(x)
    # dropout is identity in eval mode
    x = _gatv2_conv(x, src, dst, Wl2, Wr2, att2, b2, n_nodes)
    x = jax.nn.relu(x)
    return x

if __name__ == "__main__":
    import jax
    _d = setup_inputs()
    print(jax.jit(kernel)(*tuple(_d.values())))

</pallas_src>

<mosaic_0001>
#map = affine_map<(d0, d1) -> (0, 0)>
#map1 = affine_map<(d0, d1) -> (0)>
#map2 = affine_map<(d0, d1) -> (0, 0, 0, 0)>
module attributes {stable_mosaic.version = 14 : i64} {
  func.func @_sc_edge_body(%arg0: i32, %arg1: i32, %arg2: memref<10240x144xf32, #tpu.memory_space<hbm>>, %arg3: memref<10240x128xf32, #tpu.memory_space<hbm>>, %arg4: memref<128xf32, #tpu.memory_space<hbm>>, %arg5: memref<32x81x2x128xi32, #tpu.memory_space<hbm>>, %arg6: memref<2x16x640x144xf32, #tpu.memory_space<hbm>>, %arg7: memref<2x128xi32, #tpu.memory_space<vmem>>, %arg8: memref<128xf32, #tpu.memory_space<vmem>>, %arg9: memref<128x144xf32, #tpu.memory_space<vmem>>, %arg10: memref<128x128xf32, #tpu.memory_space<vmem>>, %arg11: memref<10240x144xf32, #tpu.memory_space<vmem_shared>>, %arg12: memref<!tpu.dma_semaphore, #tpu.memory_space<semaphore_mem>>, %arg13: memref<!tpu.dma_semaphore, #tpu.memory_space<semaphore_mem>>) attributes {dimension_semantics = [#tpu.dimension_semantics<core_parallel>, #tpu.dimension_semantics<subcore_parallel>], iteration_bounds = array<i64: 2, 16>, scalar_prefetch = 0 : i64, scratch_operands = 7 : i64, tpu.core_type = #tpu.core_type<sc_vector_subcore>, window_params = [{transform_indices = #map}, {transform_indices = #map}, {transform_indices = #map1}, {transform_indices = #map2}, {transform_indices = #map2}]} {
    %mul3A = arith.constant 16 : i32
    %mul3A_0 = arith.muli %arg0, %mul3A : i32
    %add3A = arith.addi %mul3A_0, %arg1 : i32
    %scan3A = arith.constant 0 : i32
    %scan3A_1 = arith.constant 0 : i32
    %scan3A_2 = arith.constant 128 : i32
    %scan3A_3 = arith.addi %scan3A_1, %scan3A_2 : i32
    %scan3A_4 = arith.constant 1 : i32
    scf.for %scan3A_54 = %scan3A_1 to %scan3A_3 step %scan3A_4  : i32 {
      %broadcast_in_dim3A_55 = arith.constant 0.000000e+00 : f32
      %broadcast_in_dim3A_56 = vector.broadcast %broadcast_in_dim3A_55 : f32 to vector<16xf32>
      %swap3A = arith.index_cast %scan3A_54 : i32 to index
      %swap3A_57 = arith.constant 0 : index
      %swap3A_58 = tpu.vector_load %arg9[%swap3A, %swap3A_57] {strides = array<i32>} : memref<128x144xf32, #tpu.memory_space<vmem>>, vector<16xf32>,
      tpu.vector_store %arg9[%swap3A, %swap3A_57], %broadcast_in_dim3A_56 {strides = array<i32>} : memref<128x144xf32, #tpu.memory_space<vmem>>, vector<16xf32>,
      %broadcast_in_dim3A_59 = arith.constant 0.000000e+00 : f32
      %broadcast_in_dim3A_60 = vector.broadcast %broadcast_in_dim3A_59 : f32 to vector<16xf32>
      %swap3A_61 = arith.index_cast %scan3A_54 : i32 to index
      %swap3A_62 = arith.constant 16 : index
      %swap3A_63 = tpu.vector_load %arg9[%swap3A_61, %swap3A_62] {strides = array<i32>} : memref<128x144xf32, #tpu.memory_space<vmem>>, vector<16xf32>,
      tpu.vector_store %arg9[%swap3A_61, %swap3A_62], %broadcast_in_dim3A_60 {strides = array<i32>} : memref<128x144xf32, #tpu.memory_space<vmem>>, vector<16xf32>,
      %broadcast_in_dim3A_64 = arith.constant 0.000000e+00 : f32
      %broadcast_in_dim3A_65 = vector.broadcast %broadcast_in_dim3A_64 : f32 to vector<16xf32>
      %swap3A_66 = arith.index_cast %scan3A_54 : i32 to index
      %swap3A_67 = arith.constant 32 : index
      %swap3A_68 = tpu.vector_load %arg9[%swap3A_66, %swap3A_67] {strides = array<i32>} : memref<128x144xf32, #tpu.memory_space<vmem>>, vector<16xf32>,
      tpu.vector_store %arg9[%swap3A_66, %swap3A_67], %broadcast_in_dim3A_65 {strides = array<i32>} : memref<128x144xf32, #tpu.memory_space<vmem>>, vector<16xf32>,
      %broadcast_in_dim3A_69 = arith.constant 0.000000e+00 : f32
      %broadcast_in_dim3A_70 = vector.broadcast %broadcast_in_dim3A_69 : f32 to vector<16xf32>
      %swap3A_71 = arith.index_cast %scan3A_54 : i32 to index
      %swap3A_72 = arith.constant 48 : index
      %swap3A_73 = tpu.vector_load %arg9[%swap3A_71, %swap3A_72] {strides = array<i32>} : memref<128x144xf32, #tpu.memory_space<vmem>>, vector<16xf32>,
      tpu.vector_store %arg9[%swap3A_71, %swap3A_72], %broadcast_in_dim3A_70 {strides = array<i32>} : memref<128x144xf32, #tpu.memory_space<vmem>>, vector<16xf32>,
      %broadcast_in_dim3A_74 = arith.constant 0.000000e+00 : f32
      %broadcast_in_dim3A_75 = vector.broadcast %broadcast_in_dim3A_74 : f32 to vector<16xf32>
      %swap3A_76 = arith.index_cast %scan3A_54 : i32 to index
      %swap3A_77 = arith.constant 64 : index
      %swap3A_78 = tpu.vector_load %arg9[%swap3A_76, %swap3A_77] {strides = array<i32>} : memref<128x144xf32, #tpu.memory_space<vmem>>, vector<16xf32>,
      tpu.vector_store %arg9[%swap3A_76, %swap3A_77], %broadcast_in_dim3A_75 {strides = array<i32>} : memref<128x144xf32, #tpu.memory_space<vmem>>, vector<16xf32>,
      %broadcast_in_dim3A_79 = arith.constant 0.000000e+00 : f32
      %broadcast_in_dim3A_80 = vector.broadcast %broadcast_in_dim3A_79 : f32 to vector<16xf32>
      %swap3A_81 = arith.index_cast %scan3A_54 : i32 to index
      %swap3A_82 = arith.constant 80 : index
      %swap3A_83 = tpu.vector_load %arg9[%swap3A_81, %swap3A_82] {strides = array<i32>} : memref<128x144xf32, #tpu.memory_space<vmem>>, vector<16xf32>,
      tpu.vector_store %arg9[%swap3A_81, %swap3A_82], %broadcast_in_dim3A_80 {strides = array<i32>} : memref<128x144xf32, #tpu.memory_space<vmem>>, vector<16xf32>,
      %broadcast_in_dim3A_84 = arith.constant 0.000000e+00 : f32
      %broadcast_in_dim3A_85 = vector.broadcast %broadcast_in_dim3A_84 : f32 to vector<16xf32>
      %swap3A_86 = arith.index_cast %scan3A_54 : i32 to index
      %swap3A_87 = arith.constant 96 : index
      %swap3A_88 = tpu.vector_load %arg9[%swap3A_86, %swap3A_87] {strides = array<i32>} : memref<128x144xf32, #tpu.memory_space<vmem>>, vector<16xf32>,
      tpu.vector_store %arg9[%swap3A_86, %swap3A_87], %broadcast_in_dim3A_85 {strides = array<i32>} : memref<128x144xf32, #tpu.memory_space<vmem>>, vector<16xf32>,
      %broadcast_in_dim3A_89 = arith.constant 0.000000e+00 : f32
      %broadcast_in_dim3A_90 = vector.broadcast %broadcast_in_dim3A_89 : f32 to vector<16xf32>
      %swap3A_91 = arith.index_cast %scan3A_54 : i32 to index
      %swap3A_92 = arith.constant 112 : index
      %swap3A_93 = tpu.vector_load %arg9[%swap3A_91, %swap3A_92] {strides = array<i32>} : memref<128x144xf32, #tpu.memory_space<vmem>>, vector<16xf32>,
      tpu.vector_store %arg9[%swap3A_91, %swap3A_92], %broadcast_in_dim3A_90 {strides = array<i32>} : memref<128x144xf32, #tpu.memory_space<vmem>>, vector<16xf32>,
      %broadcast_in_dim3A_94 = arith.constant 0.000000e+00 : f32
      %broadcast_in_dim3A_95 = vector.broadcast %broadcast_in_dim3A_94 : f32 to vector<16xf32>
      %swap3A_96 = arith.index_cast %scan3A_54 : i32 to index
      %swap3A_97 = arith.constant 128 : index
      %swap3A_98 = tpu.vector_load %arg9[%swap3A_96, %swap3A_97] {strides = array<i32>} : memref<128x144xf32, #tpu.memory_space<vmem>>, vector<16xf32>,
      tpu.vector_store %arg9[%swap3A_96, %swap3A_97], %broadcast_in_dim3A_95 {strides = array<i32>} : memref<128x144xf32, #tpu.memory_space<vmem>>, vector<16xf32>,
    }
    %scan3A_5 = arith.constant 128 : i32
    %mul3A_6 = arith.constant 640 : i32
    %mul3A_7 = arith.muli %arg1, %mul3A_6 : i32
    %add3A_8 = arith.constant 0 : i32
    %add3A_9 = arith.addi %mul3A_7, %add3A_8 : i32
    "tpu.region"() ({
      %run_scoped3A = tpu.sem_alloc : memref<!tpu.dma_semaphore, #tpu.memory_space<semaphore_mem>>
      %dma_start3A = arith.constant 0 : i32
      %dma_start3A_54 = tpu.memref_slice %arg11[%add3A_9, %dma_start3A] : memref<10240x144xf32, #tpu.memory_space<vmem_shared>> -> memref<128x144xf32, #tpu.memory_space<vmem_shared>>
      %dma_start3A_55 = arith.constant 0 : i32
      %dma_start3A_56 = tpu.memref_slice %arg11[%add3A_9, %dma_start3A_55] : memref<10240x144xf32, #tpu.memory_space<vmem_shared>> -> memref<128x144xf32, #tpu.memory_space<vmem_shared>>
      tpu.enqueue_dma source(%arg9 : memref<128x144xf32, #tpu.memory_space<vmem>>) target(%dma_start3A_56 : memref<128x144xf32, #tpu.memory_space<vmem_shared>>) target_semaphore(%run_scoped3A : memref<!tpu.dma_semaphore, #tpu.memory_space<semaphore_mem>>)
      %dma_wait3A = arith.constant 0 : i32
      %dma_wait3A_57 = tpu.memref_slice %arg11[%add3A_9, %dma_wait3A] : memref<10240x144xf32, #tpu.memory_space<vmem_shared>> -> memref<128x144xf32, #tpu.memory_space<vmem_shared>>
      %dma_wait3A_58 = arith.constant 0 : i32
      %dma_wait3A_59 = tpu.memref_slice %arg11[%add3A_9, %dma_wait3A_58] : memref<10240x144xf32, #tpu.memory_space<vmem_shared>> -> memref<128x144xf32, #tpu.memory_space<vmem_shared>>
      tpu.wait_dma2 semaphore(%run_scoped3A : memref<!tpu.dma_semaphore, #tpu.memory_space<semaphore_mem>>) src(%arg9 : memref<128x144xf32, #tpu.memory_space<vmem>>) dst(%dma_wait3A_59 : memref<128x144xf32, #tpu.memory_space<vmem_shared>>)
      tpu.yield
    }) : () -> ()
    %mul3A_10 = arith.constant 640 : i32
    %mul3A_11 = arith.muli %arg1, %mul3A_10 : i32
    %add3A_12 = arith.constant 128 : i32
    %add3A_13 = arith.addi %mul3A_11, %add3A_12 : i32
    "tpu.region"() ({
      %run_scoped3A = tpu.sem_alloc : memref<!tpu.dma_semaphore, #tpu.memory_space<semaphore_mem>>
      %dma_start3A = arith.constant 0 : i32
      %dma_start3A_54 = tpu.memref_slice %arg11[%add3A_13, %dma_start3A] : memref<10240x144xf32, #tpu.memory_space<vmem_shared>> -> memref<128x144xf32, #tpu.memory_space<vmem_shared>>
      %dma_start3A_55 = arith.constant 0 : i32
      %dma_start3A_56 = tpu.memref_slice %arg11[%add3A_13, %dma_start3A_55] : memref<10240x144xf32, #tpu.memory_space<vmem_shared>> -> memref<128x144xf32, #tpu.memory_space<vmem_shared>>
      tpu.enqueue_dma source(%arg9 : memref<128x144xf32, #tpu.memory_space<vmem>>) target(%dma_start3A_56 : memref<128x144xf32, #tpu.memory_space<vmem_shared>>) target_semaphore(%run_scoped3A : memref<!tpu.dma_semaphore, #tpu.memory_space<semaphore_mem>>)
      %dma_wait3A = arith.constant 0 : i32
      %dma_wait3A_57 = tpu.memref_slice %arg11[%add3A_13, %dma_wait3A] : memref<10240x144xf32, #tpu.memory_space<vmem_shared>> -> memref<128x144xf32, #tpu.memory_space<vmem_shared>>
      %dma_wait3A_58 = arith.constant 0 : i32
      %dma_wait3A_59 = tpu.memref_slice %arg11[%add3A_13, %dma_wait3A_58] : memref<10240x144xf32, #tpu.memory_space<vmem_shared>> -> memref<128x144xf32, #tpu.memory_space<vmem_shared>>
      tpu.wait_dma2 semaphore(%run_scoped3A : memref<!tpu.dma_semaphore, #tpu.memory_space<semaphore_mem>>) src(%arg9 : memref<128x144xf32, #tpu.memory_space<vmem>>) dst(%dma_wait3A_59 : memref<128x144xf32, #tpu.memory_space<vmem_shared>>)
      tpu.yield
    }) : () -> ()
    %mul3A_14 = arith.constant 640 : i32
    %mul3A_15 = arith.muli %arg1, %mul3A_14 : i32
    %add3A_16 = arith.constant 256 : i32
    %add3A_17 = arith.addi %mul3A_15, %add3A_16 : i32
    "tpu.region"() ({
      %run_scoped3A = tpu.sem_alloc : memref<!tpu.dma_semaphore, #tpu.memory_space<semaphore_mem>>
      %dma_start3A = arith.constant 0 : i32
      %dma_start3A_54 = tpu.memref_slice %arg11[%add3A_17, %dma_start3A] : memref<10240x144xf32, #tpu.memory_space<vmem_shared>> -> memref<128x144xf32, #tpu.memory_space<vmem_shared>>
      %dma_start3A_55 = arith.constant 0 : i32
      %dma_start3A_56 = tpu.memref_slice %arg11[%add3A_17, %dma_start3A_55] : memref<10240x144xf32, #tpu.memory_space<vmem_shared>> -> memref<128x144xf32, #tpu.memory_space<vmem_shared>>
      tpu.enqueue_dma source(%arg9 : memref<128x144xf32, #tpu.memory_space<vmem>>) target(%dma_start3A_56 : memref<128x144xf32, #tpu.memory_space<vmem_shared>>) target_semaphore(%run_scoped3A : memref<!tpu.dma_semaphore, #tpu.memory_space<semaphore_mem>>)
      %dma_wait3A = arith.constant 0 : i32
      %dma_wait3A_57 = tpu.memref_slice %arg11[%add3A_17, %dma_wait3A] : memref<10240x144xf32, #tpu.memory_space<vmem_shared>> -> memref<128x144xf32, #tpu.memory_space<vmem_shared>>
      %dma_wait3A_58 = arith.constant 0 : i32
      %dma_wait3A_59 = tpu.memref_slice %arg11[%add3A_17, %dma_wait3A_58] : memref<10240x144xf32, #tpu.memory_space<vmem_shared>> -> memref<128x144xf32, #tpu.memory_space<vmem_shared>>
      tpu.wait_dma2 semaphore(%run_scoped3A : memref<!tpu.dma_semaphore, #tpu.memory_space<semaphore_mem>>) src(%arg9 : memref<128x144xf32, #tpu.memory_space<vmem>>) dst(%dma_wait3A_59 : memref<128x144xf32, #tpu.memory_space<vmem_shared>>)
      tpu.yield
    }) : () -> ()
    %mul3A_18 = arith.constant 640 : i32
    %mul3A_19 = arith.muli %arg1, %mul3A_18 : i32
    %add3A_20 = arith.constant 384 : i32
    %add3A_21 = arith.addi %mul3A_19, %add3A_20 : i32
    "tpu.region"() ({
      %run_scoped3A = tpu.sem_alloc : memref<!tpu.dma_semaphore, #tpu.memory_space<semaphore_mem>>
      %dma_start3A = arith.constant 0 : i32
      %dma_start3A_54 = tpu.memref_slice %arg11[%add3A_21, %dma_start3A] : memref<10240x144xf32, #tpu.memory_space<vmem_shared>> -> memref<128x144xf32, #tpu.memory_space<vmem_shared>>
      %dma_start3A_55 = arith.constant 0 : i32
      %dma_start3A_56 = tpu.memref_slice %arg11[%add3A_21, %dma_start3A_55] : memref<10240x144xf32, #tpu.memory_space<vmem_shared>> -> memref<128x144xf32, #tpu.memory_space<vmem_shared>>
      tpu.enqueue_dma source(%arg9 : memref<128x144xf32, #tpu.memory_space<vmem>>) target(%dma_start3A_56 : memref<128x144xf32, #tpu.memory_space<vmem_shared>>) target_semaphore(%run_scoped3A : memref<!tpu.dma_semaphore, #tpu.memory_space<semaphore_mem>>)
      %dma_wait3A = arith.constant 0 : i32
      %dma_wait3A_57 = tpu.memref_slice %arg11[%add3A_21, %dma_wait3A] : memref<10240x144xf32, #tpu.memory_space<vmem_shared>> -> memref<128x144xf32, #tpu.memory_space<vmem_shared>>
      %dma_wait3A_58 = arith.constant 0 : i32
      %dma_wait3A_59 = tpu.memref_slice %arg11[%add3A_21, %dma_wait3A_58] : memref<10240x144xf32, #tpu.memory_space<vmem_shared>> -> memref<128x144xf32, #tpu.memory_space<vmem_shared>>
      tpu.wait_dma2 semaphore(%run_scoped3A : memref<!tpu.dma_semaphore, #tpu.memory_space<semaphore_mem>>) src(%arg9 : memref<128x144xf32, #tpu.memory_space<vmem>>) dst(%dma_wait3A_59 : memref<128x144xf32, #tpu.memory_space<vmem_shared>>)
      tpu.yield
    }) : () -> ()
    %mul3A_22 = arith.constant 640 : i32
    %mul3A_23 = arith.muli %arg1, %mul3A_22 : i32
    %add3A_24 = arith.constant 512 : i32
    %add3A_25 = arith.addi %mul3A_23, %add3A_24 : i32
    "tpu.region"() ({
      %run_scoped3A = tpu.sem_alloc : memref<!tpu.dma_semaphore, #tpu.memory_space<semaphore_mem>>
      %dma_start3A = arith.constant 0 : i32
      %dma_start3A_54 = tpu.memref_slice %arg11[%add3A_25, %dma_start3A] : memref<10240x144xf32, #tpu.memory_space<vmem_shared>> -> memref<128x144xf32, #tpu.memory_space<vmem_shared>>
      %dma_start3A_55 = arith.constant 0 : i32
      %dma_start3A_56 = tpu.memref_slice %arg11[%add3A_25, %dma_start3A_55] : memref<10240x144xf32, #tpu.memory_space<vmem_shared>> -> memref<128x144xf32, #tpu.memory_space<vmem_shared>>
      tpu.enqueue_dma source(%arg9 : memref<128x144xf32, #tpu.memory_space<vmem>>) target(%dma_start3A_56 : memref<128x144xf32, #tpu.memory_space<vmem_shared>>) target_semaphore(%run_scoped3A : memref<!tpu.dma_semaphore, #tpu.memory_space<semaphore_mem>>)
      %dma_wait3A = arith.constant 0 : i32
      %dma_wait3A_57 = tpu.memref_slice %arg11[%add3A_25, %dma_wait3A] : memref<10240x144xf32, #tpu.memory_space<vmem_shared>> -> memref<128x144xf32, #tpu.memory_space<vmem_shared>>
      %dma_wait3A_58 = arith.constant 0 : i32
      %dma_wait3A_59 = tpu.memref_slice %arg11[%add3A_25, %dma_wait3A_58] : memref<10240x144xf32, #tpu.memory_space<vmem_shared>> -> memref<128x144xf32, #tpu.memory_space<vmem_shared>>
      tpu.wait_dma2 semaphore(%run_scoped3A : memref<!tpu.dma_semaphore, #tpu.memory_space<semaphore_mem>>) src(%arg9 : memref<128x144xf32, #tpu.memory_space<vmem>>) dst(%dma_wait3A_59 : memref<128x144xf32, #tpu.memory_space<vmem_shared>>)
      tpu.yield
    }) : () -> ()
    "tpu.region"() ({
      %run_scoped3A = tpu.sem_alloc : memref<!tpu.dma_semaphore, #tpu.memory_space<semaphore_mem>>
      tpu.enqueue_dma source(%arg4 : memref<128xf32, #tpu.memory_space<hbm>>) target(%arg8 : memref<128xf32, #tpu.memory_space<vmem>>) target_semaphore(%run_scoped3A : memref<!tpu.dma_semaphore, #tpu.memory_space<semaphore_mem>>)
      tpu.wait_dma2 semaphore(%run_scoped3A : memref<!tpu.dma_semaphore, #tpu.memory_space<semaphore_mem>>) src(%arg4 : memref<128xf32, #tpu.memory_space<hbm>>) dst(%arg8 : memref<128xf32, #tpu.memory_space<vmem>>)
      tpu.yield
    }) : () -> ()
    %get3A = arith.constant 0 : index
    %get3A_26 = tpu.vector_load %arg8[%get3A] {strides = array<i32>} : memref<128xf32, #tpu.memory_space<vmem>>, vector<16xf32>,
    %get3A_27 = arith.constant 16 : index
    %get3A_28 = tpu.vector_load %arg8[%get3A_27] {strides = array<i32>} : memref<128xf32, #tpu.memory_space<vmem>>, vector<16xf32>,
    %get3A_29 = arith.constant 32 : index
    %get3A_30 = tpu.vector_load %arg8[%get3A_29] {strides = array<i32>} : memref<128xf32, #tpu.memory_space<vmem>>, vector<16xf32>,
    %get3A_31 = arith.constant 48 : index
    %get3A_32 = tpu.vector_load %arg8[%get3A_31] {strides = array<i32>} : memref<128xf32, #tpu.memory_space<vmem>>, vector<16xf32>,
    %get3A_33 = arith.constant 64 : index
    %get3A_34 = tpu.vector_load %arg8[%get3A_33] {strides = array<i32>} : memref<128xf32, #tpu.memory_space<vmem>>, vector<16xf32>,
    %get3A_35 = arith.constant 80 : index
    %get3A_36 = tpu.vector_load %arg8[%get3A_35] {strides = array<i32>} : memref<128xf32, #tpu.memory_space<vmem>>, vector<16xf32>,
    %get3A_37 = arith.constant 96 : index
    %get3A_38 = tpu.vector_load %arg8[%get3A_37] {strides = array<i32>} : memref<128xf32, #tpu.memory_space<vmem>>, vector<16xf32>,
    %get3A_39 = arith.constant 112 : index
    %get3A_40 = tpu.vector_load %arg8[%get3A_39] {strides = array<i32>} : memref<128xf32, #tpu.memory_space<vmem>>, vector<16xf32>,
    %iota3A = tpu.iota {dimensions = array<i32: 0>} : vector<16xi32>
    %eq3A = arith.constant 0 : i32
    %eq3A_41 = vector.broadcast %eq3A : i32 to vector<16xi32>
    %eq3A_42 = arith.cmpi eq, %iota3A, %eq3A_41 : vector<16xi32>
    %jit3A = arith.constant 1.000000e+00 : f32
    %jit3A_43 = arith.constant 0.000000e+00 : f32
    %broadcast_in_dim3A = vector.broadcast %jit3A : f32 to vector<16xf32>
    %broadcast_in_dim3A_44 = vector.broadcast %jit3A_43 : f32 to vector<16xf32>
    %select_n3A = arith.select %eq3A_42, %broadcast_in_dim3A, %broadcast_in_dim3A_44 : vector<16xi1>, vector<16xf32>
    %barrier3A = arith.constant 0 : index
    tpu.barrier barrier_id(%barrier3A)
    %scan3A_45 = arith.constant 0 : i32
    %scan3A_46 = arith.constant 0 : i32
    %scan3A_47 = arith.constant 81 : i32
    %scan3A_48 = arith.addi %scan3A_46, %scan3A_47 : i32
    %scan3A_49 = arith.constant 1 : i32
    scf.for %scan3A_54 = %scan3A_46 to %scan3A_48 step %scan3A_49  : i32 {
      "tpu.region"() ({
        %run_scoped3A_83 = tpu.sem_alloc : memref<!tpu.dma_semaphore, #tpu.memory_space<semaphore_mem>>
        %dma_start3A_84 = arith.constant 0 : i32
        %dma_start3A_85 = arith.constant 0 : i32
        %dma_start3A_86 = tpu.memref_slice %arg5[%add3A, %scan3A_54, %dma_start3A_84, %dma_start3A_85] : memref<32x81x2x128xi32, #tpu.memory_space<hbm>> -> memref<1x1x2x128xi32, #tpu.memory_space<hbm>>
        %dma_start3A_87 = tpu.memref_squeeze %dma_start3A_86 : memref<1x1x2x128xi32, #tpu.memory_space<hbm>> -> memref<2x128xi32, #tpu.memory_space<hbm>>
        %dma_start3A_88 = arith.constant 0 : i32
        %dma_start3A_89 = arith.constant 0 : i32
        %dma_start3A_90 = tpu.memref_slice %arg5[%add3A, %scan3A_54, %dma_start3A_88, %dma_start3A_89] : memref<32x81x2x128xi32, #tpu.memory_space<hbm>> -> memref<1x1x2x128xi32, #tpu.memory_space<hbm>>
        %dma_start3A_91 = tpu.memref_squeeze %dma_start3A_90 : memref<1x1x2x128xi32, #tpu.memory_space<hbm>> -> memref<2x128xi32, #tpu.memory_space<hbm>>
        tpu.enqueue_dma source(%dma_start3A_91 : memref<2x128xi32, #tpu.memory_space<hbm>>) target(%arg7 : memref<2x128xi32, #tpu.memory_space<vmem>>) target_semaphore(%run_scoped3A_83 : memref<!tpu.dma_semaphore, #tpu.memory_space<semaphore_mem>>)
        %dma_wait3A_92 = arith.constant 0 : i32
        %dma_wait3A_93 = arith.constant 0 : i32
        %dma_wait3A_94 = tpu.memref_slice %arg5[%add3A, %scan3A_54, %dma_wait3A_92, %dma_wait3A_93] : memref<32x81x2x128xi32, #tpu.memory_space<hbm>> -> memref<1x1x2x128xi32, #tpu.memory_space<hbm>>
        %dma_wait3A_95 = tpu.memref_squeeze %dma_wait3A_94 : memref<1x1x2x128xi32, #tpu.memory_space<hbm>> -> memref<2x128xi32, #tpu.memory_space<hbm>>
        %dma_wait3A_96 = arith.constant 0 : i32
        %dma_wait3A_97 = arith.constant 0 : i32
        %dma_wait3A_98 = tpu.memref_slice %arg5[%add3A, %scan3A_54, %dma_wait3A_96, %dma_wait3A_97] : memref<32x81x2x128xi32, #tpu.memory_space<hbm>> -> memref<1x1x2x128xi32, #tpu.memory_space<hbm>>
        %dma_wait3A_99 = tpu.memref_squeeze %dma_wait3A_98 : memref<1x1x2x128xi32, #tpu.memory_space<hbm>> -> memref<2x128xi32, #tpu.memory_space<hbm>>
        tpu.wait_dma2 semaphore(%run_scoped3A_83 : memref<!tpu.dma_semaphore, #tpu.memory_space<semaphore_mem>>) src(%dma_wait3A_99 : memref<2x128xi32, #tpu.memory_space<hbm>>) dst(%arg7 : memref<2x128xi32, #tpu.memory_space<vmem>>)
        tpu.yield
      }) : () -> ()
      %dma_start3A = arith.constant 0 : i32
      %dma_start3A_55 = arith.constant 0 : i32
      %dma_start3A_56 = tpu.memref_slice %arg7[%dma_start3A, %dma_start3A_55] : memref<2x128xi32, #tpu.memory_space<vmem>> -> memref<1x128xi32, #tpu.memory_space<vmem>>
      %dma_start3A_57 = tpu.memref_squeeze %dma_start3A_56 : memref<1x128xi32, #tpu.memory_space<vmem>> -> memref<128xi32, #tpu.memory_space<vmem>>
      %dma_start3A_58 = arith.constant 0 : i32
      %dma_start3A_59 = arith.constant 0 : i32
      %dma_start3A_60 = tpu.memref_slice %arg2[%dma_start3A_58, %dma_start3A_59] : memref<10240x144xf32, #tpu.memory_space<hbm>> -> memref<10240x144xf32, #tpu.memory_space<hbm>>
      tpu.enqueue_indirect_dma source(%dma_start3A_60 : memref<10240x144xf32, #tpu.memory_space<hbm>>) target(%arg9 : memref<128x144xf32, #tpu.memory_space<vmem>>) offsets(%dma_start3A_57 : memref<128xi32, #tpu.memory_space<vmem>>) semaphore(%arg12 : memref<!tpu.dma_semaphore, #tpu.memory_space<semaphore_mem>>)
      %dma_start3A_61 = arith.constant 1 : i32
      %dma_start3A_62 = arith.constant 0 : i32
      %dma_start3A_63 = tpu.memref_slice %arg7[%dma_start3A_61, %dma_start3A_62] : memref<2x128xi32, #tpu.memory_space<vmem>> -> memref<1x128xi32, #tpu.memory_space<vmem>>
      %dma_start3A_64 = tpu.memref_squeeze %dma_start3A_63 : memref<1x128xi32, #tpu.memory_space<vmem>> -> memref<128xi32, #tpu.memory_space<vmem>>
      %dma_start3A_65 = arith.constant 0 : i32
      %dma_start3A_66 = arith.constant 0 : i32
      %dma_start3A_67 = tpu.memref_slice %arg3[%dma_start3A_65, %dma_start3A_66] : memref<10240x128xf32, #tpu.memory_space<hbm>> -> memref<10240x128xf32, #tpu.memory_space<hbm>>
      tpu.enqueue_indirect_dma source(%dma_start3A_67 : memref<10240x128xf32, #tpu.memory_space<hbm>>) target(%arg10 : memref<128x128xf32, #tpu.memory_space<vmem>>) offsets(%dma_start3A_64 : memref<128xi32, #tpu.memory_space<vmem>>) semaphore(%arg13 : memref<!tpu.dma_semaphore, #tpu.memory_space<semaphore_mem>>)
      %dma_wait3A = arith.constant 0 : i32
      %dma_wait3A_68 = arith.constant 0 : i32
      %dma_wait3A_69 = tpu.memref_slice %arg7[%dma_wait3A, %dma_wait3A_68] : memref<2x128xi32, #tpu.memory_space<vmem>> -> memref<1x128xi32, #tpu.memory_space<vmem>>
      %dma_wait3A_70 = tpu.memref_squeeze %dma_wait3A_69 : memref<1x128xi32, #tpu.memory_space<vmem>> -> memref<128xi32, #tpu.memory_space<vmem>>
      %dma_wait3A_71 = arith.constant 0 : i32
      %dma_wait3A_72 = arith.constant 0 : i32
      %dma_wait3A_73 = tpu.memref_slice %arg2[%dma_wait3A_71, %dma_wait3A_72] : memref<10240x144xf32, #tpu.memory_space<hbm>> -> memref<10240x144xf32, #tpu.memory_space<hbm>>
      tpu.wait_indirect_dma semaphore(%arg12 : memref<!tpu.dma_semaphore, #tpu.memory_space<semaphore_mem>>) src(%dma_wait3A_73 : memref<10240x144xf32, #tpu.memory_space<hbm>>) dst(%arg9 : memref<128x144xf32, #tpu.memory_space<vmem>>)
      %dma_wait3A_74 = arith.constant 1 : i32
      %dma_wait3A_75 = arith.constant 0 : i32
      %dma_wait3A_76 = tpu.memref_slice %arg7[%dma_wait3A_74, %dma_wait3A_75] : memref<2x128xi32, #tpu.memory_space<vmem>> -> memref<1x128xi32, #tpu.memory_space<vmem>>
      %dma_wait3A_77 = tpu.memref_squeeze %dma_wait3A_76 : memref<1x128xi32, #tpu.memory_space<vmem>> -> memref<128xi32, #tpu.memory_space<vmem>>
      %dma_wait3A_78 = arith.constant 0 : i32
      %dma_wait3A_79 = arith.constant 0 : i32
      %dma_wait3A_80 = tpu.memref_slice %arg3[%dma_wait3A_78, %dma_wait3A_79] : memref<10240x128xf32, #tpu.memory_space<hbm>> -> memref<10240x128xf32, #tpu.memory_space<hbm>>
      tpu.wait_indirect_dma semaphore(%arg13 : memref<!tpu.dma_semaphore, #tpu.memory_space<semaphore_mem>>) src(%dma_wait3A_80 : memref<10240x128xf32, #tpu.memory_space<hbm>>) dst(%arg10 : memref<128x128xf32, #tpu.memory_space<vmem>>)
      %parallel_loop3A = arith.constant 0 : i32
      %parallel_loop3A_81 = arith.constant 128 : i32
      %parallel_loop3A_82 = arith.constant 1 : i32
      scf.for %parallel_loop3A_83 = %parallel_loop3A to %parallel_loop3A_81 step %parallel_loop3A_82  : i32 {
        %parallel_loop3A_84 = arith.index_cast %parallel_loop3A_83 : i32 to index
        %parallel_loop3A_85 = arith.constant 0 : index
        %parallel_loop3A_86 = tpu.vector_load %arg9[%parallel_loop3A_84, %parallel_loop3A_85] {strides = array<i32>} : memref<128x144xf32, #tpu.memory_space<vmem>>, vector<16xf32>,
        %parallel_loop3A_87 = arith.index_cast %parallel_loop3A_83 : i32 to index
        %parallel_loop3A_88 = arith.constant 16 : index
        %parallel_loop3A_89 = tpu.vector_load %arg9[%parallel_loop3A_87, %parallel_loop3A_88] {strides = array<i32>} : memref<128x144xf32, #tpu.memory_space<vmem>>, vector<16xf32>,
        %parallel_loop3A_90 = arith.index_cast %parallel_loop3A_83 : i32 to index
        %parallel_loop3A_91 = arith.constant 32 : index
        %parallel_loop3A_92 = tpu.vector_load %arg9[%parallel_loop3A_90, %parallel_loop3A_91] {strides = array<i32>} : memref<128x144xf32, #tpu.memory_space<vmem>>, vector<16xf32>,
        %parallel_loop3A_93 = arith.index_cast %parallel_loop3A_83 : i32 to index
        %parallel_loop3A_94 = arith.constant 48 : index
        %parallel_loop3A_95 = tpu.vector_load %arg9[%parallel_loop3A_93, %parallel_loop3A_94] {strides = array<i32>} : memref<128x144xf32, #tpu.memory_space<vmem>>, vector<16xf32>,
        %parallel_loop3A_96 = arith.index_cast %parallel_loop3A_83 : i32 to index
        %parallel_loop3A_97 = arith.constant 64 : index
        %parallel_loop3A_98 = tpu.vector_load %arg9[%parallel_loop3A_96, %parallel_loop3A_97] {strides = array<i32>} : memref<128x144xf32, #tpu.memory_space<vmem>>, vector<16xf32>,
        %parallel_loop3A_99 = arith.index_cast %parallel_loop3A_83 : i32 to index
        %parallel_loop3A_100 = arith.constant 80 : index
        %parallel_loop3A_101 = tpu.vector_load %arg9[%parallel_loop3A_99, %parallel_loop3A_100] {strides = array<i32>} : memref<128x144xf32, #tpu.memory_space<vmem>>, vector<16xf32>,
        %parallel_loop3A_102 = arith.index_cast %parallel_loop3A_83 : i32 to index
        %parallel_loop3A_103 = arith.constant 96 : index
        %parallel_loop3A_104 = tpu.vector_load %arg9[%parallel_loop3A_102, %parallel_loop3A_103] {strides = array<i32>} : memref<128x144xf32, #tpu.memory_space<vmem>>, vector<16xf32>,
        %parallel_loop3A_105 = arith.index_cast %parallel_loop3A_83 : i32 to index
        %parallel_loop3A_106 = arith.constant 112 : index
        %parallel_loop3A_107 = tpu.vector_load %arg9[%parallel_loop3A_105, %parallel_loop3A_106] {strides = array<i32>} : memref<128x144xf32, #tpu.memory_space<vmem>>, vector<16xf32>,
        %parallel_loop3A_108 = arith.index_cast %parallel_loop3A_83 : i32 to index
        %parallel_loop3A_109 = arith.constant 0 : index
        %parallel_loop3A_110 = tpu.vector_load %arg10[%parallel_loop3A_108, %parallel_loop3A_109] {strides = array<i32>} : memref<128x128xf32, #tpu.memory_space<vmem>>, vector<16xf32>,
        %parallel_loop3A_111 = arith.addf %parallel_loop3A_86, %parallel_loop3A_110 : vector<16xf32>
        %parallel_loop3A_112 = arith.constant 2.000000e-01 : f32
        %parallel_loop3A_113 = vector.broadcast %parallel_loop3A_112 : f32 to vector<16xf32>
        %parallel_loop3A_114 = arith.mulf %parallel_loop3A_113, %parallel_loop3A_111 : vector<16xf32>
        %parallel_loop3A_115 = arith.maximumf %parallel_loop3A_111, %parallel_loop3A_114 : vector<16xf32>
        %parallel_loop3A_116 = arith.mulf %get3A_26, %parallel_loop3A_115 : vector<16xf32>
        %parallel_loop3A_117 = arith.index_cast %parallel_loop3A_83 : i32 to index
        %parallel_loop3A_118 = arith.constant 16 : index
        %parallel_loop3A_119 = tpu.vector_load %arg10[%parallel_loop3A_117, %parallel_loop3A_118] {strides = array<i32>} : memref<128x128xf32, #tpu.memory_space<vmem>>, vector<16xf32>,
        %parallel_loop3A_120 = arith.addf %parallel_loop3A_89, %parallel_loop3A_119 : vector<16xf32>
        %parallel_loop3A_121 = arith.constant 2.000000e-01 : f32
        %parallel_loop3A_122 = vector.broadcast %parallel_loop3A_121 : f32 to vector<16xf32>
        %parallel_loop3A_123 = arith.mulf %parallel_loop3A_122, %parallel_loop3A_120 : vector<16xf32>
        %parallel_loop3A_124 = arith.maximumf %parallel_loop3A_120, %parallel_loop3A_123 : vector<16xf32>
        %parallel_loop3A_125 = arith.mulf %get3A_28, %parallel_loop3A_124 : vector<16xf32>
        %parallel_loop3A_126 = arith.index_cast %parallel_loop3A_83 : i32 to index
        %parallel_loop3A_127 = arith.constant 32 : index
        %parallel_loop3A_128 = tpu.vector_load %arg10[%parallel_loop3A_126, %parallel_loop3A_127] {strides = array<i32>} : memref<128x128xf32, #tpu.memory_space<vmem>>, vector<16xf32>,
        %parallel_loop3A_129 = arith.addf %parallel_loop3A_92, %parallel_loop3A_128 : vector<16xf32>
        %parallel_loop3A_130 = arith.constant 2.000000e-01 : f32
        %parallel_loop3A_131 = vector.broadcast %parallel_loop3A_130 : f32 to vector<16xf32>
        %parallel_loop3A_132 = arith.mulf %parallel_loop3A_131, %parallel_loop3A_129 : vector<16xf32>
        %parallel_loop3A_133 = arith.maximumf %parallel_loop3A_129, %parallel_loop3A_132 : vector<16xf32>
        %parallel_loop3A_134 = arith.mulf %get3A_30, %parallel_loop3A_133 : vector<16xf32>
        %parallel_loop3A_135 = arith.index_cast %parallel_loop3A_83 : i32 to index
        %parallel_loop3A_136 = arith.constant 48 : index
        %parallel_loop3A_137 = tpu.vector_load %arg10[%parallel_loop3A_135, %parallel_loop3A_136] {strides = array<i32>} : memref<128x128xf32, #tpu.memory_space<vmem>>, vector<16xf32>,
        %parallel_loop3A_138 = arith.addf %parallel_loop3A_95, %parallel_loop3A_137 : vector<16xf32>
        %parallel_loop3A_139 = arith.constant 2.000000e-01 : f32
        %parallel_loop3A_140 = vector.broadcast %parallel_loop3A_139 : f32 to vector<16xf32>
        %parallel_loop3A_141 = arith.mulf %parallel_loop3A_140, %parallel_loop3A_138 : vector<16xf32>
        %parallel_loop3A_142 = arith.maximumf %parallel_loop3A_138, %parallel_loop3A_141 : vector<16xf32>
        %parallel_loop3A_143 = arith.mulf %get3A_32, %parallel_loop3A_142 : vector<16xf32>
        %parallel_loop3A_144 = arith.index_cast %parallel_loop3A_83 : i32 to index
        %parallel_loop3A_145 = arith.constant 64 : index
        %parallel_loop3A_146 = tpu.vector_load %arg10[%parallel_loop3A_144, %parallel_loop3A_145] {strides = array<i32>} : memref<128x128xf32, #tpu.memory_space<vmem>>, vector<16xf32>,
        %parallel_loop3A_147 = arith.addf %parallel_loop3A_98, %parallel_loop3A_146 : vector<16xf32>
        %parallel_loop3A_148 = arith.constant 2.000000e-01 : f32
        %parallel_loop3A_149 = vector.broadcast %parallel_loop3A_148 : f32 to vector<16xf32>
        %parallel_loop3A_150 = arith.mulf %parallel_loop3A_149, %parallel_loop3A_147 : vector<16xf32>
        %parallel_loop3A_151 = arith.maximumf %parallel_loop3A_147, %parallel_loop3A_150 : vector<16xf32>
        %parallel_loop3A_152 = arith.mulf %get3A_34, %parallel_loop3A_151 : vector<16xf32>
        %parallel_loop3A_153 = arith.index_cast %parallel_loop3A_83 : i32 to index
        %parallel_loop3A_154 = arith.constant 80 : index
        %parallel_loop3A_155 = tpu.vector_load %arg10[%parallel_loop3A_153, %parallel_loop3A_154] {strides = array<i32>} : memref<128x128xf32, #tpu.memory_space<vmem>>, vector<16xf32>,
        %parallel_loop3A_156 = arith.addf %parallel_loop3A_101, %parallel_loop3A_155 : vector<16xf32>
        %parallel_loop3A_157 = arith.constant 2.000000e-01 : f32
        %parallel_loop3A_158 = vector.broadcast %parallel_loop3A_157 : f32 to vector<16xf32>
        %parallel_loop3A_159 = arith.mulf %parallel_loop3A_158, %parallel_loop3A_156 : vector<16xf32>
        %parallel_loop3A_160 = arith.maximumf %parallel_loop3A_156, %parallel_loop3A_159 : vector<16xf32>
        %parallel_loop3A_161 = arith.mulf %get3A_36, %parallel_loop3A_160 : vector<16xf32>
        %parallel_loop3A_162 = arith.index_cast %parallel_loop3A_83 : i32 to index
        %parallel_loop3A_163 = arith.constant 96 : index
        %parallel_loop3A_164 = tpu.vector_load %arg10[%parallel_loop3A_162, %parallel_loop3A_163] {strides = array<i32>} : memref<128x128xf32, #tpu.memory_space<vmem>>, vector<16xf32>,
        %parallel_loop3A_165 = arith.addf %parallel_loop3A_104, %parallel_loop3A_164 : vector<16xf32>
        %parallel_loop3A_166 = arith.constant 2.000000e-01 : f32
        %parallel_loop3A_167 = vector.broadcast %parallel_loop3A_166 : f32 to vector<16xf32>
        %parallel_loop3A_168 = arith.mulf %parallel_loop3A_167, %parallel_loop3A_165 : vector<16xf32>
        %parallel_loop3A_169 = arith.maximumf %parallel_loop3A_165, %parallel_loop3A_168 : vector<16xf32>
        %parallel_loop3A_170 = arith.mulf %get3A_38, %parallel_loop3A_169 : vector<16xf32>
        %parallel_loop3A_171 = arith.index_cast %parallel_loop3A_83 : i32 to index
        %parallel_loop3A_172 = arith.constant 112 : index
        %parallel_loop3A_173 = tpu.vector_load %arg10[%parallel_loop3A_171, %parallel_loop3A_172] {strides = array<i32>} : memref<128x128xf32, #tpu.memory_space<vmem>>, vector<16xf32>,
        %parallel_loop3A_174 = arith.addf %parallel_loop3A_107, %parallel_loop3A_173 : vector<16xf32>
        %parallel_loop3A_175 = arith.constant 2.000000e-01 : f32
        %parallel_loop3A_176 = vector.broadcast %parallel_loop3A_175 : f32 to vector<16xf32>
        %parallel_loop3A_177 = arith.mulf %parallel_loop3A_176, %parallel_loop3A_174 : vector<16xf32>
        %parallel_loop3A_178 = arith.maximumf %parallel_loop3A_174, %parallel_loop3A_177 : vector<16xf32>
        %parallel_loop3A_179 = arith.mulf %get3A_40, %parallel_loop3A_178 : vector<16xf32>
        %parallel_loop3A_180 = arith.addf %parallel_loop3A_116, %parallel_loop3A_125 : vector<16xf32>
        %parallel_loop3A_181 = arith.addf %parallel_loop3A_134, %parallel_loop3A_143 : vector<16xf32>
        %parallel_loop3A_182 = arith.addf %parallel_loop3A_152, %parallel_loop3A_161 : vector<16xf32>
        %parallel_loop3A_183 = arith.addf %parallel_loop3A_170, %parallel_loop3A_179 : vector<16xf32>
        %parallel_loop3A_184 = arith.addf %parallel_loop3A_180, %parallel_loop3A_181 : vector<16xf32>
        %parallel_loop3A_185 = arith.addf %parallel_loop3A_182, %parallel_loop3A_183 : vector<16xf32>
        %parallel_loop3A_186 = arith.addf %parallel_loop3A_184, %parallel_loop3A_185 : vector<16xf32>
        %parallel_loop3A_187 = arith.constant true
        %parallel_loop3A_188 = vector.broadcast %parallel_loop3A_187 : i1 to vector<16xi1>
        %parallel_loop3A_189 = tpu.scan <sum>, %parallel_loop3A_186 masked %parallel_loop3A_188 : vector<16xf32>, vector<16xi1> -> vector<16xf32>
        %parallel_loop3A_190 = vector.extract %parallel_loop3A_189[15] : f32 from vector<16xf32>
        %parallel_loop3A_191 = vector.broadcast %parallel_loop3A_190 : f32 to vector<16xf32>
        %parallel_loop3A_192 = math.exp %parallel_loop3A_191 : vector<16xf32>
        %parallel_loop3A_193 = arith.mulf %parallel_loop3A_192, %parallel_loop3A_86 : vector<16xf32>
        %parallel_loop3A_194 = arith.index_cast %parallel_loop3A_83 : i32 to index
        %parallel_loop3A_195 = arith.constant 0 : index
        %parallel_loop3A_196 = tpu.vector_load %arg9[%parallel_loop3A_194, %parallel_loop3A_195] {strides = array<i32>} : memref<128x144xf32, #tpu.memory_space<vmem>>, vector<16xf32>,
        tpu.vector_store %arg9[%parallel_loop3A_194, %parallel_loop3A_195], %parallel_loop3A_193 {strides = array<i32>} : memref<128x144xf32, #tpu.memory_space<vmem>>, vector<16xf32>,
        %parallel_loop3A_197 = arith.mulf %parallel_loop3A_192, %parallel_loop3A_89 : vector<16xf32>
        %parallel_loop3A_198 = arith.index_cast %parallel_loop3A_83 : i32 to index
        %parallel_loop3A_199 = arith.constant 16 : index
        %parallel_loop3A_200 = tpu.vector_load %arg9[%parallel_loop3A_198, %parallel_loop3A_199] {strides = array<i32>} : memref<128x144xf32, #tpu.memory_space<vmem>>, vector<16xf32>,
        tpu.vector_store %arg9[%parallel_loop3A_198, %parallel_loop3A_199], %parallel_loop3A_197 {strides = array<i32>} : memref<128x144xf32, #tpu.memory_space<vmem>>, vector<16xf32>,
        %parallel_loop3A_201 = arith.mulf %parallel_loop3A_192, %parallel_loop3A_92 : vector<16xf32>
        %parallel_loop3A_202 = arith.index_cast %parallel_loop3A_83 : i32 to index
        %parallel_loop3A_203 = arith.constant 32 : index
        %parallel_loop3A_204 = tpu.vector_load %arg9[%parallel_loop3A_202, %parallel_loop3A_203] {strides = array<i32>} : memref<128x144xf32, #tpu.memory_space<vmem>>, vector<16xf32>,
        tpu.vector_store %arg9[%parallel_loop3A_202, %parallel_loop3A_203], %parallel_loop3A_201 {strides = array<i32>} : memref<128x144xf32, #tpu.memory_space<vmem>>, vector<16xf32>,
        %parallel_loop3A_205 = arith.mulf %parallel_loop3A_192, %parallel_loop3A_95 : vector<16xf32>
        %parallel_loop3A_206 = arith.index_cast %parallel_loop3A_83 : i32 to index
        %parallel_loop3A_207 = arith.constant 48 : index
        %parallel_loop3A_208 = tpu.vector_load %arg9[%parallel_loop3A_206, %parallel_loop3A_207] {strides = array<i32>} : memref<128x144xf32, #tpu.memory_space<vmem>>, vector<16xf32>,
        tpu.vector_store %arg9[%parallel_loop3A_206, %parallel_loop3A_207], %parallel_loop3A_205 {strides = array<i32>} : memref<128x144xf32, #tpu.memory_space<vmem>>, vector<16xf32>,
        %parallel_loop3A_209 = arith.mulf %parallel_loop3A_192, %parallel_loop3A_98 : vector<16xf32>
        %parallel_loop3A_210 = arith.index_cast %parallel_loop3A_83 : i32 to index
        %parallel_loop3A_211 = arith.constant 64 : index
        %parallel_loop3A_212 = tpu.vector_load %arg9[%parallel_loop3A_210, %parallel_loop3A_211] {strides = array<i32>} : memref<128x144xf32, #tpu.memory_space<vmem>>, vector<16xf32>,
        tpu.vector_store %arg9[%parallel_loop3A_210, %parallel_loop3A_211], %parallel_loop3A_209 {strides = array<i32>} : memref<128x144xf32, #tpu.memory_space<vmem>>, vector<16xf32>,
        %parallel_loop3A_213 = arith.mulf %parallel_loop3A_192, %parallel_loop3A_101 : vector<16xf32>
        %parallel_loop3A_214 = arith.index_cast %parallel_loop3A_83 : i32 to index
        %parallel_loop3A_215 = arith.constant 80 : index
        %parallel_loop3A_216 = tpu.vector_load %arg9[%parallel_loop3A_214, %parallel_loop3A_215] {strides = array<i32>} : memref<128x144xf32, #tpu.memory_space<vmem>>, vector<16xf32>,
        tpu.vector_store %arg9[%parallel_loop3A_214, %parallel_loop3A_215], %parallel_loop3A_213 {strides = array<i32>} : memref<128x144xf32, #tpu.memory_space<vmem>>, vector<16xf32>,
        %parallel_loop3A_217 = arith.mulf %parallel_loop3A_192, %parallel_loop3A_104 : vector<16xf32>
        %parallel_loop3A_218 = arith.index_cast %parallel_loop3A_83 : i32 to index
        %parallel_loop3A_219 = arith.constant 96 : index
        %parallel_loop3A_220 = tpu.vector_load %arg9[%parallel_loop3A_218, %parallel_loop3A_219] {strides = array<i32>} : memref<128x144xf32, #tpu.memory_space<vmem>>, vector<16xf32>,
        tpu.vector_store %arg9[%parallel_loop3A_218, %parallel_loop3A_219], %parallel_loop3A_217 {strides = array<i32>} : memref<128x144xf32, #tpu.memory_space<vmem>>, vector<16xf32>,
        %parallel_loop3A_221 = arith.mulf %parallel_loop3A_192, %parallel_loop3A_107 : vector<16xf32>
        %parallel_loop3A_222 = arith.index_cast %parallel_loop3A_83 : i32 to index
        %parallel_loop3A_223 = arith.constant 112 : index
        %parallel_loop3A_224 = tpu.vector_load %arg9[%parallel_loop3A_222, %parallel_loop3A_223] {strides = array<i32>} : memref<128x144xf32, #tpu.memory_space<vmem>>, vector<16xf32>,
        tpu.vector_store %arg9[%parallel_loop3A_222, %parallel_loop3A_223], %parallel_loop3A_221 {strides = array<i32>} : memref<128x144xf32, #tpu.memory_space<vmem>>, vector<16xf32>,
        %parallel_loop3A_225 = arith.mulf %parallel_loop3A_192, %select_n3A : vector<16xf32>
        %parallel_loop3A_226 = arith.index_cast %parallel_loop3A_83 : i32 to index
        %parallel_loop3A_227 = arith.constant 128 : index
        %parallel_loop3A_228 = tpu.vector_load %arg9[%parallel_loop3A_226, %parallel_loop3A_227] {strides = array<i32>} : memref<128x144xf32, #tpu.memory_space<vmem>>, vector<16xf32>,
        tpu.vector_store %arg9[%parallel_loop3A_226, %parallel_loop3A_227], %parallel_loop3A_225 {strides = array<i32>} : memref<128x144xf32, #tpu.memory_space<vmem>>, vector<16xf32>,
      } {sc.loop_unroll_factor = 4 : i64, sc.parallel_access}
      %run_scoped3A = arith.constant 1 : i32
      "tpu.region"() ({
        %run_scoped3A_83 = tpu.sem_alloc : memref<!tpu.dma_semaphore, #tpu.memory_space<semaphore_mem>>
        %dma_start3A_84 = arith.constant 0 : i32
        %dma_start3A_85 = tpu.memref_slice %arg7[%run_scoped3A, %dma_start3A_84] : memref<2x128xi32, #tpu.memory_space<vmem>> -> memref<1x128xi32, #tpu.memory_space<vmem>>
        %dma_start3A_86 = tpu.memref_squeeze %dma_start3A_85 : memref<1x128xi32, #tpu.memory_space<vmem>> -> memref<128xi32, #tpu.memory_space<vmem>>
        %dma_start3A_87 = arith.constant 0 : i32
        %dma_start3A_88 = arith.constant 0 : i32
        %dma_start3A_89 = tpu.memref_slice %arg11[%dma_start3A_87, %dma_start3A_88] : memref<10240x144xf32, #tpu.memory_space<vmem_shared>> -> memref<10240x144xf32, #tpu.memory_space<vmem_shared>>
        tpu.enqueue_indirect_dma source(%arg9 : memref<128x144xf32, #tpu.memory_space<vmem>>) target(%dma_start3A_89 : memref<10240x144xf32, #tpu.memory_space<vmem_shared>>) offsets(%dma_start3A_86 : memref<128xi32, #tpu.memory_space<vmem>>) semaphore(%run_scoped3A_83 : memref<!tpu.dma_semaphore, #tpu.memory_space<semaphore_mem>>) {add = true}
        %dma_wait3A_90 = arith.constant 0 : i32
        %dma_wait3A_91 = tpu.memref_slice %arg7[%run_scoped3A, %dma_wait3A_90] : memref<2x128xi32, #tpu.memory_space<vmem>> -> memref<1x128xi32, #tpu.memory_space<vmem>>
        %dma_wait3A_92 = tpu.memref_squeeze %dma_wait3A_91 : memref<1x128xi32, #tpu.memory_space<vmem>> -> memref<128xi32, #tpu.memory_space<vmem>>
        %dma_wait3A_93 = arith.constant 0 : i32
        %dma_wait3A_94 = arith.constant 0 : i32
        %dma_wait3A_95 = tpu.memref_slice %arg11[%dma_wait3A_93, %dma_wait3A_94] : memref<10240x144xf32, #tpu.memory_space<vmem_shared>> -> memref<10240x144xf32, #tpu.memory_space<vmem_shared>>
        tpu.wait_indirect_dma semaphore(%run_scoped3A_83 : memref<!tpu.dma_semaphore, #tpu.memory_space<semaphore_mem>>) src(%arg9 : memref<128x144xf32, #tpu.memory_space<vmem>>) dst(%dma_wait3A_95 : memref<10240x144xf32, #tpu.memory_space<vmem_shared>>)
        tpu.yield
      }) : () -> ()
    }
    %scan3A_50 = arith.constant 81 : i32
    %barrier3A_51 = arith.constant 0 : index
    tpu.barrier barrier_id(%barrier3A_51)
    %mul3A_52 = arith.constant 640 : i32
    %mul3A_53 = arith.muli %arg1, %mul3A_52 : i32
    "tpu.region"() ({
      %run_scoped3A = tpu.sem_alloc : memref<!tpu.dma_semaphore, #tpu.memory_space<semaphore_mem>>
      %dma_start3A = arith.constant 0 : i32
      %dma_start3A_54 = arith.constant 0 : i32
      %dma_start3A_55 = tpu.memref_slice %arg6[%arg0, %arg1, %dma_start3A, %dma_start3A_54] : memref<2x16x640x144xf32, #tpu.memory_space<hbm>> -> memref<1x1x640x144xf32, #tpu.memory_space<hbm>>
      %dma_start3A_56 = tpu.memref_squeeze %dma_start3A_55 : memref<1x1x640x144xf32, #tpu.memory_space<hbm>> -> memref<640x144xf32, #tpu.memory_space<hbm>>
      %dma_start3A_57 = arith.constant 0 : i32
      %dma_start3A_58 = tpu.memref_slice %arg11[%mul3A_53, %dma_start3A_57] : memref<10240x144xf32, #tpu.memory_space<vmem_shared>> -> memref<640x144xf32, #tpu.memory_space<vmem_shared>>
      tpu.enqueue_dma source(%dma_start3A_58 : memref<640x144xf32, #tpu.memory_space<vmem_shared>>) target(%dma_start3A_56 : memref<640x144xf32, #tpu.memory_space<hbm>>) target_semaphore(%run_scoped3A : memref<!tpu.dma_semaphore, #tpu.memory_space<semaphore_mem>>)
      %dma_wait3A = arith.constant 0 : i32
      %dma_wait3A_59 = arith.constant 0 : i32
      %dma_wait3A_60 = tpu.memref_slice %arg6[%arg0, %arg1, %dma_wait3A, %dma_wait3A_59] : memref<2x16x640x144xf32, #tpu.memory_space<hbm>> -> memref<1x1x640x144xf32, #tpu.memory_space<hbm>>
      %dma_wait3A_61 = tpu.memref_squeeze %dma_wait3A_60 : memref<1x1x640x144xf32, #tpu.memory_space<hbm>> -> memref<640x144xf32, #tpu.memory_space<hbm>>
      %dma_wait3A_62 = arith.constant 0 : i32
      %dma_wait3A_63 = tpu.memref_slice %arg11[%mul3A_53, %dma_wait3A_62] : memref<10240x144xf32, #tpu.memory_space<vmem_shared>> -> memref<640x144xf32, #tpu.memory_space<vmem_shared>>
      tpu.wait_dma2 semaphore(%run_scoped3A : memref<!tpu.dma_semaphore, #tpu.memory_space<semaphore_mem>>) src(%dma_wait3A_63 : memref<640x144xf32, #tpu.memory_space<vmem_shared>>) dst(%dma_wait3A_61 : memref<640x144xf32, #tpu.memory_space<hbm>>)
      tpu.yield
    }) : () -> ()
    return
  }
}

#map = affine_map<(d0, d1) -> (0, 0)>
#map1 = affine_map<(d0, d1) -> (0)>
#map2 = affine_map<(d0, d1) -> (0, 0, 0, 0)>
module attributes {stable_mosaic.version = 14 : i64} {
  func.func @_sc_edge_body(%arg0: i32, %arg1: i32, %arg2: memref<10240x144xf32, #tpu.memory_space<hbm>>, %arg3: memref<10240x128xf32, #tpu.memory_space<hbm>>, %arg4: memref<128xf32, #tpu.memory_space<hbm>>, %arg5: memref<32x81x2x128xi32, #tpu.memory_space<hbm>>, %arg6: memref<2x16x640x144xf32, #tpu.memory_space<hbm>>, %arg7: memref<2x128xi32, #tpu.memory_space<vmem>>, %arg8: memref<128xf32, #tpu.memory_space<vmem>>, %arg9: memref<128x144xf32, #tpu.memory_space<vmem>>, %arg10: memref<128x128xf32, #tpu.memory_space<vmem>>, %arg11: memref<10240x144xf32, #tpu.memory_space<vmem_shared>>, %arg12: memref<!tpu.dma_semaphore, #tpu.memory_space<semaphore_mem>>, %arg13: memref<!tpu.dma_semaphore, #tpu.memory_space<semaphore_mem>>) attributes {dimension_semantics = [#tpu.dimension_semantics<core_parallel>, #tpu.dimension_semantics<subcore_parallel>], iteration_bounds = array<i64: 2, 16>, scalar_prefetch = 0 : i64, scratch_operands = 7 : i64, tpu.core_type = #tpu.core_type<sc_vector_subcore>, window_params = [{transform_indices = #map}, {transform_indices = #map}, {transform_indices = #map1}, {transform_indices = #map2}, {transform_indices = #map2}]} {
    %mul3A = arith.constant 16 : i32
    %mul3A_0 = arith.muli %arg0, %mul3A : i32
    %add3A = arith.addi %mul3A_0, %arg1 : i32
    %scan3A = arith.constant 0 : i32
    %scan3A_1 = arith.constant 0 : i32
    %scan3A_2 = arith.constant 128 : i32
    %scan3A_3 = arith.addi %scan3A_1, %scan3A_2 : i32
    %scan3A_4 = arith.constant 1 : i32
    scf.for %scan3A_54 = %scan3A_1 to %scan3A_3 step %scan3A_4  : i32 {
      %broadcast_in_dim3A_55 = arith.constant 0.000000e+00 : f32
      %broadcast_in_dim3A_56 = vector.broadcast %broadcast_in_dim3A_55 : f32 to vector<16xf32>
      %swap3A = arith.index_cast %scan3A_54 : i32 to index
      %swap3A_57 = arith.constant 0 : index
      %swap3A_58 = tpu.vector_load %arg9[%swap3A, %swap3A_57] {strides = array<i32>} : memref<128x144xf32, #tpu.memory_space<vmem>>, vector<16xf32>,
      tpu.vector_store %arg9[%swap3A, %swap3A_57], %broadcast_in_dim3A_56 {strides = array<i32>} : memref<128x144xf32, #tpu.memory_space<vmem>>, vector<16xf32>,
      %broadcast_in_dim3A_59 = arith.constant 0.000000e+00 : f32
      %broadcast_in_dim3A_60 = vector.broadcast %broadcast_in_dim3A_59 : f32 to vector<16xf32>
      %swap3A_61 = arith.index_cast %scan3A_54 : i32 to index
      %swap3A_62 = arith.constant 16 : index
      %swap3A_63 = tpu.vector_load %arg9[%swap3A_61, %swap3A_62] {strides = array<i32>} : memref<128x144xf32, #tpu.memory_space<vmem>>, vector<16xf32>,
      tpu.vector_store %arg9[%swap3A_61, %swap3A_62], %broadcast_in_dim3A_60 {strides = array<i32>} : memref<128x144xf32, #tpu.memory_space<vmem>>, vector<16xf32>,
      %broadcast_in_dim3A_64 = arith.constant 0.000000e+00 : f32
      %broadcast_in_dim3A_65 = vector.broadcast %broadcast_in_dim3A_64 : f32 to vector<16xf32>
      %swap3A_66 = arith.index_cast %scan3A_54 : i32 to index
      %swap3A_67 = arith.constant 32 : index
      %swap3A_68 = tpu.vector_load %arg9[%swap3A_66, %swap3A_67] {strides = array<i32>} : memref<128x144xf32, #tpu.memory_space<vmem>>, vector<16xf32>,
      tpu.vector_store %arg9[%swap3A_66, %swap3A_67], %broadcast_in_dim3A_65 {strides = array<i32>} : memref<128x144xf32, #tpu.memory_space<vmem>>, vector<16xf32>,
      %broadcast_in_dim3A_69 = arith.constant 0.000000e+00 : f32
      %broadcast_in_dim3A_70 = vector.broadcast %broadcast_in_dim3A_69 : f32 to vector<16xf32>
      %swap3A_71 = arith.index_cast %scan3A_54 : i32 to index
      %swap3A_72 = arith.constant 48 : index
      %swap3A_73 = tpu.vector_load %arg9[%swap3A_71, %swap3A_72] {strides = array<i32>} : memref<128x144xf32, #tpu.memory_space<vmem>>, vector<16xf32>,
      tpu.vector_store %arg9[%swap3A_71, %swap3A_72], %broadcast_in_dim3A_70 {strides = array<i32>} : memref<128x144xf32, #tpu.memory_space<vmem>>, vector<16xf32>,
      %broadcast_in_dim3A_74 = arith.constant 0.000000e+00 : f32
      %broadcast_in_dim3A_75 = vector.broadcast %broadcast_in_dim3A_74 : f32 to vector<16xf32>
      %swap3A_76 = arith.index_cast %scan3A_54 : i32 to index
      %swap3A_77 = arith.constant 64 : index
      %swap3A_78 = tpu.vector_load %arg9[%swap3A_76, %swap3A_77] {strides = array<i32>} : memref<128x144xf32, #tpu.memory_space<vmem>>, vector<16xf32>,
      tpu.vector_store %arg9[%swap3A_76, %swap3A_77], %broadcast_in_dim3A_75 {strides = array<i32>} : memref<128x144xf32, #tpu.memory_space<vmem>>, vector<16xf32>,
      %broadcast_in_dim3A_79 = arith.constant 0.000000e+00 : f32
      %broadcast_in_dim3A_80 = vector.broadcast %broadcast_in_dim3A_79 : f32 to vector<16xf32>
      %swap3A_81 = arith.index_cast %scan3A_54 : i32 to index
      %swap3A_82 = arith.constant 80 : index
      %swap3A_83 = tpu.vector_load %arg9[%swap3A_81, %swap3A_82] {strides = array<i32>} : memref<128x144xf32, #tpu.memory_space<vmem>>, vector<16xf32>,
      tpu.vector_store %arg9[%swap3A_81, %swap3A_82], %broadcast_in_dim3A_80 {strides = array<i32>} : memref<128x144xf32, #tpu.memory_space<vmem>>, vector<16xf32>,
      %broadcast_in_dim3A_84 = arith.constant 0.000000e+00 : f32
      %broadcast_in_dim3A_85 = vector.broadcast %broadcast_in_dim3A_84 : f32 to vector<16xf32>
      %swap3A_86 = arith.index_cast %scan3A_54 : i32 to index
      %swap3A_87 = arith.constant 96 : index
      %swap3A_88 = tpu.vector_load %arg9[%swap3A_86, %swap3A_87] {strides = array<i32>} : memref<128x144xf32, #tpu.memory_space<vmem>>, vector<16xf32>,
      tpu.vector_store %arg9[%swap3A_86, %swap3A_87], %broadcast_in_dim3A_85 {strides = array<i32>} : memref<128x144xf32, #tpu.memory_space<vmem>>, vector<16xf32>,
      %broadcast_in_dim3A_89 = arith.constant 0.000000e+00 : f32
      %broadcast_in_dim3A_90 = vector.broadcast %broadcast_in_dim3A_89 : f32 to vector<16xf32>
      %swap3A_91 = arith.index_cast %scan3A_54 : i32 to index
      %swap3A_92 = arith.constant 112 : index
      %swap3A_93 = tpu.vector_load %arg9[%swap3A_91, %swap3A_92] {strides = array<i32>} : memref<128x144xf32, #tpu.memory_space<vmem>>, vector<16xf32>,
      tpu.vector_store %arg9[%swap3A_91, %swap3A_92], %broadcast_in_dim3A_90 {strides = array<i32>} : memref<128x144xf32, #tpu.memory_space<vmem>>, vector<16xf32>,
      %broadcast_in_dim3A_94 = arith.constant 0.000000e+00 : f32
      %broadcast_in_dim3A_95 = vector.broadcast %broadcast_in_dim3A_94 : f32 to vector<16xf32>
      %swap3A_96 = arith.index_cast %scan3A_54 : i32 to index
      %swap3A_97 = arith.constant 128 : index
      %swap3A_98 = tpu.vector_load %arg9[%swap3A_96, %swap3A_97] {strides = array<i32>} : memref<128x144xf32, #tpu.memory_space<vmem>>, vector<16xf32>,
      tpu.vector_store %arg9[%swap3A_96, %swap3A_97], %broadcast_in_dim3A_95 {strides = array<i32>} : memref<128x144xf32, #tpu.memory_space<vmem>>, vector<16xf32>,
    }
    %scan3A_5 = arith.constant 128 : i32
    %mul3A_6 = arith.constant 640 : i32
    %mul3A_7 = arith.muli %arg1, %mul3A_6 : i32
    %add3A_8 = arith.constant 0 : i32
    %add3A_9 = arith.addi %mul3A_7, %add3A_8 : i32
    "tpu.region"() ({
      %run_scoped3A = tpu.sem_alloc : memref<!tpu.dma_semaphore, #tpu.memory_space<semaphore_mem>>
      %dma_start3A = arith.constant 0 : i32
      %dma_start3A_54 = tpu.memref_slice %arg11[%add3A_9, %dma_start3A] : memref<10240x144xf32, #tpu.memory_space<vmem_shared>> -> memref<128x144xf32, #tpu.memory_space<vmem_shared>>
      %dma_start3A_55 = arith.constant 0 : i32
      %dma_start3A_56 = tpu.memref_slice %arg11[%add3A_9, %dma_start3A_55] : memref<10240x144xf32, #tpu.memory_space<vmem_shared>> -> memref<128x144xf32, #tpu.memory_space<vmem_shared>>
      tpu.enqueue_dma source(%arg9 : memref<128x144xf32, #tpu.memory_space<vmem>>) target(%dma_start3A_56 : memref<128x144xf32, #tpu.memory_space<vmem_shared>>) target_semaphore(%run_scoped3A : memref<!tpu.dma_semaphore, #tpu.memory_space<semaphore_mem>>)
      %dma_wait3A = arith.constant 0 : i32
      %dma_wait3A_57 = tpu.memref_slice %arg11[%add3A_9, %dma_wait3A] : memref<10240x144xf32, #tpu.memory_space<vmem_shared>> -> memref<128x144xf32, #tpu.memory_space<vmem_shared>>
      %dma_wait3A_58 = arith.constant 0 : i32
      %dma_wait3A_59 = tpu.memref_slice %arg11[%add3A_9, %dma_wait3A_58] : memref<10240x144xf32, #tpu.memory_space<vmem_shared>> -> memref<128x144xf32, #tpu.memory_space<vmem_shared>>
      tpu.wait_dma2 semaphore(%run_scoped3A : memref<!tpu.dma_semaphore, #tpu.memory_space<semaphore_mem>>) src(%arg9 : memref<128x144xf32, #tpu.memory_space<vmem>>) dst(%dma_wait3A_59 : memref<128x144xf32, #tpu.memory_space<vmem_shared>>)
      tpu.yield
    }) : () -> ()
    %mul3A_10 = arith.constant 640 : i32
    %mul3A_11 = arith.muli %arg1, %mul3A_10 : i32
    %add3A_12 = arith.constant 128 : i32
    %add3A_13 = arith.addi %mul3A_11, %add3A_12 : i32
    "tpu.region"() ({
      %run_scoped3A = tpu.sem_alloc : memref<!tpu.dma_semaphore, #tpu.memory_space<semaphore_mem>>
      %dma_start3A = arith.constant 0 : i32
      %dma_start3A_54 = tpu.memref_slice %arg11[%add3A_13, %dma_start3A] : memref<10240x144xf32, #tpu.memory_space<vmem_shared>> -> memref<128x144xf32, #tpu.memory_space<vmem_shared>>
      %dma_start3A_55 = arith.constant 0 : i32
      %dma_start3A_56 = tpu.memref_slice %arg11[%add3A_13, %dma_start3A_55] : memref<10240x144xf32, #tpu.memory_space<vmem_shared>> -> memref<128x144xf32, #tpu.memory_space<vmem_shared>>
      tpu.enqueue_dma source(%arg9 : memref<128x144xf32, #tpu.memory_space<vmem>>) target(%dma_start3A_56 : memref<128x144xf32, #tpu.memory_space<vmem_shared>>) target_semaphore(%run_scoped3A : memref<!tpu.dma_semaphore, #tpu.memory_space<semaphore_mem>>)
      %dma_wait3A = arith.constant 0 : i32
      %dma_wait3A_57 = tpu.memref_slice %arg11[%add3A_13, %dma_wait3A] : memref<10240x144xf32, #tpu.memory_space<vmem_shared>> -> memref<128x144xf32, #tpu.memory_space<vmem_shared>>
      %dma_wait3A_58 = arith.constant 0 : i32
      %dma_wait3A_59 = tpu.memref_slice %arg11[%add3A_13, %dma_wait3A_58] : memref<10240x144xf32, #tpu.memory_space<vmem_shared>> -> memref<128x144xf32, #tpu.memory_space<vmem_shared>>
      tpu.wait_dma2 semaphore(%run_scoped3A : memref<!tpu.dma_semaphore, #tpu.memory_space<semaphore_mem>>) src(%arg9 : memref<128x144xf32, #tpu.memory_space<vmem>>) dst(%dma_wait3A_59 : memref<128x144xf32, #tpu.memory_space<vmem_shared>>)
      tpu.yield
    }) : () -> ()
    %mul3A_14 = arith.constant 640 : i32
    %mul3A_15 = arith.muli %arg1, %mul3A_14 : i32
    %add3A_16 = arith.constant 256 : i32
    %add3A_17 = arith.addi %mul3A_15, %add3A_16 : i32
    "tpu.region"() ({
      %run_scoped3A = tpu.sem_alloc : memref<!tpu.dma_semaphore, #tpu.memory_space<semaphore_mem>>
      %dma_start3A = arith.constant 0 : i32
      %dma_start3A_54 = tpu.memref_slice %arg11[%add3A_17, %dma_start3A] : memref<10240x144xf32, #tpu.memory_space<vmem_shared>> -> memref<128x144xf32, #tpu.memory_space<vmem_shared>>
      %dma_start3A_55 = arith.constant 0 : i32
      %dma_start3A_56 = tpu.memref_slice %arg11[%add3A_17, %dma_start3A_55] : memref<10240x144xf32, #tpu.memory_space<vmem_shared>> -> memref<128x144xf32, #tpu.memory_space<vmem_shared>>
      tpu.enqueue_dma source(%arg9 : memref<128x144xf32, #tpu.memory_space<vmem>>) target(%dma_start3A_56 : memref<128x144xf32, #tpu.memory_space<vmem_shared>>) target_semaphore(%run_scoped3A : memref<!tpu.dma_semaphore, #tpu.memory_space<semaphore_mem>>)
      %dma_wait3A = arith.constant 0 : i32
      %dma_wait3A_57 = tpu.memref_slice %arg11[%add3A_17, %dma_wait3A] : memref<10240x144xf32, #tpu.memory_space<vmem_shared>> -> memref<128x144xf32, #tpu.memory_space<vmem_shared>>
      %dma_wait3A_58 = arith.constant 0 : i32
      %dma_wait3A_59 = tpu.memref_slice %arg11[%add3A_17, %dma_wait3A_58] : memref<10240x144xf32, #tpu.memory_space<vmem_shared>> -> memref<128x144xf32, #tpu.memory_space<vmem_shared>>
      tpu.wait_dma2 semaphore(%run_scoped3A : memref<!tpu.dma_semaphore, #tpu.memory_space<semaphore_mem>>) src(%arg9 : memref<128x144xf32, #tpu.memory_space<vmem>>) dst(%dma_wait3A_59 : memref<128x144xf32, #tpu.memory_space<vmem_shared>>)
      tpu.yield
    }) : () -> ()
    %mul3A_18 = arith.constant 640 : i32
    %mul3A_19 = arith.muli %arg1, %mul3A_18 : i32
    %add3A_20 = arith.constant 384 : i32
    %add3A_21 = arith.addi %mul3A_19, %add3A_20 : i32
    "tpu.region"() ({
      %run_scoped3A = tpu.sem_alloc : memref<!tpu.dma_semaphore, #tpu.memory_space<semaphore_mem>>
      %dma_start3A = arith.constant 0 : i32
      %dma_start3A_54 = tpu.memref_slice %arg11[%add3A_21, %dma_start3A] : memref<10240x144xf32, #tpu.memory_space<vmem_shared>> -> memref<128x144xf32, #tpu.memory_space<vmem_shared>>
      %dma_start3A_55 = arith.constant 0 : i32
      %dma_start3A_56 = tpu.memref_slice %arg11[%add3A_21, %dma_start3A_55] : memref<10240x144xf32, #tpu.memory_space<vmem_shared>> -> memref<128x144xf32, #tpu.memory_space<vmem_shared>>
      tpu.enqueue_dma source(%arg9 : memref<128x144xf32, #tpu.memory_space<vmem>>) target(%dma_start3A_56 : memref<128x144xf32, #tpu.memory_space<vmem_shared>>) target_semaphore(%run_scoped3A : memref<!tpu.dma_semaphore, #tpu.memory_space<semaphore_mem>>)
      %dma_wait3A = arith.constant 0 : i32
      %dma_wait3A_57 = tpu.memref_slice %arg11[%add3A_21, %dma_wait3A] : memref<10240x144xf32, #tpu.memory_space<vmem_shared>> -> memref<128x144xf32, #tpu.memory_space<vmem_shared>>
      %dma_wait3A_58 = arith.constant 0 : i32
      %dma_wait3A_59 = tpu.memref_slice %arg11[%add3A_21, %dma_wait3A_58] : memref<10240x144xf32, #tpu.memory_space<vmem_shared>> -> memref<128x144xf32, #tpu.memory_space<vmem_shared>>
      tpu.wait_dma2 semaphore(%run_scoped3A : memref<!tpu.dma_semaphore, #tpu.memory_space<semaphore_mem>>) src(%arg9 : memref<128x144xf32, #tpu.memory_space<vmem>>) dst(%dma_wait3A_59 : memref<128x144xf32, #tpu.memory_space<vmem_shared>>)
      tpu.yield
    }) : () -> ()
    %mul3A_22 = arith.constant 640 : i32
    %mul3A_23 = arith.muli %arg1, %mul3A_22 : i32
    %add3A_24 = arith.constant 512 : i32
    %add3A_25 = arith.addi %mul3A_23, %add3A_24 : i32
    "tpu.region"() ({
      %run_scoped3A = tpu.sem_alloc : memref<!tpu.dma_semaphore, #tpu.memory_space<semaphore_mem>>
      %dma_start3A = arith.constant 0 : i32
      %dma_start3A_54 = tpu.memref_slice %arg11[%add3A_25, %dma_start3A] : memref<10240x144xf32, #tpu.memory_space<vmem_shared>> -> memref<128x144xf32, #tpu.memory_space<vmem_shared>>
      %dma_start3A_55 = arith.constant 0 : i32
      %dma_start3A_56 = tpu.memref_slice %arg11[%add3A_25, %dma_start3A_55] : memref<10240x144xf32, #tpu.memory_space<vmem_shared>> -> memref<128x144xf32, #tpu.memory_space<vmem_shared>>
      tpu.enqueue_dma source(%arg9 : memref<128x144xf32, #tpu.memory_space<vmem>>) target(%dma_start3A_56 : memref<128x144xf32, #tpu.memory_space<vmem_shared>>) target_semaphore(%run_scoped3A : memref<!tpu.dma_semaphore, #tpu.memory_space<semaphore_mem>>)
      %dma_wait3A = arith.constant 0 : i32
      %dma_wait3A_57 = tpu.memref_slice %arg11[%add3A_25, %dma_wait3A] : memref<10240x144xf32, #tpu.memory_space<vmem_shared>> -> memref<128x144xf32, #tpu.memory_space<vmem_shared>>
      %dma_wait3A_58 = arith.constant 0 : i32
      %dma_wait3A_59 = tpu.memref_slice %arg11[%add3A_25, %dma_wait3A_58] : memref<10240x144xf32, #tpu.memory_space<vmem_shared>> -> memref<128x144xf32, #tpu.memory_space<vmem_shared>>
      tpu.wait_dma2 semaphore(%run_scoped3A : memref<!tpu.dma_semaphore, #tpu.memory_space<semaphore_mem>>) src(%arg9 : memref<128x144xf32, #tpu.memory_space<vmem>>) dst(%dma_wait3A_59 : memref<128x144xf32, #tpu.memory_space<vmem_shared>>)
      tpu.yield
    }) : () -> ()
    "tpu.region"() ({
      %run_scoped3A = tpu.sem_alloc : memref<!tpu.dma_semaphore, #tpu.memory_space<semaphore_mem>>
      tpu.enqueue_dma source(%arg4 : memref<128xf32, #tpu.memory_space<hbm>>) target(%arg8 : memref<128xf32, #tpu.memory_space<vmem>>) target_semaphore(%run_scoped3A : memref<!tpu.dma_semaphore, #tpu.memory_space<semaphore_mem>>)
      tpu.wait_dma2 semaphore(%run_scoped3A : memref<!tpu.dma_semaphore, #tpu.memory_space<semaphore_mem>>) src(%arg4 : memref<128xf32, #tpu.memory_space<hbm>>) dst(%arg8 : memref<128xf32, #tpu.memory_space<vmem>>)
      tpu.yield
    }) : () -> ()
    %get3A = arith.constant 0 : index
    %get3A_26 = tpu.vector_load %arg8[%get3A] {strides = array<i32>} : memref<128xf32, #tpu.memory_space<vmem>>, vector<16xf32>,
    %get3A_27 = arith.constant 16 : index
    %get3A_28 = tpu.vector_load %arg8[%get3A_27] {strides = array<i32>} : memref<128xf32, #tpu.memory_space<vmem>>, vector<16xf32>,
    %get3A_29 = arith.constant 32 : index
    %get3A_30 = tpu.vector_load %arg8[%get3A_29] {strides = array<i32>} : memref<128xf32, #tpu.memory_space<vmem>>, vector<16xf32>,
    %get3A_31 = arith.constant 48 : index
    %get3A_32 = tpu.vector_load %arg8[%get3A_31] {strides = array<i32>} : memref<128xf32, #tpu.memory_space<vmem>>, vector<16xf32>,
    %get3A_33 = arith.constant 64 : index
    %get3A_34 = tpu.vector_load %arg8[%get3A_33] {strides = array<i32>} : memref<128xf32, #tpu.memory_space<vmem>>, vector<16xf32>,
    %get3A_35 = arith.constant 80 : index
    %get3A_36 = tpu.vector_load %arg8[%get3A_35] {strides = array<i32>} : memref<128xf32, #tpu.memory_space<vmem>>, vector<16xf32>,
    %get3A_37 = arith.constant 96 : index
    %get3A_38 = tpu.vector_load %arg8[%get3A_37] {strides = array<i32>} : memref<128xf32, #tpu.memory_space<vmem>>, vector<16xf32>,
    %get3A_39 = arith.constant 112 : index
    %get3A_40 = tpu.vector_load %arg8[%get3A_39] {strides = array<i32>} : memref<128xf32, #tpu.memory_space<vmem>>, vector<16xf32>,
    %iota3A = tpu.iota {dimensions = array<i32: 0>} : vector<16xi32>
    %eq3A = arith.constant 0 : i32
    %eq3A_41 = vector.broadcast %eq3A : i32 to vector<16xi32>
    %eq3A_42 = arith.cmpi eq, %iota3A, %eq3A_41 : vector<16xi32>
    %jit3A = arith.constant 1.000000e+00 : f32
    %jit3A_43 = arith.constant 0.000000e+00 : f32
    %broadcast_in_dim3A = vector.broadcast %jit3A : f32 to vector<16xf32>
    %broadcast_in_dim3A_44 = vector.broadcast %jit3A_43 : f32 to vector<16xf32>
    %select_n3A = arith.select %eq3A_42, %broadcast_in_dim3A, %broadcast_in_dim3A_44 : vector<16xi1>, vector<16xf32>
    %barrier3A = arith.constant 0 : index
    tpu.barrier barrier_id(%barrier3A)
    %scan3A_45 = arith.constant 0 : i32
    %scan3A_46 = arith.constant 0 : i32
    %scan3A_47 = arith.constant 81 : i32
    %scan3A_48 = arith.addi %scan3A_46, %scan3A_47 : i32
    %scan3A_49 = arith.constant 1 : i32
    scf.for %scan3A_54 = %scan3A_46 to %scan3A_48 step %scan3A_49  : i32 {
      "tpu.region"() ({
        %run_scoped3A_83 = tpu.sem_alloc : memref<!tpu.dma_semaphore, #tpu.memory_space<semaphore_mem>>
        %dma_start3A_84 = arith.constant 0 : i32
        %dma_start3A_85 = arith.constant 0 : i32
        %dma_start3A_86 = tpu.memref_slice %arg5[%add3A, %scan3A_54, %dma_start3A_84, %dma_start3A_85] : memref<32x81x2x128xi32, #tpu.memory_space<hbm>> -> memref<1x1x2x128xi32, #tpu.memory_space<hbm>>
        %dma_start3A_87 = tpu.memref_squeeze %dma_start3A_86 : memref<1x1x2x128xi32, #tpu.memory_space<hbm>> -> memref<2x128xi32, #tpu.memory_space<hbm>>
        %dma_start3A_88 = arith.constant 0 : i32
        %dma_start3A_89 = arith.constant 0 : i32
        %dma_start3A_90 = tpu.memref_slice %arg5[%add3A, %scan3A_54, %dma_start3A_88, %dma_start3A_89] : memref<32x81x2x128xi32, #tpu.memory_space<hbm>> -> memref<1x1x2x128xi32, #tpu.memory_space<hbm>>
        %dma_start3A_91 = tpu.memref_squeeze %dma_start3A_90 : memref<1x1x2x128xi32, #tpu.memory_space<hbm>> -> memref<2x128xi32, #tpu.memory_space<hbm>>
        tpu.enqueue_dma source(%dma_start3A_91 : memref<2x128xi32, #tpu.memory_space<hbm>>) target(%arg7 : memref<2x128xi32, #tpu.memory_space<vmem>>) target_semaphore(%run_scoped3A_83 : memref<!tpu.dma_semaphore, #tpu.memory_space<semaphore_mem>>)
        %dma_wait3A_92 = arith.constant 0 : i32
        %dma_wait3A_93 = arith.constant 0 : i32
        %dma_wait3A_94 = tpu.memref_slice %arg5[%add3A, %scan3A_54, %dma_wait3A_92, %dma_wait3A_93] : memref<32x81x2x128xi32, #tpu.memory_space<hbm>> -> memref<1x1x2x128xi32, #tpu.memory_space<hbm>>
        %dma_wait3A_95 = tpu.memref_squeeze %dma_wait3A_94 : memref<1x1x2x128xi32, #tpu.memory_space<hbm>> -> memref<2x128xi32, #tpu.memory_space<hbm>>
        %dma_wait3A_96 = arith.constant 0 : i32
        %dma_wait3A_97 = arith.constant 0 : i32
        %dma_wait3A_98 = tpu.memref_slice %arg5[%add3A, %scan3A_54, %dma_wait3A_96, %dma_wait3A_97] : memref<32x81x2x128xi32, #tpu.memory_space<hbm>> -> memref<1x1x2x128xi32, #tpu.memory_space<hbm>>
        %dma_wait3A_99 = tpu.memref_squeeze %dma_wait3A_98 : memref<1x1x2x128xi32, #tpu.memory_space<hbm>> -> memref<2x128xi32, #tpu.memory_space<hbm>>
        tpu.wait_dma2 semaphore(%run_scoped3A_83 : memref<!tpu.dma_semaphore, #tpu.memory_space<semaphore_mem>>) src(%dma_wait3A_99 : memref<2x128xi32, #tpu.memory_space<hbm>>) dst(%arg7 : memref<2x128xi32, #tpu.memory_space<vmem>>)
        tpu.yield
      }) : () -> ()
      %dma_start3A = arith.constant 0 : i32
      %dma_start3A_55 = arith.constant 0 : i32
      %dma_start3A_56 = tpu.memref_slice %arg7[%dma_start3A, %dma_start3A_55] : memref<2x128xi32, #tpu.memory_space<vmem>> -> memref<1x128xi32, #tpu.memory_space<vmem>>
      %dma_start3A_57 = tpu.memref_squeeze %dma_start3A_56 : memref<1x128xi32, #tpu.memory_space<vmem>> -> memref<128xi32, #tpu.memory_space<vmem>>
      %dma_start3A_58 = arith.constant 0 : i32
      %dma_start3A_59 = arith.constant 0 : i32
      %dma_start3A_60 = tpu.memref_slice %arg2[%dma_start3A_58, %dma_start3A_59] : memref<10240x144xf32, #tpu.memory_space<hbm>> -> memref<10240x144xf32, #tpu.memory_space<hbm>>
      tpu.enqueue_indirect_dma source(%dma_start3A_60 : memref<10240x144xf32, #tpu.memory_space<hbm>>) target(%arg9 : memref<128x144xf32, #tpu.memory_space<vmem>>) offsets(%dma_start3A_57 : memref<128xi32, #tpu.memory_space<vmem>>) semaphore(%arg12 : memref<!tpu.dma_semaphore, #tpu.memory_space<semaphore_mem>>)
      %dma_start3A_61 = arith.constant 1 : i32
      %dma_start3A_62 = arith.constant 0 : i32
      %dma_start3A_63 = tpu.memref_slice %arg7[%dma_start3A_61, %dma_start3A_62] : memref<2x128xi32, #tpu.memory_space<vmem>> -> memref<1x128xi32, #tpu.memory_space<vmem>>
      %dma_start3A_64 = tpu.memref_squeeze %dma_start3A_63 : memref<1x128xi32, #tpu.memory_space<vmem>> -> memref<128xi32, #tpu.memory_space<vmem>>
      %dma_start3A_65 = arith.constant 0 : i32
      %dma_start3A_66 = arith.constant 0 : i32
      %dma_start3A_67 = tpu.memref_slice %arg3[%dma_start3A_65, %dma_start3A_66] : memref<10240x128xf32, #tpu.memory_space<hbm>> -> memref<10240x128xf32, #tpu.memory_space<hbm>>
      tpu.enqueue_indirect_dma source(%dma_start3A_67 : memref<10240x128xf32, #tpu.memory_space<hbm>>) target(%arg10 : memref<128x128xf32, #tpu.memory_space<vmem>>) offsets(%dma_start3A_64 : memref<128xi32, #tpu.memory_space<vmem>>) semaphore(%arg13 : memref<!tpu.dma_semaphore, #tpu.memory_space<semaphore_mem>>)
      %dma_wait3A = arith.constant 0 : i32
      %dma_wait3A_68 = arith.constant 0 : i32
      %dma_wait3A_69 = tpu.memref_slice %arg7[%dma_wait3A, %dma_wait3A_68] : memref<2x128xi32, #tpu.memory_space<vmem>> -> memref<1x128xi32, #tpu.memory_space<vmem>>
      %dma_wait3A_70 = tpu.memref_squeeze %dma_wait3A_69 : memref<1x128xi32, #tpu.memory_space<vmem>> -> memref<128xi32, #tpu.memory_space<vmem>>
      %dma_wait3A_71 = arith.constant 0 : i32
      %dma_wait3A_72 = arith.constant 0 : i32
      %dma_wait3A_73 = tpu.memref_slice %arg2[%dma_wait3A_71, %dma_wait3A_72] : memref<10240x144xf32, #tpu.memory_space<hbm>> -> memref<10240x144xf32, #tpu.memory_space<hbm>>
      tpu.wait_indirect_dma semaphore(%arg12 : memref<!tpu.dma_semaphore, #tpu.memory_space<semaphore_mem>>) src(%dma_wait3A_73 : memref<10240x144xf32, #tpu.memory_space<hbm>>) dst(%arg9 : memref<128x144xf32, #tpu.memory_space<vmem>>)
      %dma_wait3A_74 = arith.constant 1 : i32
      %dma_wait3A_75 = arith.constant 0 : i32
      %dma_wait3A_76 = tpu.memref_slice %arg7[%dma_wait3A_74, %dma_wait3A_75] : memref<2x128xi32, #tpu.memory_space<vmem>> -> memref<1x128xi32, #tpu.memory_space<vmem>>
      %dma_wait3A_77 = tpu.memref_squeeze %dma_wait3A_76 : memref<1x128xi32, #tpu.memory_space<vmem>> -> memref<128xi32, #tpu.memory_space<vmem>>
      %dma_wait3A_78 = arith.constant 0 : i32
      %dma_wait3A_79 = arith.constant 0 : i32
      %dma_wait3A_80 = tpu.memref_slice %arg3[%dma_wait3A_78, %dma_wait3A_79] : memref<10240x128xf32, #tpu.memory_space<hbm>> -> memref<10240x128xf32, #tpu.memory_space<hbm>>
      tpu.wait_indirect_dma semaphore(%arg13 : memref<!tpu.dma_semaphore, #tpu.memory_space<semaphore_mem>>) src(%dma_wait3A_80 : memref<10240x128xf32, #tpu.memory_space<hbm>>) dst(%arg10 : memref<128x128xf32, #tpu.memory_space<vmem>>)
      %parallel_loop3A = arith.constant 0 : i32
      %parallel_loop3A_81 = arith.constant 128 : i32
      %parallel_loop3A_82 = arith.constant 1 : i32
      scf.for %parallel_loop3A_83 = %parallel_loop3A to %parallel_loop3A_81 step %parallel_loop3A_82  : i32 {
        %parallel_loop3A_84 = arith.index_cast %parallel_loop3A_83 : i32 to index
        %parallel_loop3A_85 = arith.constant 0 : index
        %parallel_loop3A_86 = tpu.vector_load %arg9[%parallel_loop3A_84, %parallel_loop3A_85] {strides = array<i32>} : memref<128x144xf32, #tpu.memory_space<vmem>>, vector<16xf32>,
        %parallel_loop3A_87 = arith.index_cast %parallel_loop3A_83 : i32 to index
        %parallel_loop3A_88 = arith.constant 16 : index
        %parallel_loop3A_89 = tpu.vector_load %arg9[%parallel_loop3A_87, %parallel_loop3A_88] {strides = array<i32>} : memref<128x144xf32, #tpu.memory_space<vmem>>, vector<16xf32>,
        %parallel_loop3A_90 = arith.index_cast %parallel_loop3A_83 : i32 to index
        %parallel_loop3A_91 = arith.constant 32 : index
        %parallel_loop3A_92 = tpu.vector_load %arg9[%parallel_loop3A_90, %parallel_loop3A_91] {strides = array<i32>} : memref<128x144xf32, #tpu.memory_space<vmem>>, vector<16xf32>,
        %parallel_loop3A_93 = arith.index_cast %parallel_loop3A_83 : i32 to index
        %parallel_loop3A_94 = arith.constant 48 : index
        %parallel_loop3A_95 = tpu.vector_load %arg9[%parallel_loop3A_93, %parallel_loop3A_94] {strides = array<i32>} : memref<128x144xf32, #tpu.memory_space<vmem>>, vector<16xf32>,
        %parallel_loop3A_96 = arith.index_cast %parallel_loop3A_83 : i32 to index
        %parallel_loop3A_97 = arith.constant 64 : index
        %parallel_loop3A_98 = tpu.vector_load %arg9[%parallel_loop3A_96, %parallel_loop3A_97] {strides = array<i32>} : memref<128x144xf32, #tpu.memory_space<vmem>>, vector<16xf32>,
        %parallel_loop3A_99 = arith.index_cast %parallel_loop3A_83 : i32 to index
        %parallel_loop3A_100 = arith.constant 80 : index
        %parallel_loop3A_101 = tpu.vector_load %arg9[%parallel_loop3A_99, %parallel_loop3A_100] {strides = array<i32>} : memref<128x144xf32, #tpu.memory_space<vmem>>, vector<16xf32>,
        %parallel_loop3A_102 = arith.index_cast %parallel_loop3A_83 : i32 to index
        %parallel_loop3A_103 = arith.constant 96 : index
        %parallel_loop3A_104 = tpu.vector_load %arg9[%parallel_loop3A_102, %parallel_loop3A_103] {strides = array<i32>} : memref<128x144xf32, #tpu.memory_space<vmem>>, vector<16xf32>,
        %parallel_loop3A_105 = arith.index_cast %parallel_loop3A_83 : i32 to index
        %parallel_loop3A_106 = arith.constant 112 : index
        %parallel_loop3A_107 = tpu.vector_load %arg9[%parallel_loop3A_105, %parallel_loop3A_106] {strides = array<i32>} : memref<128x144xf32, #tpu.memory_space<vmem>>, vector<16xf32>,
        %parallel_loop3A_108 = arith.index_cast %parallel_loop3A_83 : i32 to index
        %parallel_loop3A_109 = arith.constant 0 : index
        %parallel_loop3A_110 = tpu.vector_load %arg10[%parallel_loop3A_108, %parallel_loop3A_109] {strides = array<i32>} : memref<128x128xf32, #tpu.memory_space<vmem>>, vector<16xf32>,
        %parallel_loop3A_111 = arith.addf %parallel_loop3A_86, %parallel_loop3A_110 : vector<16xf32>
        %parallel_loop3A_112 = arith.constant 2.000000e-01 : f32
        %parallel_loop3A_113 = vector.broadcast %parallel_loop3A_112 : f32 to vector<16xf32>
        %parallel_loop3A_114 = arith.mulf %parallel_loop3A_113, %parallel_loop3A_111 : vector<16xf32>
        %parallel_loop3A_115 = arith.maximumf %parallel_loop3A_111, %parallel_loop3A_114 : vector<16xf32>
        %parallel_loop3A_116 = arith.mulf %get3A_26, %parallel_loop3A_115 : vector<16xf32>
        %parallel_loop3A_117 = arith.index_cast %parallel_loop3A_83 : i32 to index
        %parallel_loop3A_118 = arith.constant 16 : index
        %parallel_loop3A_119 = tpu.vector_load %arg10[%parallel_loop3A_117, %parallel_loop3A_118] {strides = array<i32>} : memref<128x128xf32, #tpu.memory_space<vmem>>, vector<16xf32>,
        %parallel_loop3A_120 = arith.addf %parallel_loop3A_89, %parallel_loop3A_119 : vector<16xf32>
        %parallel_loop3A_121 = arith.constant 2.000000e-01 : f32
        %parallel_loop3A_122 = vector.broadcast %parallel_loop3A_121 : f32 to vector<16xf32>
        %parallel_loop3A_123 = arith.mulf %parallel_loop3A_122, %parallel_loop3A_120 : vector<16xf32>
        %parallel_loop3A_124 = arith.maximumf %parallel_loop3A_120, %parallel_loop3A_123 : vector<16xf32>
        %parallel_loop3A_125 = arith.mulf %get3A_28, %parallel_loop3A_124 : vector<16xf32>
        %parallel_loop3A_126 = arith.index_cast %parallel_loop3A_83 : i32 to index
        %parallel_loop3A_127 = arith.constant 32 : index
        %parallel_loop3A_128 = tpu.vector_load %arg10[%parallel_loop3A_126, %parallel_loop3A_127] {strides = array<i32>} : memref<128x128xf32, #tpu.memory_space<vmem>>, vector<16xf32>,
        %parallel_loop3A_129 = arith.addf %parallel_loop3A_92, %parallel_loop3A_128 : vector<16xf32>
        %parallel_loop3A_130 = arith.constant 2.000000e-01 : f32
        %parallel_loop3A_131 = vector.broadcast %parallel_loop3A_130 : f32 to vector<16xf32>
        %parallel_loop3A_132 = arith.mulf %parallel_loop3A_131, %parallel_loop3A_129 : vector<16xf32>
        %parallel_loop3A_133 = arith.maximumf %parallel_loop3A_129, %parallel_loop3A_132 : vector<16xf32>
        %parallel_loop3A_134 = arith.mulf %get3A_30, %parallel_loop3A_133 : vector<16xf32>
        %parallel_loop3A_135 = arith.index_cast %parallel_loop3A_83 : i32 to index
        %parallel_loop3A_136 = arith.constant 48 : index
        %parallel_loop3A_137 = tpu.vector_load %arg10[%parallel_loop3A_135, %parallel_loop3A_136] {strides = array<i32>} : memref<128x128xf32, #tpu.memory_space<vmem>>, vector<16xf32>,
        %parallel_loop3A_138 = arith.addf %parallel_loop3A_95, %parallel_loop3A_137 : vector<16xf32>
        %parallel_loop3A_139 = arith.constant 2.000000e-01 : f32
        %parallel_loop3A_140 = vector.broadcast %parallel_loop3A_139 : f32 to vector<16xf32>
        %parallel_loop3A_141 = arith.mulf %parallel_loop3A_140, %parallel_loop3A_138 : vector<16xf32>
        %parallel_loop3A_142 = arith.maximumf %parallel_loop3A_138, %parallel_loop3A_141 : vector<16xf32>
        %parallel_loop3A_143 = arith.mulf %get3A_32, %parallel_loop3A_142 : vector<16xf32>
        %parallel_loop3A_144 = arith.index_cast %parallel_loop3A_83 : i32 to index
        %parallel_loop3A_145 = arith.constant 64 : index
        %parallel_loop3A_146 = tpu.vector_load %arg10[%parallel_loop3A_144, %parallel_loop3A_145] {strides = array<i32>} : memref<128x128xf32, #tpu.memory_space<vmem>>, vector<16xf32>,
        %parallel_loop3A_147 = arith.addf %parallel_loop3A_98, %parallel_loop3A_146 : vector<16xf32>
        %parallel_loop3A_148 = arith.constant 2.000000e-01 : f32
        %parallel_loop3A_149 = vector.broadcast %parallel_loop3A_148 : f32 to vector<16xf32>
        %parallel_loop3A_150 = arith.mulf %parallel_loop3A_149, %parallel_loop3A_147 : vector<16xf32>
        %parallel_loop3A_151 = arith.maximumf %parallel_loop3A_147, %parallel_loop3A_150 : vector<16xf32>
        %parallel_loop3A_152 = arith.mulf %get3A_34, %parallel_loop3A_151 : vector<16xf32>
        %parallel_loop3A_153 = arith.index_cast %parallel_loop3A_83 : i32 to index
        %parallel_loop3A_154 = arith.constant 80 : index
        %parallel_loop3A_155 = tpu.vector_load %arg10[%parallel_loop3A_153, %parallel_loop3A_154] {strides = array<i32>} : memref<128x128xf32, #tpu.memory_space<vmem>>, vector<16xf32>,
        %parallel_loop3A_156 = arith.addf %parallel_loop3A_101, %parallel_loop3A_155 : vector<16xf32>
        %parallel_loop3A_157 = arith.constant 2.000000e-01 : f32
        %parallel_loop3A_158 = vector.broadcast %parallel_loop3A_157 : f32 to vector<16xf32>
        %parallel_loop3A_159 = arith.mulf %parallel_loop3A_158, %parallel_loop3A_156 : vector<16xf32>
        %parallel_loop3A_160 = arith.maximumf %parallel_loop3A_156, %parallel_loop3A_159 : vector<16xf32>
        %parallel_loop3A_161 = arith.mulf %get3A_36, %parallel_loop3A_160 : vector<16xf32>
        %parallel_loop3A_162 = arith.index_cast %parallel_loop3A_83 : i32 to index
        %parallel_loop3A_163 = arith.constant 96 : index
        %parallel_loop3A_164 = tpu.vector_load %arg10[%parallel_loop3A_162, %parallel_loop3A_163] {strides = array<i32>} : memref<128x128xf32, #tpu.memory_space<vmem>>, vector<16xf32>,
        %parallel_loop3A_165 = arith.addf %parallel_loop3A_104, %parallel_loop3A_164 : vector<16xf32>
        %parallel_loop3A_166 = arith.constant 2.000000e-01 : f32
        %parallel_loop3A_167 = vector.broadcast %parallel_loop3A_166 : f32 to vector<16xf32>
        %parallel_loop3A_168 = arith.mulf %parallel_loop3A_167, %parallel_loop3A_165 : vector<16xf32>
        %parallel_loop3A_169 = arith.maximumf %parallel_loop3A_165, %parallel_loop3A_168 : vector<16xf32>
        %parallel_loop3A_170 = arith.mulf %get3A_38, %parallel_loop3A_169 : vector<16xf32>
        %parallel_loop3A_171 = arith.index_cast %parallel_loop3A_83 : i32 to index
        %parallel_loop3A_172 = arith.constant 112 : index
        %parallel_loop3A_173 = tpu.vector_load %arg10[%parallel_loop3A_171, %parallel_loop3A_172] {strides = array<i32>} : memref<128x128xf32, #tpu.memory_space<vmem>>, vector<16xf32>,
        %parallel_loop3A_174 = arith.addf %parallel_loop3A_107, %parallel_loop3A_173 : vector<16xf32>
        %parallel_loop3A_175 = arith.constant 2.000000e-01 : f32
        %parallel_loop3A_176 = vector.broadcast %parallel_loop3A_175 : f32 to vector<16xf32>
        %parallel_loop3A_177 = arith.mulf %parallel_loop3A_176, %parallel_loop3A_174 : vector<16xf32>
        %parallel_loop3A_178 = arith.maximumf %parallel_loop3A_174, %parallel_loop3A_177 : vector<16xf32>
        %parallel_loop3A_179 = arith.mulf %get3A_40, %parallel_loop3A_178 : vector<16xf32>
        %parallel_loop3A_180 = arith.addf %parallel_loop3A_116, %parallel_loop3A_125 : vector<16xf32>
        %parallel_loop3A_181 = arith.addf %parallel_loop3A_134, %parallel_loop3A_143 : vector<16xf32>
        %parallel_loop3A_182 = arith.addf %parallel_loop3A_152, %parallel_loop3A_161 : vector<16xf32>
        %parallel_loop3A_183 = arith.addf %parallel_loop3A_170, %parallel_loop3A_179 : vector<16xf32>
        %parallel_loop3A_184 = arith.addf %parallel_loop3A_180, %parallel_loop3A_181 : vector<16xf32>
        %parallel_loop3A_185 = arith.addf %parallel_loop3A_182, %parallel_loop3A_183 : vector<16xf32>
        %parallel_loop3A_186 = arith.addf %parallel_loop3A_184, %parallel_loop3A_185 : vector<16xf32>
        %parallel_loop3A_187 = arith.constant true
        %parallel_loop3A_188 = vector.broadcast %parallel_loop3A_187 : i1 to vector<16xi1>
        %parallel_loop3A_189 = tpu.scan <sum>, %parallel_loop3A_186 masked %parallel_loop3A_188 : vector<16xf32>, vector<16xi1> -> vector<16xf32>
        %parallel_loop3A_190 = vector.extract %parallel_loop3A_189[15] : f32 from vector<16xf32>
        %parallel_loop3A_191 = vector.broadcast %parallel_loop3A_190 : f32 to vector<16xf32>
        %parallel_loop3A_192 = math.exp %parallel_loop3A_191 : vector<16xf32>
        %parallel_loop3A_193 = arith.mulf %parallel_loop3A_192, %parallel_loop3A_86 : vector<16xf32>
        %parallel_loop3A_194 = arith.index_cast %parallel_loop3A_83 : i32 to index
        %parallel_loop3A_195 = arith.constant 0 : index
        %parallel_loop3A_196 = tpu.vector_load %arg9[%parallel_loop3A_194, %parallel_loop3A_195] {strides = array<i32>} : memref<128x144xf32, #tpu.memory_space<vmem>>, vector<16xf32>,
        tpu.vector_store %arg9[%parallel_loop3A_194, %parallel_loop3A_195], %parallel_loop3A_193 {strides = array<i32>} : memref<128x144xf32, #tpu.memory_space<vmem>>, vector<16xf32>,
        %parallel_loop3A_197 = arith.mulf %parallel_loop3A_192, %parallel_loop3A_89 : vector<16xf32>
        %parallel_loop3A_198 = arith.index_cast %parallel_loop3A_83 : i32 to index
        %parallel_loop3A_199 = arith.constant 16 : index
        %parallel_loop3A_200 = tpu.vector_load %arg9[%parallel_loop3A_198, %parallel_loop3A_199] {strides = array<i32>} : memref<128x144xf32, #tpu.memory_space<vmem>>, vector<16xf32>,
        tpu.vector_store %arg9[%parallel_loop3A_198, %parallel_loop3A_199], %parallel_loop3A_197 {strides = array<i32>} : memref<128x144xf32, #tpu.memory_space<vmem>>, vector<16xf32>,
        %parallel_loop3A_201 = arith.mulf %parallel_loop3A_192, %parallel_loop3A_92 : vector<16xf32>
        %parallel_loop3A_202 = arith.index_cast %parallel_loop3A_83 : i32 to index
        %parallel_loop3A_203 = arith.constant 32 : index
        %parallel_loop3A_204 = tpu.vector_load %arg9[%parallel_loop3A_202, %parallel_loop3A_203] {strides = array<i32>} : memref<128x144xf32, #tpu.memory_space<vmem>>, vector<16xf32>,
        tpu.vector_store %arg9[%parallel_loop3A_202, %parallel_loop3A_203], %parallel_loop3A_201 {strides = array<i32>} : memref<128x144xf32, #tpu.memory_space<vmem>>, vector<16xf32>,
        %parallel_loop3A_205 = arith.mulf %parallel_loop3A_192, %parallel_loop3A_95 : vector<16xf32>
        %parallel_loop3A_206 = arith.index_cast %parallel_loop3A_83 : i32 to index
        %parallel_loop3A_207 = arith.constant 48 : index
        %parallel_loop3A_208 = tpu.vector_load %arg9[%parallel_loop3A_206, %parallel_loop3A_207] {strides = array<i32>} : memref<128x144xf32, #tpu.memory_space<vmem>>, vector<16xf32>,
        tpu.vector_store %arg9[%parallel_loop3A_206, %parallel_loop3A_207], %parallel_loop3A_205 {strides = array<i32>} : memref<128x144xf32, #tpu.memory_space<vmem>>, vector<16xf32>,
        %parallel_loop3A_209 = arith.mulf %parallel_loop3A_192, %parallel_loop3A_98 : vector<16xf32>
        %parallel_loop3A_210 = arith.index_cast %parallel_loop3A_83 : i32 to index
        %parallel_loop3A_211 = arith.constant 64 : index
        %parallel_loop3A_212 = tpu.vector_load %arg9[%parallel_loop3A_210, %parallel_loop3A_211] {strides = array<i32>} : memref<128x144xf32, #tpu.memory_space<vmem>>, vector<16xf32>,
        tpu.vector_store %arg9[%parallel_loop3A_210, %parallel_loop3A_211], %parallel_loop3A_209 {strides = array<i32>} : memref<128x144xf32, #tpu.memory_space<vmem>>, vector<16xf32>,
        %parallel_loop3A_213 = arith.mulf %parallel_loop3A_192, %parallel_loop3A_101 : vector<16xf32>
        %parallel_loop3A_214 = arith.index_cast %parallel_loop3A_83 : i32 to index
        %parallel_loop3A_215 = arith.constant 80 : index
        %parallel_loop3A_216 = tpu.vector_load %arg9[%parallel_loop3A_214, %parallel_loop3A_215] {strides = array<i32>} : memref<128x144xf32, #tpu.memory_space<vmem>>, vector<16xf32>,
        tpu.vector_store %arg9[%parallel_loop3A_214, %parallel_loop3A_215], %parallel_loop3A_213 {strides = array<i32>} : memref<128x144xf32, #tpu.memory_space<vmem>>, vector<16xf32>,
        %parallel_loop3A_217 = arith.mulf %parallel_loop3A_192, %parallel_loop3A_104 : vector<16xf32>
        %parallel_loop3A_218 = arith.index_cast %parallel_loop3A_83 : i32 to index
        %parallel_loop3A_219 = arith.constant 96 : index
        %parallel_loop3A_220 = tpu.vector_load %arg9[%parallel_loop3A_218, %parallel_loop3A_219] {strides = array<i32>} : memref<128x144xf32, #tpu.memory_space<vmem>>, vector<16xf32>,
        tpu.vector_store %arg9[%parallel_loop3A_218, %parallel_loop3A_219], %parallel_loop3A_217 {strides = array<i32>} : memref<128x144xf32, #tpu.memory_space<vmem>>, vector<16xf32>,
        %parallel_loop3A_221 = arith.mulf %parallel_loop3A_192, %parallel_loop3A_107 : vector<16xf32>
        %parallel_loop3A_222 = arith.index_cast %parallel_loop3A_83 : i32 to index
        %parallel_loop3A_223 = arith.constant 112 : index
        %parallel_loop3A_224 = tpu.vector_load %arg9[%parallel_loop3A_222, %parallel_loop3A_223] {strides = array<i32>} : memref<128x144xf32, #tpu.memory_space<vmem>>, vector<16xf32>,
        tpu.vector_store %arg9[%parallel_loop3A_222, %parallel_loop3A_223], %parallel_loop3A_221 {strides = array<i32>} : memref<128x144xf32, #tpu.memory_space<vmem>>, vector<16xf32>,
        %parallel_loop3A_225 = arith.mulf %parallel_loop3A_192, %select_n3A : vector<16xf32>
        %parallel_loop3A_226 = arith.index_cast %parallel_loop3A_83 : i32 to index
        %parallel_loop3A_227 = arith.constant 128 : index
        %parallel_loop3A_228 = tpu.vector_load %arg9[%parallel_loop3A_226, %parallel_loop3A_227] {strides = array<i32>} : memref<128x144xf32, #tpu.memory_space<vmem>>, vector<16xf32>,
        tpu.vector_store %arg9[%parallel_loop3A_226, %parallel_loop3A_227], %parallel_loop3A_225 {strides = array<i32>} : memref<128x144xf32, #tpu.memory_space<vmem>>, vector<16xf32>,
      } {sc.loop_unroll_factor = 4 : i64, sc.parallel_access}
      %run_scoped3A = arith.constant 1 : i32
      "tpu.region"() ({
        %run_scoped3A_83 = tpu.sem_alloc : memref<!tpu.dma_semaphore, #tpu.memory_space<semaphore_mem>>
        %dma_start3A_84 = arith.constant 0 : i32
        %dma_start3A_85 = tpu.memref_slice %arg7[%run_scoped3A, %dma_start3A_84] : memref<2x128xi32, #tpu.memory_space<vmem>> -> memref<1x128xi32, #tpu.memory_space<vmem>>
        %dma_start3A_86 = tpu.memref_squeeze %dma_start3A_85 : memref<1x128xi32, #tpu.memory_space<vmem>> -> memref<128xi32, #tpu.memory_space<vmem>>
        %dma_start3A_87 = arith.constant 0 : i32
        %dma_start3A_88 = arith.constant 0 : i32
        %dma_start3A_89 = tpu.memref_slice %arg11[%dma_start3A_87, %dma_start3A_88] : memref<10240x144xf32, #tpu.memory_space<vmem_shared>> -> memref<10240x144xf32, #tpu.memory_space<vmem_shared>>
        tpu.enqueue_indirect_dma source(%arg9 : memref<128x144xf32, #tpu.memory_space<vmem>>) target(%dma_start3A_89 : memref<10240x144xf32, #tpu.memory_space<vmem_shared>>) offsets(%dma_start3A_86 : memref<128xi32, #tpu.memory_space<vmem>>) semaphore(%run_scoped3A_83 : memref<!tpu.dma_semaphore, #tpu.memory_space<semaphore_mem>>) {add = true}
        %dma_wait3A_90 = arith.constant 0 : i32
        %dma_wait3A_91 = tpu.memref_slice %arg7[%run_scoped3A, %dma_wait3A_90] : memref<2x128xi32, #tpu.memory_space<vmem>> -> memref<1x128xi32, #tpu.memory_space<vmem>>
        %dma_wait3A_92 = tpu.memref_squeeze %dma_wait3A_91 : memref<1x128xi32, #tpu.memory_space<vmem>> -> memref<128xi32, #tpu.memory_space<vmem>>
        %dma_wait3A_93 = arith.constant 0 : i32
        %dma_wait3A_94 = arith.constant 0 : i32
        %dma_wait3A_95 = tpu.memref_slice %arg11[%dma_wait3A_93, %dma_wait3A_94] : memref<10240x144xf32, #tpu.memory_space<vmem_shared>> -> memref<10240x144xf32, #tpu.memory_space<vmem_shared>>
        tpu.wait_indirect_dma semaphore(%run_scoped3A_83 : memref<!tpu.dma_semaphore, #tpu.memory_space<semaphore_mem>>) src(%arg9 : memref<128x144xf32, #tpu.memory_space<vmem>>) dst(%dma_wait3A_95 : memref<10240x144xf32, #tpu.memory_space<vmem_shared>>)
        tpu.yield
      }) : () -> ()
    }
    %scan3A_50 = arith.constant 81 : i32
    %barrier3A_51 = arith.constant 0 : index
    tpu.barrier barrier_id(%barrier3A_51)
    %mul3A_52 = arith.constant 640 : i32
    %mul3A_53 = arith.muli %arg1, %mul3A_52 : i32
    "tpu.region"() ({
      %run_scoped3A = tpu.sem_alloc : memref<!tpu.dma_semaphore, #tpu.memory_space<semaphore_mem>>
      %dma_start3A = arith.constant 0 : i32
      %dma_start3A_54 = arith.constant 0 : i32
      %dma_start3A_55 = tpu.memref_slice %arg6[%arg0, %arg1, %dma_start3A, %dma_start3A_54] : memref<2x16x640x144xf32, #tpu.memory_space<hbm>> -> memref<1x1x640x144xf32, #tpu.memory_space<hbm>>
      %dma_start3A_56 = tpu.memref_squeeze %dma_start3A_55 : memref<1x1x640x144xf32, #tpu.memory_space<hbm>> -> memref<640x144xf32, #tpu.memory_space<hbm>>
      %dma_start3A_57 = arith.constant 0 : i32
      %dma_start3A_58 = tpu.memref_slice %arg11[%mul3A_53, %dma_start3A_57] : memref<10240x144xf32, #tpu.memory_space<vmem_shared>> -> memref<640x144xf32, #tpu.memory_space<vmem_shared>>
      tpu.enqueue_dma source(%dma_start3A_58 : memref<640x144xf32, #tpu.memory_space<vmem_shared>>) target(%dma_start3A_56 : memref<640x144xf32, #tpu.memory_space<hbm>>) target_semaphore(%run_scoped3A : memref<!tpu.dma_semaphore, #tpu.memory_space<semaphore_mem>>)
      %dma_wait3A = arith.constant 0 : i32
      %dma_wait3A_59 = arith.constant 0 : i32
      %dma_wait3A_60 = tpu.memref_slice %arg6[%arg0, %arg1, %dma_wait3A, %dma_wait3A_59] : memref<2x16x640x144xf32, #tpu.memory_space<hbm>> -> memref<1x1x640x144xf32, #tpu.memory_space<hbm>>
      %dma_wait3A_61 = tpu.memref_squeeze %dma_wait3A_60 : memref<1x1x640x144xf32, #tpu.memory_space<hbm>> -> memref<640x144xf32, #tpu.memory_space<hbm>>
      %dma_wait3A_62 = arith.constant 0 : i32
      %dma_wait3A_63 = tpu.memref_slice %arg11[%mul3A_53, %dma_wait3A_62] : memref<10240x144xf32, #tpu.memory_space<vmem_shared>> -> memref<640x144xf32, #tpu.memory_space<vmem_shared>>
      tpu.wait_dma2 semaphore(%run_scoped3A : memref<!tpu.dma_semaphore, #tpu.memory_space<semaphore_mem>>) src(%dma_wait3A_63 : memref<640x144xf32, #tpu.memory_space<vmem_shared>>) dst(%dma_wait3A_61 : memref<640x144xf32, #tpu.memory_space<hbm>>)
      tpu.yield
    }) : () -> ()
    return
  }
}

module attributes {stable_mosaic.version = 14 : i64} {
  func.func @_mm2_body(%arg0: i32, %arg1: memref<1280x128xf32, #tpu.memory_space<vmem>>, %arg2: memref<128x128xf32, #tpu.memory_space<vmem>>, %arg3: memref<128x128xf32, #tpu.memory_space<vmem>>, %arg4: memref<1280x144xf32, #tpu.memory_space<vmem>>, %arg5: memref<1280x128xf32, #tpu.memory_space<vmem>>) attributes {dimension_semantics = [#tpu.dimension_semantics<arbitrary>], iteration_bounds = array<i64: 8>, scalar_prefetch = 0 : i64, scratch_operands = 0 : i64, tpu.core_type = #tpu.core_type<tc>, window_params = [{transform_indices = @transform_0, window_bounds = array<i64: 1280, 128>}, {pipeline_mode = #tpu.pipeline_mode<synchronous>, transform_indices = @transform_1, window_bounds = array<i64: 128, 128>}, {pipeline_mode = #tpu.pipeline_mode<synchronous>, transform_indices = @transform_2, window_bounds = array<i64: 128, 128>}, {transform_indices = @transform_3, window_bounds = array<i64: 1280, 144>}, {transform_indices = @transform_4, window_bounds = array<i64: 1280, 128>}]} {
    %get3A = arith.constant 0 : index
    %get3A_0 = arith.constant 0 : index
    %get3A_1 = vector.load %arg1[%get3A, %get3A_0] : memref<1280x128xf32, #tpu.memory_space<vmem>>, vector<1280x128xf32>
    %get3A_2 = arith.constant 0 : index
    %get3A_3 = arith.constant 0 : index
    %get3A_4 = vector.load %arg2[%get3A_2, %get3A_3] : memref<128x128xf32, #tpu.memory_space<vmem>>, vector<128x128xf32>
    %dot_general3A = arith.constant dense<0.000000e+00> : vector<1280x128xf32>
    %dot_general3A_5 = tpu.matmul %get3A_1, %get3A_4, %dot_general3A {dimension_numbers = #tpu.dot_dimension_numbers<[1], [0], [0], [1], [0, 0, 1, 1], [], []>, transpose_lhs_hint = false} : vector<1280x128xf32>, vector<128x128xf32>, vector<1280x128xf32> -> vector<1280x128xf32>
    %iota3A = tpu.iota {dimensions = array<i32: 1>} : vector<1280x144xi32>
    %eq3A = arith.constant 128 : i32
    %eq3A_6 = vector.broadcast %eq3A : i32 to vector<1280x144xi32>
    %eq3A_7 = arith.cmpi eq, %iota3A, %eq3A_6 : vector<1280x144xi32>
    %jit3A = arith.constant 0 : i32
    %convert_element_type3A = arith.sitofp %jit3A : i32 to f32
    %pad3A = vector.broadcast %convert_element_type3A : f32 to vector<1280x16xf32>
    %pad3A_8 = tpu.concatenate %dot_general3A_5, %pad3A in 1 : vector<1280x128xf32>, vector<1280x16xf32> -> vector<1280x144xf32>
    %jit3A_9 = arith.constant 1.000000e+00 : f32
    %broadcast_in_dim3A = vector.broadcast %jit3A_9 : f32 to vector<1280x144xf32>
    %select_n3A = arith.select %eq3A_7, %broadcast_in_dim3A, %pad3A_8 : vector<1280x144xi1>, vector<1280x144xf32>
    %swap3A = arith.constant 0 : index
    %swap3A_10 = arith.constant 0 : index
    %swap3A_11 = vector.load %arg4[%swap3A, %swap3A_10] : memref<1280x144xf32, #tpu.memory_space<vmem>>, vector<1280x144xf32>
    tpu.vector_store %arg4[%swap3A, %swap3A_10], %select_n3A {strides = array<i32>} : memref<1280x144xf32, #tpu.memory_space<vmem>>, vector<1280x144xf32>,
    %get3A_12 = arith.constant 0 : index
    %get3A_13 = arith.constant 0 : index
    %get3A_14 = vector.load %arg3[%get3A_12, %get3A_13] : memref<128x128xf32, #tpu.memory_space<vmem>>, vector<128x128xf32>
    %dot_general3A_15 = arith.constant dense<0.000000e+00> : vector<1280x128xf32>
    %dot_general3A_16 = tpu.matmul %get3A_1, %get3A_14, %dot_general3A_15 {dimension_numbers = #tpu.dot_dimension_numbers<[1], [0], [0], [1], [0, 0, 1, 1], [], []>, transpose_lhs_hint = false} : vector<1280x128xf32>, vector<128x128xf32>, vector<1280x128xf32> -> vector<1280x128xf32>
    %swap3A_17 = arith.constant 0 : index
    %swap3A_18 = arith.constant 0 : index
    %swap3A_19 = vector.load %arg5[%swap3A_17, %swap3A_18] : memref<1280x128xf32, #tpu.memory_space<vmem>>, vector<1280x128xf32>
    tpu.vector_store %arg5[%swap3A_17, %swap3A_18], %dot_general3A_16 {strides = array<i32>} : memref<1280x128xf32, #tpu.memory_space<vmem>>, vector<1280x128xf32>,
    return
  }
  func.func @transform_0(%arg0: i32) -> (i32, i32) {
    %c0_i32 = arith.constant 0 : i32
    %c0_i32_0 = arith.constant 0 : i32
    return %arg0, %c0_i32 : i32, i32
  }
  func.func @transform_1(%arg0: i32) -> (i32, i32) {
    %c0_i32 = arith.constant 0 : i32
    %c0_i32_0 = arith.constant 0 : i32
    %c0_i32_1 = arith.constant 0 : i32
    return %c0_i32, %c0_i32_0 : i32, i32
  }
  func.func @transform_2(%arg0: i32) -> (i32, i32) {
    %c0_i32 = arith.constant 0 : i32
    %c0_i32_0 = arith.constant 0 : i32
    %c0_i32_1 = arith.constant 0 : i32
    return %c0_i32, %c0_i32_0 : i32, i32
  }
  func.func @transform_3(%arg0: i32) -> (i32, i32) {
    %c0_i32 = arith.constant 0 : i32
    %c0_i32_0 = arith.constant 0 : i32
    return %arg0, %c0_i32 : i32, i32
  }
  func.func @transform_4(%arg0: i32) -> (i32, i32) {
    %c0_i32 = arith.constant 0 : i32
    %c0_i32_0 = arith.constant 0 : i32
    return %arg0, %c0_i32 : i32, i32
  }
}

module attributes {stable_mosaic.version = 14 : i64} {
  func.func @_mid_body(%arg0: i32, %arg1: memref<1280x144xf32, #tpu.memory_space<vmem>>, %arg2: memref<1280x144xf32, #tpu.memory_space<vmem>>, %arg3: memref<128xf32, #tpu.memory_space<vmem>>, %arg4: memref<128x128xf32, #tpu.memory_space<vmem>>, %arg5: memref<128x128xf32, #tpu.memory_space<vmem>>, %arg6: memref<1280x144xf32, #tpu.memory_space<vmem>>, %arg7: memref<1280x128xf32, #tpu.memory_space<vmem>>) attributes {dimension_semantics = [#tpu.dimension_semantics<arbitrary>], iteration_bounds = array<i64: 8>, scalar_prefetch = 0 : i64, scratch_operands = 0 : i64, tpu.core_type = #tpu.core_type<tc>, window_params = [{transform_indices = @transform_0, window_bounds = array<i64: 1280, 144>}, {transform_indices = @transform_1, window_bounds = array<i64: 1280, 144>}, {pipeline_mode = #tpu.pipeline_mode<synchronous>, transform_indices = @transform_2, window_bounds = array<i64: 128>}, {pipeline_mode = #tpu.pipeline_mode<synchronous>, transform_indices = @transform_3, window_bounds = array<i64: 128, 128>}, {pipeline_mode = #tpu.pipeline_mode<synchronous>, transform_indices = @transform_4, window_bounds = array<i64: 128, 128>}, {transform_indices = @transform_5, window_bounds = array<i64: 1280, 144>}, {transform_indices = @transform_6, window_bounds = array<i64: 1280, 128>}]} {
    %get3A = arith.constant 0 : index
    %get3A_0 = arith.constant 0 : index
    %get3A_1 = vector.load %arg1[%get3A, %get3A_0] : memref<1280x144xf32, #tpu.memory_space<vmem>>, vector<1280x144xf32>
    %get3A_2 = arith.constant 0 : index
    %get3A_3 = arith.constant 0 : index
    %get3A_4 = vector.load %arg2[%get3A_2, %get3A_3] : memref<1280x144xf32, #tpu.memory_space<vmem>>, vector<1280x144xf32>
    %add3A = arith.addf %get3A_1, %get3A_4 : vector<1280x144xf32>
    %slice3A = vector.extract_strided_slice %add3A {offsets = [0, 0], sizes = [1280, 128], strides = [1, 1]} : vector<1280x144xf32> to vector<1280x128xf32>
    %slice3A_5 = vector.extract_strided_slice %add3A {offsets = [0, 128], sizes = [1280, 1], strides = [1, 1]} : vector<1280x144xf32> to vector<1280x1xf32>
    %add3A_6 = arith.constant 1.000000e-16 : f32
    %add3A_7 = vector.broadcast %add3A_6 : f32 to vector<1280x1xf32>
    %add3A_8 = arith.addf %slice3A_5, %add3A_7 : vector<1280x1xf32>
    %div3A = vector.broadcast %add3A_8 : vector<1280x1xf32> to vector<1280x128xf32>
    %div3A_9 = arith.divf %slice3A, %div3A : vector<1280x128xf32>
    %get3A_10 = arith.constant 0 : index
    %get3A_11 = vector.load %arg3[%get3A_10] : memref<128xf32, #tpu.memory_space<vmem>>, vector<128xf32>
    %broadcast_in_dim3A = vector.shape_cast %get3A_11 : vector<128xf32> to vector<1x128xf32>
    %add3A_12 = vector.broadcast %broadcast_in_dim3A : vector<1x128xf32> to vector<1280x128xf32>
    %add3A_13 = arith.addf %div3A_9, %add3A_12 : vector<1280x128xf32>
    %max3A = arith.constant 0.000000e+00 : f32
    %max3A_14 = vector.broadcast %max3A : f32 to vector<1280x128xf32>
    %max3A_15 = arith.maximumf %add3A_13, %max3A_14 : vector<1280x128xf32>
    %mul3A = arith.constant 1280 : i32
    %mul3A_16 = arith.muli %arg0, %mul3A : i32
    %iota3A = tpu.iota {dimensions = array<i32: 0>} : vector<1280x128xi32>
    %add3A_17 = vector.broadcast %mul3A_16 : i32 to vector<1280x128xi32>
    %add3A_18 = arith.addi %add3A_17, %iota3A : vector<1280x128xi32>
    %lt3A = arith.constant 10000 : i32
    %lt3A_19 = vector.broadcast %lt3A : i32 to vector<1280x128xi32>
    %lt3A_20 = arith.cmpi slt, %add3A_18, %lt3A_19 : vector<1280x128xi32>
    %jit3A = arith.constant 0.000000e+00 : f32
    %broadcast_in_dim3A_21 = vector.broadcast %jit3A : f32 to vector<1280x128xf32>
    %select_n3A = arith.select %lt3A_20, %max3A_15, %broadcast_in_dim3A_21 : vector<1280x128xi1>, vector<1280x128xf32>
    %get3A_22 = arith.constant 0 : index
    %get3A_23 = arith.constant 0 : index
    %get3A_24 = vector.load %arg4[%get3A_22, %get3A_23] : memref<128x128xf32, #tpu.memory_space<vmem>>, vector<128x128xf32>
    %dot_general3A = arith.constant dense<0.000000e+00> : vector<1280x128xf32>
    %dot_general3A_25 = tpu.matmul %select_n3A, %get3A_24, %dot_general3A {dimension_numbers = #tpu.dot_dimension_numbers<[1], [0], [0], [1], [0, 0, 1, 1], [], []>, transpose_lhs_hint = false} : vector<1280x128xf32>, vector<128x128xf32>, vector<1280x128xf32> -> vector<1280x128xf32>
    %iota3A_26 = tpu.iota {dimensions = array<i32: 1>} : vector<1280x144xi32>
    %eq3A = arith.constant 128 : i32
    %eq3A_27 = vector.broadcast %eq3A : i32 to vector<1280x144xi32>
    %eq3A_28 = arith.cmpi eq, %iota3A_26, %eq3A_27 : vector<1280x144xi32>
    %jit3A_29 = arith.constant 0 : i32
    %convert_element_type3A = arith.sitofp %jit3A_29 : i32 to f32
    %pad3A = vector.broadcast %convert_element_type3A : f32 to vector<1280x16xf32>
    %pad3A_30 = tpu.concatenate %dot_general3A_25, %pad3A in 1 : vector<1280x128xf32>, vector<1280x16xf32> -> vector<1280x144xf32>
    %jit3A_31 = arith.constant 1.000000e+00 : f32
    %broadcast_in_dim3A_32 = vector.broadcast %jit3A_31 : f32 to vector<1280x144xf32>
    %select_n3A_33 = arith.select %eq3A_28, %broadcast_in_dim3A_32, %pad3A_30 : vector<1280x144xi1>, vector<1280x144xf32>
    %swap3A = arith.constant 0 : index
    %swap3A_34 = arith.constant 0 : index
    %swap3A_35 = vector.load %arg6[%swap3A, %swap3A_34] : memref<1280x144xf32, #tpu.memory_space<vmem>>, vector<1280x144xf32>
    tpu.vector_store %arg6[%swap3A, %swap3A_34], %select_n3A_33 {strides = array<i32>} : memref<1280x144xf32, #tpu.memory_space<vmem>>, vector<1280x144xf32>,
    %get3A_36 = arith.constant 0 : index
    %get3A_37 = arith.constant 0 : index
    %get3A_38 = vector.load %arg5[%get3A_36, %get3A_37] : memref<128x128xf32, #tpu.memory_space<vmem>>, vector<128x128xf32>
    %dot_general3A_39 = arith.constant dense<0.000000e+00> : vector<1280x128xf32>
    %dot_general3A_40 = tpu.matmul %select_n3A, %get3A_38, %dot_general3A_39 {dimension_numbers = #tpu.dot_dimension_numbers<[1], [0], [0], [1], [0, 0, 1, 1], [], []>, transpose_lhs_hint = false} : vector<1280x128xf32>, vector<128x128xf32>, vector<1280x128xf32> -> vector<1280x128xf32>
    %swap3A_41 = arith.constant 0 : index
    %swap3A_42 = arith.constant 0 : index
    %swap3A_43 = vector.load %arg7[%swap3A_41, %swap3A_42] : memref<1280x128xf32, #tpu.memory_space<vmem>>, vector<1280x128xf32>
    tpu.vector_store %arg7[%swap3A_41, %swap3A_42], %dot_general3A_40 {strides = array<i32>} : memref<1280x128xf32, #tpu.memory_space<vmem>>, vector<1280x128xf32>,
    return
  }
  func.func @transform_0(%arg0: i32) -> (i32, i32) {
    %c0_i32 = arith.constant 0 : i32
    %c0_i32_0 = arith.constant 0 : i32
    return %arg0, %c0_i32 : i32, i32
  }
  func.func @transform_1(%arg0: i32) -> (i32, i32) {
    %c0_i32 = arith.constant 0 : i32
    %c0_i32_0 = arith.constant 0 : i32
    return %arg0, %c0_i32 : i32, i32
  }
  func.func @transform_2(%arg0: i32) -> i32 {
    %c0_i32 = arith.constant 0 : i32
    %c0_i32_0 = arith.constant 0 : i32
    return %c0_i32 : i32
  }
  func.func @transform_3(%arg0: i32) -> (i32, i32) {
    %c0_i32 = arith.constant 0 : i32
    %c0_i32_0 = arith.constant 0 : i32
    %c0_i32_1 = arith.constant 0 : i32
    return %c0_i32, %c0_i32_0 : i32, i32
  }
  func.func @transform_4(%arg0: i32) -> (i32, i32) {
    %c0_i32 = arith.constant 0 : i32
    %c0_i32_0 = arith.constant 0 : i32
    %c0_i32_1 = arith.constant 0 : i32
    return %c0_i32, %c0_i32_0 : i32, i32
  }
  func.func @transform_5(%arg0: i32) -> (i32, i32) {
    %c0_i32 = arith.constant 0 : i32
    %c0_i32_0 = arith.constant 0 : i32
    return %arg0, %c0_i32 : i32, i32
  }
  func.func @transform_6(%arg0: i32) -> (i32, i32) {
    %c0_i32 = arith.constant 0 : i32
    %c0_i32_0 = arith.constant 0 : i32
    return %arg0, %c0_i32 : i32, i32
  }
}

module attributes {stable_mosaic.version = 14 : i64} {
  func.func @_fin_body(%arg0: i32, %arg1: memref<1000x144xf32, #tpu.memory_space<vmem>>, %arg2: memref<1000x144xf32, #tpu.memory_space<vmem>>, %arg3: memref<128xf32, #tpu.memory_space<vmem>>, %arg4: memref<1000x128xf32, #tpu.memory_space<vmem>>) attributes {dimension_semantics = [#tpu.dimension_semantics<arbitrary>], iteration_bounds = array<i64: 10>, scalar_prefetch = 0 : i64, scratch_operands = 0 : i64, tpu.core_type = #tpu.core_type<tc>, window_params = [{transform_indices = @transform_0, window_bounds = array<i64: 1000, 144>}, {transform_indices = @transform_1, window_bounds = array<i64: 1000, 144>}, {pipeline_mode = #tpu.pipeline_mode<synchronous>, transform_indices = @transform_2, window_bounds = array<i64: 128>}, {transform_indices = @transform_3, window_bounds = array<i64: 1000, 128>}]} {
    %get3A = arith.constant 0 : index
    %get3A_0 = arith.constant 0 : index
    %get3A_1 = vector.load %arg1[%get3A, %get3A_0] : memref<1000x144xf32, #tpu.memory_space<vmem>>, vector<1000x144xf32>
    %get3A_2 = arith.constant 0 : index
    %get3A_3 = arith.constant 0 : index
    %get3A_4 = vector.load %arg2[%get3A_2, %get3A_3] : memref<1000x144xf32, #tpu.memory_space<vmem>>, vector<1000x144xf32>
    %add3A = arith.addf %get3A_1, %get3A_4 : vector<1000x144xf32>
    %slice3A = vector.extract_strided_slice %add3A {offsets = [0, 0], sizes = [1000, 128], strides = [1, 1]} : vector<1000x144xf32> to vector<1000x128xf32>
    %slice3A_5 = vector.extract_strided_slice %add3A {offsets = [0, 128], sizes = [1000, 1], strides = [1, 1]} : vector<1000x144xf32> to vector<1000x1xf32>
    %add3A_6 = arith.constant 1.000000e-16 : f32
    %add3A_7 = vector.broadcast %add3A_6 : f32 to vector<1000x1xf32>
    %add3A_8 = arith.addf %slice3A_5, %add3A_7 : vector<1000x1xf32>
    %div3A = vector.broadcast %add3A_8 : vector<1000x1xf32> to vector<1000x128xf32>
    %div3A_9 = arith.divf %slice3A, %div3A : vector<1000x128xf32>
    %get3A_10 = arith.constant 0 : index
    %get3A_11 = vector.load %arg3[%get3A_10] : memref<128xf32, #tpu.memory_space<vmem>>, vector<128xf32>
    %broadcast_in_dim3A = vector.shape_cast %get3A_11 : vector<128xf32> to vector<1x128xf32>
    %add3A_12 = vector.broadcast %broadcast_in_dim3A : vector<1x128xf32> to vector<1000x128xf32>
    %add3A_13 = arith.addf %div3A_9, %add3A_12 : vector<1000x128xf32>
    %max3A = arith.constant 0.000000e+00 : f32
    %max3A_14 = vector.broadcast %max3A : f32 to vector<1000x128xf32>
    %max3A_15 = arith.maximumf %add3A_13, %max3A_14 : vector<1000x128xf32>
    %swap3A = arith.constant 0 : index
    %swap3A_16 = arith.constant 0 : index
    %swap3A_17 = vector.load %arg4[%swap3A, %swap3A_16] : memref<1000x128xf32, #tpu.memory_space<vmem>>, vector<1000x128xf32>
    tpu.vector_store %arg4[%swap3A, %swap3A_16], %max3A_15 {strides = array<i32>} : memref<1000x128xf32, #tpu.memory_space<vmem>>, vector<1000x128xf32>,
    return
  }
  func.func @transform_0(%arg0: i32) -> (i32, i32) {
    %c0_i32 = arith.constant 0 : i32
    %c0_i32_0 = arith.constant 0 : i32
    return %arg0, %c0_i32 : i32, i32
  }
  func.func @transform_1(%arg0: i32) -> (i32, i32) {
    %c0_i32 = arith.constant 0 : i32
    %c0_i32_0 = arith.constant 0 : i32
    return %arg0, %c0_i32 : i32, i32
  }
  func.func @transform_2(%arg0: i32) -> i32 {
    %c0_i32 = arith.constant 0 : i32
    %c0_i32_0 = arith.constant 0 : i32
    return %c0_i32 : i32
  }
  func.func @transform_3(%arg0: i32) -> (i32, i32) {
    %c0_i32 = arith.constant 0 : i32
    %c0_i32_0 = arith.constant 0 : i32
    return %arg0, %c0_i32 : i32, i32
  }
}

</mosaic_0001>

<sc_bundles>
// kernel: kernel.10.cloned.1.call-start
scs
__scs_entry_jumppad:
0x0: {  	(pc) =	sbr.rel $0x88, $3  }
0x1: {  	(tag) =	ssettag $0x0;
	lr =	simm.s32 $0x1  }
0x2: {  	[smem:$0x3F97] =	sst lr;
	_ =	strace $0xD0000000  }
0x3: {  	_ = 	snop  }
0x4: {  	_ = 	snop  }
0x5: {  	_ = 	snop  }
0x6: {  	_ = 	snop  }
0x7: {  	_ = 	snop  }
__scs_overlays_trampoline_lowered:
0x8: {  	[smem:$0x3FA6] =	sst s0  }
0x9: {  	[smem:$0x3FA7] =	sst s1  }
0xa: {  	[smem:$0x3FA8] =	sst s2  }
0xb: {  	[smem:$0x3FA9] =	sst s3  }
0xc: {  	[smem:$0x3FAA] =	sst s4  }
0xd: {  	[smem:$0x3FAB] =	sst s5  }
0xe: {  	[smem:$0x3FAC] =	sst s6  }
0xf: {  	[smem:$0x3FAD] =	sst s7  }
0x10: {  	[smem:$0x3FAE] =	sst s8  }
0x11: {  	[smem:$0x3FAF] =	sst s9;
	s0 =	simm.s32 @!p0 $0x0  }
0x12: {  	s1 =	sld [smem:$0x3F95];
	s0 =	simm.s32 @p0 $0x1  }
0x13: {  	[smem:$0x3FB0] =	sst s0;
	s0 =	simm.s32 @!p1 $0x0  }
0x14: {  	s2 =	sld [smem:$0x3F94];
	s0 =	simm.s32 @p1 $0x1  }
0x15: {  	[smem:$0x3FB1] =	sst s0;
	s0 =	simm.s32 @!p2 $0x0  }
0x16: {  	s3 =	sld [smem:$0x3FDB];
	s0 =	simm.s32 @p2 $0x1  }
0x17: {  	s4 =	simm.s32 $0x1BF5;
	[smem:$0x3FB3] =	sst s0  }
0x18: {  	s0 =	sld [smem:$0x3F96];
	_ =	swait.ge [sflag:s4], $0x0  }
0x19: {  	s7 =	sld [smem:$0x3F97]  }
0x1a: {  	s8 =	sadd.s32 $0xFFFFE003, lr  }
0x1b: {  	s9 =	sadd.s32 $0xFFFFFEF7, lr;
	s5 =	simm.s32 $0xFFFFFFFF;
	p2 =	slt.u32 s8, $0xFFFFF086  }
0x1c: {  	p1 =	slt.u32 s9, $0xF7A;
	s5 =	simm.s32 @!p2 $0x0  }
0x1d: {  	s5 =	simm.s32 @p1 $0x1;
	p0 =	seq.s32 s7, s2  }
0x1e: {  	s7 =	smul.u32 @!p0 $0xF7A, s2;
	p2 =	seq.s32 @!p0 s5, $0x0  }
0x1f: {  	s9 =	smul.u32 $0xF7A, s1;
	s8 =	simm.s32 @!p0 $0x1BF5;
	p2 =	por !p2, p0  }
0x20: {  	[sflag:s8] =	ssyncset.s32 @!p0 $0xFFFFF086;
	s6 =	sadd.s32 @!p0 s3, s7;
	s7 =	simm.s32 @!p0 $0x108  }
0x21: {  	s3 =	sadd.s32 s3, s9;
	s6 =	sadd.s32 @!p0 $0x88, s6;
	s7 =	simm.s32 @p2 $0x1082  }
0x22: {  	[simem:s7], [sflag:s8] =	dma.local @!p0 [hbm:s6], $0xF7A  }
0x23: {  	s9 =	sor.u32 $0xD0000000, s2;
	s6 =	simm.s32 $0x108;
	_ =	swait.ge @!p0 [sflag:s8], $0x0  }
0x24: {  	s3 =	sadd.s32 $0x88, s3;
	s6 =	simm.s32 @!p1 $0x1082;
	[sflag:s4] =	ssyncset.s32 $0xFFFFF086  }
0x25: {  	[simem:s6], [sflag:s4] =	dma.local [hbm:s3], $0xF7A  }
0x26: {  	[smem:$0x3F97] =	sst s1;
	(tag) =	ssettag s2;
	_ =	strace s9  }
0x27: {  	s1 =	sld [smem:$0x3FA7]  }
0x28: {  	s2 =	sld [smem:$0x3FA8]  }
0x29: {  	s4 =	sld [smem:$0x3FAA]  }
0x2a: {  	p0 =	seq.s32 s5, $0x0;
	s5 =	sld [smem:$0x3FAB]  }
0x2b: {  	s6 =	sld [smem:$0x3FAC]  }
0x2c: {  	s7 =	sld [smem:$0x3FAD]  }
0x2d: {  	s3 =	simm.s32 $0x108;
	s8 =	sld [smem:$0x3FAE]  }
0x2e: {  	s3 =	simm.s32 @!p0 $0x1082;
	s9 =	sld [smem:$0x3FAF]  }
0x2f: {  	lr =	sadd.s32 s0, s3;
	s0 =	sld [smem:$0x3FA6]  }
0x30: {  	s3 =	sld [smem:$0x3FA9]  }
0x31: {  	[smem:$0x3FB2] =	sst s10  }
0x32: {  	s10 =	sld [smem:$0x3FB0];
	_ =	sdelay $0x3  }
0x33: {  	p0 =	seq.s32 s10, $0x1;
	s10 =	sld [smem:$0x3FB2];
	_ =	sdelay $0x3  }
0x34: {  	[smem:$0x3FB2] =	sst s10  }
0x35: {  	s10 =	sld [smem:$0x3FB1];
	_ =	sdelay $0x3  }
0x36: {  	p1 =	seq.s32 s10, $0x1;
	s10 =	sld [smem:$0x3FB2];
	_ =	sdelay $0x3  }
0x37: {  	[smem:$0x3FB2] =	sst s10  }
0x38: {  	s10 =	sld [smem:$0x3FB3]  }
0x39: {  	_ = 	snop;
	(pc) =	sbr.ind lr, $3  }
0x3a: {  	_ = 	snop  }
0x3b: {  	_ = 	snop  }
0x3c: {  	p2 =	seq.s32 s10, $0x1;
	s10 =	sld [smem:$0x3FB2]  }
0x3d: {  	_ =	shalt  }
0x3e: {  	_ =	shalt  }
0x3f: {  	_ =	shalt  }
0x40: {  	_ =	shalt  }
0x41: {  	_ =	shalt  }
0x42: {  	_ =	shalt  }
0x43: {  	_ =	shalt  }
0x44: {  	_ =	shalt  }
0x45: {  	_ =	shalt  }
0x46: {  	_ =	shalt  }
0x47: {  	_ =	shalt  }
0x48: {  	_ =	shalt  }
0x49: {  	_ =	shalt  }
0x4a: {  	_ =	shalt  }
0x4b: {  	_ =	shalt  }
0x4c: {  	_ =	shalt  }
0x4d: {  	_ =	shalt  }
0x4e: {  	_ =	shalt  }
0x4f: {  	_ =	shalt  }
0x50: {  	_ =	shalt  }
0x51: {  	_ =	shalt  }
0x52: {  	_ =	shalt  }
0x53: {  	_ =	shalt  }
0x54: {  	_ =	shalt  }
0x55: {  	_ =	shalt  }
0x56: {  	_ =	shalt  }
0x57: {  	_ =	shalt  }
0x58: {  	_ =	shalt  }
0x59: {  	_ =	shalt  }
0x5a: {  	_ =	shalt  }
0x5b: {  	_ =	shalt  }
0x5c: {  	_ =	shalt  }
0x5d: {  	_ =	shalt  }
0x5e: {  	_ =	shalt  }
0x5f: {  	_ =	shalt  }
0x60: {  	_ =	shalt  }
0x61: {  	_ =	shalt  }
0x62: {  	_ =	shalt  }
0x63: {  	_ =	shalt  }
0x64: {  	_ =	shalt  }
0x65: {  	_ =	shalt  }
0x66: {  	_ =	shalt  }
0x67: {  	_ =	shalt  }
0x68: {  	_ =	shalt  }
0x69: {  	_ =	shalt  }
0x6a: {  	_ =	shalt  }
0x6b: {  	_ =	shalt  }
0x6c: {  	_ =	shalt  }
0x6d: {  	_ =	shalt  }
0x6e: {  	_ =	shalt  }
0x6f: {  	_ =	shalt  }
0x70: {  	_ =	shalt  }
0x71: {  	_ =	shalt  }
0x72: {  	_ =	shalt  }
0x73: {  	_ =	shalt  }
0x74: {  	_ =	shalt  }
0x75: {  	_ =	shalt  }
0x76: {  	_ =	shalt  }
0x77: {  	_ =	shalt  }
0x78: {  	_ =	shalt  }
0x79: {  	_ =	shalt  }
0x7a: {  	_ =	shalt  }
0x7b: {  	_ =	shalt  }
0x7c: {  	_ =	shalt  }
0x7d: {  	_ =	shalt  }
0x7e: {  	_ =	shalt  }
0x7f: {  	_ =	shalt  }
0x80: {  	_ =	shalt  }
0x81: {  	_ =	shalt  }
0x82: {  	_ =	shalt  }
0x83: {  	_ =	shalt  }
0x84: {  	_ =	shalt  }
0x85: {  	_ =	shalt  }
0x86: {  	_ =	shalt  }
0x87: {  	_ =	shalt  }
.Lfunc_end0:
.L_simem_size_0:
called_computation.1_lowered:
.L_overlay_start_0:
0x88: {  	s2 =	sld [smem:$0x3FD9]  }
0x89: {  	s3 =	sld [smem:$0x3FFE];
	_ =	sdelay $0x1  }
0x8a: {  	s1 =	srdreg.scid  }
0x8b: {  	s0 =	sand.u32 $0x1, s1  }
0x8c: {  	s17 =	sshll.u32 s0, $0xA;
	s2 =	sadd.s32 s3, s2  }
0x8d: {  	s2 =	sadd.s32 s2, s17  }
0x8e: {  	[smem:$0x3FBE] =	sst s2  }
0x8f: {  	_ = 	snop  }
0x90: {  	s2 =	sld [smem:$0x3FC2]  }
0x91: {  	s18 =	sld [smem:$0x3FD0];
	(tm) =	ssettm $0x1  }
0x92: {  	s4 =	sld [smem:$0x3FFB];
	_ =	sdelay $0x3  }
0x93: {  	_ =	strace s4  }
0x94: {  	s4 =	sld [smem:$0x3FFC];
	_ =	sdelay $0x3  }
0x95: {  	_ =	strace s4  }
0x96: {  	s4 =	sld [smem:$0x3FFD];
	_ =	sdelay $0x3  }
0x97: {  	_ =	strace s4  }
0x98: {  	_ =	strace $0x8FFFFFFF  }
0x99: {  	s19 =	sld [smem:$0x3FDB];
	_ =	sdelay $0x1  }
0x9a: {  	s5 =	simm.s32 $_scs_section_size  }
0x9b: {  	s6 =	simm.s32 $_size__tile_overlayer_lowered;
	s7 =	simm.s32 $_tile_overlayer_lowered  }
0x9c: {  	s22 =	simm.s32 $0x1BFF;
	s21 =	sshll.u32 s7, $0x1;
	s4 =	sadd.s32 s5, s19  }
0x9d: {  	s8 =	simm.s32 $0x0;
	s20 =	sshll.u32 s6, $0x1;
	s6 =	sadd.s32 s21, s4  }
0x9e: {  	[timem:s8], [sflag:s22] =	dma.local [hbm:s6], s20  }
0x9f: {  	_ =	swait.ge [sflag:s22], s20  }
0xa0: {  	s5 =	ssub.s32 $0x0, s20;
	[sflag:s22] =	ssyncset.done $0x0  }
0xa1: {  	[sflag:s22] =	ssyncadd.s32 s5;
	_ =	sdelay $0x1  }
0xa2: {  	s23 =	simm.s32 $0x1B8B  }
0xa3: {  	_ =	swait.ge [sflag:s23], $0x1  }
0xa4: {  	[sflag:s23] =	ssyncset.done $0x0  }
0xa5: {  	s25 =	simm.s32 $0x1B8E;
	s24 =	sld [smem:$0x3FFE];
	[sflag:s23] =	ssyncadd.s32 $0xFFFFFFFF  }
0xa6: {  	s26 =	simm.s32 $execute0_lowered;
	[smem:$0x3FD2] =	sst s25  }
0xa7: {  	s6 =	sshll.u32 s26, $0x1;
	_ =	strace $0x80000049;
	[dreg:$0x1] =	wrdreg $0xFFFFFFFF  }
0xa8: {  	s28 =	simm.s32 $_size_execute0_lowered;
	s4 =	sadd.s32 s4, s6;
	[dreg:$0x0] =	wrdreg $0x0  }
0xa9: {  	s6 =	sshll.u32 s28, $0x1;
	[dreg:$0x2] =	wrdreg s4  }
0xaa: {  	[dreg:$0x3] =	wrdreg s6  }
0xab: {  	[dreg:$0x4] =	wrdreg $0xC0  }
0xac: {  	_ =	task [dreg:s8], $0x5FFFF  }
0xad: {  	[dreg:$0x1] =	wrdreg $0xFFFFFFFF  }
0xae: {  	[dreg:$0x0] =	wrdreg $0x60  }
0xaf: {  	[dreg:$0x2] =	wrdreg s24  }
0xb0: {  	[dreg:$0x3] =	wrdreg s2  }
0xb1: {  	[dreg:$0x4] =	wrdreg s18  }
0xb2: {  	[dreg:$0x5] =	wrdreg $0x89800  }
0xb3: {  	[dreg:$0x6] =	wrdreg $0x9  }
0xb4: {  	_ =	task.clear_ibuf [dreg:s8], $0x7FFFF;
	_ =	strace $0x90000049  }
0xb5: {  	s29 =	simm.s32 $0x9;
	_ =	strace $0x8000004B  }
0xb6: {  	_ =	swait.ge [sflag:s29], $0x1  }
0xb7: {  	[sflag:s29] =	ssyncadd.s32 $0xFFFFFFFF  }
0xb8: {  	_ =	strace $0x9000004B  }
0xb9: {  	_ =	sfence  }
0xba: {  	s30 =	sld [smem:$0x0];
	_ =	sdelay $0x2  }
0xbb: {  	s31 =	sshll.u32 s1, $0xD;
	s1 =	sshrl.u32 s1, $0x2  }
0xbc: {  	s3 =	sand.u32 $0x4000, s31;
	s1 =	sadd.s32 s1, s30  }
0xbd: {  	s0 =	sor.u32 s3, s0;
	s1 =	sshll.u32 s1, $0x11  }
0xbe: {  	s0 =	sor.u32 s1, s0  }
0xbf: {  	s0 =	sadd.s32 $0x8F2B, s0  }
0xc0: {  	[sflag:s0] =	ssyncadd.remote.s32 $0x1  }
0xc1: {  	_ =	sfence.sel $0xFFFF  }
0xc2: {  	[dreg:$0x0] =	wrdreg $0xFFFFFFFF;
	(pc) =	sbr.abs _section_cstart, $3  }
0xc3: {  	[dreg:$0x1] =	wrdreg $0xFFFFFFFF  }
0xc4: {  	_ =	task.clear_ibuf [dreg:s8], $0x2FFFF;
	_ =	strace $0x9FFFFFFF  }
0xc5: {  	(tm) =	ssettm $0x7FFFFFFF  }
tec
execute0_lowered:
.L_overlay_start_1:
0x0: {  	(tag) =	ssettag $0x1  }
0x1: {  	s8 =	rddreg [dreg:$0x0]  }
0x2: {  	s0 =	rddreg [dreg:$0x1]  }
0x3: {  	s3 =	rddreg [dreg:$0x2]  }
0x4: {  	s1 =	srdreg.scid;
	s4 =	rddreg [dreg:$0x3]  }
0x5: {  	s2 =	stileid.u32;
	s5 =	simm.s32 $0x0;
	s16 =	simm.s32 $0x180  }
0x6: {  	s17 =	simm.s32 $0x3;
	s18 =	simm.s32 $0x100;
	s19 =	simm.s32 $0x80  }
0x7: {  	s20 =	simm.s32 $0x4980;
	s21 =	simm.s32 $0x1;
	s22 =	simm.s32 $0x2  }
0x8: {  	s9 =	sand.u32 $0x1, s1;
	s1 =	rddreg [dreg:$0x4];
	s7 =	smul.u32 $0x16800, s2  }
0x9: {  	s23 =	simm.s32 $0x0;
	[smem:$0x7FF] =	sst s5;
	s11 =	smul.u32 $0x5A000, s2  }
0xa: {  	s6 =	smul.u32 $0x168000, s9;
	_ =	strace $0x8000004A;
	s30 =	ssub.s32 $0x2, s9  }
0xb: {  	s9 =	sshll.u32 s9, $0x4;
	s31 =	sshrl.u32 s30, $0x1;
	s11 =	sshrl.u32 s11, $0x2  }
0xc: {  	s13 =	sor.u32 s2, s9;
	s7 =	sadd.s32 s7, s6;
	s6 =	sadd.s32 $0x29A00, s8  }
0xd: {  	s15 =	ssub.s32 s30, s31;
	s13 =	smul.u32 $0x5100, s13;
	s10 =	sshrl.u32 s7, $0x3  }
0xe: {  	v0 =	vimm.f32 $0.0e+00;
	vm0 =	vcmask $0x300;
	s7 =	sadd.s32 $0x1A00, s8;
	s14 =	sadd.s32 s10, s8;
	s8 =	sadd.s32 s11, s4  }
0xf: {  	v13 =	vsel vm0, $0x3F800000, v0;
	s15 =	smax.u32 s15, $0x1;
	s9 =	sadd.s32 $0x4800, s8;
	s10 =	sadd.s32 $0x9000, s8  }
0x10: {  	[tilespmem:$0x1FFF0] =	vst v13;
	s11 =	sadd.s32 $0xD800, s8;
	s12 =	sadd.s32 $0x12000, s8;
	s14 =	sadd.s32 $0x56A00, s14  }
.LBB2_1:
0x11: {  	s24 =	simm.s32 $0x0;
	s25 =	simm.s32 $0x240  }
.LBB2_2:
0x12: {  	p0 =	sne.s32 s25, $0x11DC0;
	[tilespmem:s24+$0x200] =	vst v0  }
0x13: {  	[tilespmem:s24+$0x180] =	vst v0  }
0x14: {  	[tilespmem:s24+$0x190] =	vst v0  }
0x15: {  	[tilespmem:s24+$0x1A0] =	vst v0  }
.Ltmp0:
0x16: {  	[tilespmem:s24+$0x1B0] =	vst v0;
	(pc) =	sbr.rel @p0 .LBB2_2-.Ltmp0, $4  }
0x17: {  	[tilespmem:s24+$0x1C0] =	vst v0  }
0x18: {  	[tilespmem:s24+$0x1D0] =	vst v0  }
0x19: {  	[tilespmem:s24+$0x1E0] =	vst v0  }
0x1a: {  	[tilespmem:s24+$0x1F0] =	vst v0;
	s24 =	sshra.s32 s25, $0x2;
	s25 =	sadd.s32 $0x240, s25  }
0x1b: {  	[tilespmem:s24+$0x200] =	vst v0  }
0x1c: {  	[tilespmem:s24+$0x180] =	vst v0  }
0x1d: {  	[tilespmem:s24+$0x190] =	vst v0  }
0x1e: {  	[tilespmem:s24+$0x1A0] =	vst v0  }
0x1f: {  	[tilespmem:s24+$0x1B0] =	vst v0  }
0x20: {  	[tilespmem:s24+$0x1C0] =	vst v0  }
0x21: {  	[tilespmem:s24+$0x1D0] =	vst v0  }
0x22: {  	[tilespmem:s24+$0x1E0] =	vst v0  }
0x23: {  	[tilespmem:s24+$0x1F0] =	vst v0  }
0x24: {  	[spmem:s8] =	stream.linear.scatter [tilespmem:s16], [sflag:$0x3], $0x4800, $0x38;
	[tilespmem:$0x1F180] =	vst v63  }
0x25: {  	_ =	swait.ge [sflag:s17], $0x4800  }
0x26: {  	[sflag:s17] =	ssyncset.done $0x0  }
0x27: {  	[sflag:s17] =	ssyncadd.s32 $0xFFFFB800  }
0x28: {  	[spmem:s9] =	stream.linear.scatter [tilespmem:s16], [sflag:$0x3], $0x4800, $0x38;
	[tilespmem:$0x1F180] =	vst v63  }
0x29: {  	_ =	swait.ge [sflag:s17], $0x4800  }
0x2a: {  	[sflag:s17] =	ssyncset.done $0x0  }
0x2b: {  	[sflag:s17] =	ssyncadd.s32 $0xFFFFB800  }
0x2c: {  	[spmem:s10] =	stream.linear.scatter [tilespmem:s16], [sflag:$0x3], $0x4800, $0x38;
	[tilespmem:$0x1F180] =	vst v63  }
0x2d: {  	_ =	swait.ge [sflag:s17], $0x4800  }
0x2e: {  	[sflag:s17] =	ssyncset.done $0x0  }
0x2f: {  	[sflag:s17] =	ssyncadd.s32 $0xFFFFB800  }
0x30: {  	[spmem:s11] =	stream.linear.scatter [tilespmem:s16], [sflag:$0x3], $0x4800, $0x38;
	[tilespmem:$0x1F180] =	vst v63  }
0x31: {  	_ =	swait.ge [sflag:s17], $0x4800  }
0x32: {  	[sflag:s17] =	ssyncset.done $0x0  }
0x33: {  	[sflag:s17] =	ssyncadd.s32 $0xFFFFB800  }
0x34: {  	[spmem:s12] =	stream.linear.scatter [tilespmem:s16], [sflag:$0x3], $0x4800, $0x38;
	[tilespmem:$0x1F180] =	vst v63  }
0x35: {  	_ =	swait.ge [sflag:s17], $0x4800  }
0x36: {  	[sflag:s17] =	ssyncset.done $0x0  }
0x37: {  	s24 =	simm.s32 $0x0;
	[sflag:s17] =	ssyncadd.s32 $0xFFFFB800  }
0x38: {  	[tilespmem:s18], [sflag:$0x3] =	stream.linear.gather [hbm4b:s0+s24], $0x80, $0x38;
	[tilespmem:$0x1F180] =	vst v63  }
0x39: {  	_ =	swait.ge [sflag:s17], $0x80  }
0x3a: {  	[sflag:s17] =	ssyncset.done $0x0  }
0x3b: {  	[sflag:s17] =	ssyncadd.s32 $0xFFFFFF80  }
0x3c: {  	v57 =	vld [tilespmem:$0x100]  }
0x3d: {  	v58 =	vld [tilespmem:$0x120]  }
0x3e: {  	v59 =	vld [tilespmem:$0x130]  }
0x3f: {  	v60 =	vld [tilespmem:$0x140]  }
0x40: {  	v61 =	vld [tilespmem:$0x150]  }
0x41: {  	v62 =	vld [tilespmem:$0x160];
	[tilespmem:$0x1FF80] =	vst v57  }
0x42: {  	v63 =	vld [tilespmem:$0x170];
	[tilespmem:$0x1FF90] =	vst v58  }
0x43: {  	[tilespmem:$0x1FFA0] =	vst v59  }
0x44: {  	[tilespmem:$0x1FFB0] =	vst v60  }
0x45: {  	[tilespmem:$0x1FFC0] =	vst v61  }
0x46: {  	[tilespmem:$0x1FFD0] =	vst v62  }
0x47: {  	[tilespmem:$0x1FFE0] =	vst v63  }
0x48: {  	v8 =	vld [tilespmem:$0x110];
	[bflag:$0x0] =	sbarrier.arrive $0xFFFF  }
.LBB2_4:
0x49: {  	s25 =	sshll.u32 s24, $0x8  }
0x4a: {  	s25 =	sadd.s32 s13, s25  }
0x4b: {  	s25 =	sshrl.u32 s25, $0x3  }
0x4c: {  	s25 =	sadd.s32 s3, s25  }
0x4d: {  	[tilespmem:s5], [sflag:$0x3] =	stream.linear.gather [hbm4b:s25+s5], $0x100, $0x38;
	[tilespmem:$0x1F180] =	vst v63  }
0x4e: {  	_ =	swait.ge [sflag:s17], $0x100  }
0x4f: {  	[sflag:s17] =	ssyncset.done $0x0  }
0x50: {  	[sflag:s17] =	ssyncadd.s32 $0xFFFFFF00  }
0x51: {  	[tilespmem:s16], [sflag:$0x1] =	stream.indirect.gather [hbm4b:s6+s19], $0x90, s5, s19, $0xb8;
	[tilespmem:$0x1F180] =	vst v63  }
0x52: {  	_ = 	snop  }
0x53: {  	[tilespmem:s20], [sflag:$0x2] =	stream.indirect.gather [hbm4b:s7+s19], $0x80, s19, s19, $0xb8;
	[tilespmem:$0x1F180] =	vst v63  }
0x54: {  	_ =	swait.ge [sflag:s21], $0x4800  }
0x55: {  	[sflag:s21] =	ssyncset.done $0x0  }
0x56: {  	[sflag:s21] =	ssyncadd.s32 $0xFFFFB800  }
0x57: {  	_ =	swait.ge [sflag:s22], $0x4000  }
0x58: {  	[sflag:s22] =	ssyncset.done $0x0  }
0x59: {  	s25 =	simm.s32 $0x2A0;
	[sflag:s22] =	ssyncadd.s32 $0xFFFFC000  }
0x5a: {  	v49 =	vld [tilespmem:s25+$0x90]  }
0x5b: {  	v57 =	vld [tilespmem:s25+$0xA0]  }
0x5c: {  	v55 =	vld [tilespmem:s25+$0xB0]  }
0x5d: {  	v56 =	vld [tilespmem:s25+$0xC0]  }
0x5e: {  	v53 =	vld [tilespmem:s25+$0xD0]  }
0x5f: {  	v54 =	vld [tilespmem:s25+$0xE0]  }
0x60: {  	v58 =	vld [tilespmem:s25+$0xF0]  }
0x61: {  	s26 =	simm.s32 $0x4A80;
	v52 =	vld [tilespmem:s25+$0x100]  }
0x62: {  	v1 =	vld [tilespmem:s26+$0x80]  }
0x63: {  	v2 =	vld [tilespmem:s26+$0x90]  }
0x64: {  	v3 =	vld [tilespmem:s26+$0xA0]  }
0x65: {  	v33 =	vld [tilespmem:s25+$0xFFFFFEF0]  }
0x66: {  	v4 =	vld [tilespmem:s26+$0xB0]  }
0x67: {  	v5 =	vld [tilespmem:s26+$0xC0]  }
0x68: {  	v6 =	vld [tilespmem:s26+$0xD0]  }
0x69: {  	v12 =	vld [tilespmem:s26+$0xE0]  }
0x6a: {  	v13 =	vld [tilespmem:s26+$0xF0];
	[tilespmem:$0x1FF30] =	vst v33  }
0x6b: {  	v31 =	vld [tilespmem:s25+$0xFFFFFF00];
	_ =	sdelay $0x4  }
0x6c: {  	[tilespmem:$0x1FF40] =	vst v31  }
0x6d: {  	v32 =	vld [tilespmem:s25+$0xFFFFFF10];
	_ =	sdelay $0x4  }
0x6e: {  	[tilespmem:$0x1FF50] =	vst v32  }
0x6f: {  	v30 =	vld [tilespmem:s25+$0xFFFFFF20];
	_ =	sdelay $0x4  }
0x70: {  	[tilespmem:$0x1FF60] =	vst v30  }
0x71: {  	v29 =	vld [tilespmem:s25+$0xFFFFFF30];
	_ =	sdelay $0x4  }
0x72: {  	[tilespmem:$0x1FF70] =	vst v29  }
0x73: {  	v27 =	vld [tilespmem:s25+$0xFFFFFF40]  }
0x74: {  	v28 =	vld [tilespmem:s25+$0xFFFFFF50]  }
0x75: {  	v0 =	vld [tilespmem:s26+$0xFFFFFF00]  }
0x76: {  	v14 =	vld [tilespmem:s26+$0xFFFFFF10]  }
0x77: {  	v15 =	vld [tilespmem:s26+$0xFFFFFF20]  }
0x78: {  	v35 =	vld [tilespmem:s25+$0xFFFFFF70]  }
0x79: {  	v2 =	vadd.f32 v2, v57;
	v17 =	vld [tilespmem:s26+$0xFFFFFF30]  }
0x7a: {  	v20 =	vld [tilespmem:s26+$0xFFFFFF40]  }
0x7b: {  	v18 =	vmul.f32 $2.000000030e-01, v2;
	v23 =	vld [tilespmem:s26+$0xFFFFFF50]  }
0x7c: {  	v26 =	vld [tilespmem:s26+$0xFFFFFF60]  }
0x7d: {  	v2 =	vmax.f32 v2, v18;
	v18 =	vld [tilespmem:s26+$0xFFFFFF70];
	[tilespmem:$0x1FEB0] =	vst v35  }
0x7e: {  	v36 =	vld [tilespmem:s25+$0xFFFFFF80];
	_ =	sdelay $0x4  }
0x7f: {  	[tilespmem:$0x1FEC0] =	vst v36  }
0x80: {  	v34 =	vld [tilespmem:s25+$0xFFFFFF90];
	_ =	sdelay $0x4  }
0x81: {  	[tilespmem:$0x1FED0] =	vst v34  }
0x82: {  	v37 =	vld [tilespmem:s25+$0xFFFFFFA0];
	_ =	sdelay $0x4  }
0x83: {  	[tilespmem:$0x1FEE0] =	vst v37  }
0x84: {  	v40 =	vld [tilespmem:s25+$0xFFFFFFB0]  }
0x85: {  	v38 =	vld [tilespmem:$0x1FF80]  }
0x86: {  	v9 =	vld [tilespmem:$0x1FF90];
	v1 =	vadd.f32 v1, v49  }
0x87: {  	v10 =	vld [tilespmem:$0x1FFA0];
	v3 =	vadd.f32 v3, v55;
	v4 =	vadd.f32 v4, v56  }
0x88: {  	v11 =	vld [tilespmem:$0x1FFB0];
	v5 =	vadd.f32 v5, v53;
	v6 =	vadd.f32 v6, v54;
	v16 =	vmul.f32 $2.000000030e-01, v1  }
0x89: {  	v63 =	vld [tilespmem:$0x1FFC0];
	v19 =	vmul.f32 $2.000000030e-01, v3;
	v21 =	vmul.f32 $2.000000030e-01, v4;
	[tilespmem:$0x1FEF0] =	vst v40  }
0x8a: {  	v12 =	vadd.f32 v12, v58;
	v22 =	vmul.f32 $2.000000030e-01, v5;
	v24 =	vmul.f32 $2.000000030e-01, v6;
	v39 =	vld [tilespmem:s25+$0xFFFFFFC0]  }
0x8b: {  	v1 =	vmax.f32 v1, v16;
	v3 =	vmax.f32 v3, v19;
	v4 =	vmax.f32 v4, v21  }
0x8c: {  	v5 =	vmax.f32 v5, v22;
	v1 =	vmul.f32 v1, v38;
	v2 =	vmul.f32 v2, v8  }
0x8d: {  	v7 =	vld [tilespmem:$0x1FFD0];
	v6 =	vmax.f32 v6, v24;
	v3 =	vmul.f32 v3, v9;
	v4 =	vmul.f32 v4, v10  }
0x8e: {  	v61 =	vld [tilespmem:$0x1FFE0];
	v13 =	vadd.f32 v13, v52;
	v5 =	vmul.f32 v5, v11;
	v6 =	vmul.f32 v6, v63  }
0x8f: {  	v25 =	vmul.f32 $2.000000030e-01, v12;
	v1 =	vadd.f32 v2, v1;
	v2 =	vadd.f32 v4, v3;
	[tilespmem:$0x1FF00] =	vst v39  }
0x90: {  	v16 =	vmul.f32 $2.000000030e-01, v13;
	v3 =	vadd.f32 v6, v5;
	v5 =	vadd.f32 v15, v31;
	v31 =	vld [tilespmem:s25+$0xFFFFFFD0];
	_ =	sdelay $0x1  }
0x91: {  	v12 =	vmax.f32 v12, v25;
	v13 =	vmax.f32 v13, v16  }
0x92: {  	v12 =	vmul.f32 v12, v7;
	v13 =	vmul.f32 v13, v61;
	_ =	sdelay $0x1  }
0x93: {  	v4 =	vadd.f32 v13, v12;
	[tilespmem:$0x1FF10] =	vst v31  }
0x94: {  	v6 =	vadd.f32 v17, v32;
	v13 =	vadd.f32 v20, v30;
	v12 =	vld [tilespmem:s25+$0xFFFFFFE0];
	[tilespmem:$0x1FE20] =	vst v27  }
0x95: {  	v15 =	vadd.f32 v23, v29;
	v16 =	vadd.f32 v26, v27;
	v17 =	vld [tilespmem:s26+$0xFFFFFF80];
	[tilespmem:$0x1FE30] =	vst v28  }
0x96: {  	v18 =	vadd.f32 v18, v28;
	v19 =	vmul.f32 $2.000000030e-01, v5;
	v20 =	vmul.f32 $2.000000030e-01, v13;
	v21 =	vld [tilespmem:s26+$0xFFFFFF90]  }
0x97: {  	v22 =	vadd.f32 v14, v33;
	v14 =	vmul.f32 $2.000000030e-01, v15;
	v23 =	vmul.f32 $2.000000030e-01, v16;
	v24 =	vld [tilespmem:s26+$0xFFFFFFA0]  }
0x98: {  	v1 =	vadd.f32 v2, v1;
	v2 =	vmul.f32 $2.000000030e-01, v6;
	v25 =	vmul.f32 $2.000000030e-01, v18;
	v26 =	vld [tilespmem:s26+$0xFFFFFFB0]  }
0x99: {  	v13 =	vmax.f32 v13, v20;
	v14 =	vmax.f32 v15, v14;
	v15 =	vmax.f32 v16, v23;
	v20 =	vld [tilespmem:s26+$0xFFFFFFC0]  }
0x9a: {  	v16 =	vmax.f32 v18, v25;
	v13 =	vmul.f32 v13, v11;
	v14 =	vmul.f32 v14, v63;
	v23 =	vld [tilespmem:s26+$0xFFFFFFD0]  }
0x9b: {  	v5 =	vmax.f32 v5, v19;
	v15 =	vmul.f32 v15, v7;
	v16 =	vmul.f32 v16, v61;
	v19 =	vld [tilespmem:s26+$0xFFFFFFE0]  }
0x9c: {  	v3 =	vadd.f32 v4, v3;
	v4 =	vmul.f32 v5, v9;
	v5 =	vld [tilespmem:s26+$0xFFFFFFF0]  }
0x9d: {  	v2 =	vmax.f32 v6, v2;
	v6 =	vadd.f32 v14, v13;
	v13 =	vadd.f32 v16, v15;
	v15 =	vld [tilespmem:s25+$0x0]  }
0x9e: {  	v2 =	vmul.f32 v2, v10;
	v45 =	vld [tilespmem:s25+$0x10]  }
0x9f: {  	v1 =	vadd.f32 v3, v1;
	v14 =	vld [tilespmem:s25+$0x30]  }
0xa0: {  	v2 =	vadd.f32 v2, v4;
	v41 =	vadd.f32 v13, v6;
	v18 =	vld [tilespmem:s25+$0x40]  }
0xa1: {  	v16 =	vld [tilespmem:s25+$0x50];
	v3 =	vadd.f32 v17, v35;
	v4 =	vadd.f32 v21, v36  }
0xa2: {  	v27 =	vld [tilespmem:s25+$0x60];
	v21 =	vadd.f32 v24, v34;
	v24 =	vmul.f32 $2.000000030e-01, v22;
	v26 =	vadd.f32 v26, v37  }
0xa3: {  	v17 =	vld [tilespmem:s25+$0x20];
	[tilespmem:$0x1FE40] =	vst v12;
	v20 =	vadd.f32 v20, v40;
	v23 =	vadd.f32 v23, v39;
	v6 =	vmul.f32 $2.000000030e-01, v3  }
0xa4: {  	v19 =	vadd.f32 v19, v31;
	v46 =	vld [tilespmem:s26+$0x10];
	v25 =	vmul.f32 $2.000000030e-01, v4;
	v28 =	vmul.f32 $2.000000030e-01, v21  }
0xa5: {  	v5 =	vadd.f32 v5, v12;
	v47 =	vld [tilespmem:s26+$0x50];
	v30 =	vmul.f32 $2.000000030e-01, v20;
	v31 =	vmul.f32 $2.000000030e-01, v23  }
0xa6: {  	v3 =	vmax.f32 v3, v6;
	v6 =	vmul.f32 $2.000000030e-01, v26;
	v4 =	vmax.f32 v4, v25;
	v25 =	vld [tilespmem:s25+$0x70]  }
0xa7: {  	v21 =	vmax.f32 v21, v28;
	v28 =	vmul.f32 $2.000000030e-01, v19;
	v23 =	vmax.f32 v23, v31;
	v31 =	vld [tilespmem:s26+$0x20]  }
0xa8: {  	v20 =	vmax.f32 v20, v30;
	v30 =	vmul.f32 $2.000000030e-01, v5;
	v6 =	vmax.f32 v26, v6;
	v26 =	vld [tilespmem:s26+$0x0]  }
0xa9: {  	v21 =	vmul.f32 v21, v9;
	v19 =	vmax.f32 v19, v28;
	v6 =	vmul.f32 v6, v10;
	v28 =	vld [tilespmem:s26+$0x30]  }
0xaa: {  	v3 =	vmul.f32 v3, v38;
	v4 =	vmul.f32 v4, v8;
	v5 =	vmax.f32 v5, v30;
	v30 =	vld [tilespmem:s26+$0x40]  }
0xab: {  	v6 =	vadd.f32 v6, v21;
	v21 =	vld [tilespmem:s26+$0x60];
	[tilespmem:$0x1FE50] =	vst v15  }
0xac: {  	v3 =	vadd.f32 v4, v3;
	v4 =	vmul.f32 v19, v7;
	v19 =	vmax.f32 v22, v24;
	v24 =	vld [tilespmem:s26+$0x70];
	[tilespmem:$0x1FE60] =	vst v45  }
0xad: {  	[tilespmem:$0x1FE70] =	vst v17  }
0xae: {  	v20 =	vmul.f32 v20, v11;
	v23 =	vmul.f32 v23, v63;
	v12 =	vld [tilespmem:s25+$0xFFFFFEE0]  }
0xaf: {  	v33 =	vadd.f32 v47, v16;
	v5 =	vmul.f32 v5, v61  }
0xb0: {  	v20 =	vadd.f32 v23, v20;
	v23 =	vadd.f32 v46, v45  }
0xb1: {  	v4 =	vadd.f32 v5, v4;
	v5 =	vadd.f32 v26, v15  }
0xb2: {  	v34 =	vmul.f32 v19, v8;
	v26 =	vadd.f32 v31, v17;
	[tilespmem:$0x1FE80] =	vst v14;
	v31 =	vmul.f32 $2.000000030e-01, v23  }
0xb3: {  	s26 =	simm.s32 $0x4E0;
	v3 =	vadd.f32 v6, v3;
	v28 =	vadd.f32 v28, v14;
	v6 =	vmul.f32 $2.000000030e-01, v5;
	[tilespmem:$0x1FF20] =	vst v12  }
0xb4: {  	v4 =	vadd.f32 v4, v20;
	v48 =	vmul.f32 $2.000000030e-01, v26;
	v31 =	vmax.f32 v23, v31;
	v19 =	vld [tilespmem:s26+$0x90]  }
0xb5: {  	v51 =	vadd.f32 v21, v27;
	v31 =	vmul.f32 v31, v8;
	v5 =	vmax.f32 v5, v6;
	v22 =	vld [tilespmem:s26+$0xA0];
	[tilespmem:$0x1FE90] =	vst v18  }
0xb6: {  	v6 =	vadd.f32 v30, v18;
	v30 =	vmul.f32 $2.000000030e-01, v28;
	v32 =	vmax.f32 v26, v48;
	v20 =	vld [tilespmem:s26+$0xB0];
	[tilespmem:$0x1FEA0] =	vst v16  }
0xb7: {  	v59 =	vadd.f32 v24, v25;
	v60 =	vmul.f32 $2.000000030e-01, v51;
	v5 =	vmul.f32 v5, v38;
	v23 =	vld [tilespmem:s26+$0xC0]  }
0xb8: {  	v0 =	vadd.f32 v0, v12;
	v32 =	vmul.f32 v32, v9;
	v50 =	vmul.f32 $2.000000030e-01, v6;
	v21 =	vld [tilespmem:s26+$0xD0]  }
0xb9: {  	s28 =	simm.s32 $0x4C80;
	v30 =	vmax.f32 v28, v30;
	v28 =	vmul.f32 $2.000000030e-01, v33;
	v62 =	vmul.f32 $2.000000030e-01, v59;
	v14 =	vld [tilespmem:s26+$0xE0]  }
0xba: {  	v42 =	vmul.f32 $2.000000030e-01, v0;
	v35 =	vmax.f32 v51, v60;
	v30 =	vmul.f32 v30, v10;
	v43 =	vld [tilespmem:s28+$0x80]  }
0xbb: {  	v5 =	vadd.f32 v31, v5;
	v6 =	vmax.f32 v6, v50;
	v33 =	vmax.f32 v33, v28;
	v44 =	vld [tilespmem:s28+$0x90]  }
0xbc: {  	v37 =	vmax.f32 v59, v62;
	v45 =	vld [tilespmem:s28+$0xA0];
	v35 =	vmul.f32 v35, v7;
	v6 =	vmul.f32 v6, v11  }
0xbd: {  	v15 =	vmovc v38;
	v46 =	vld [tilespmem:s28+$0xB0];
	v0 =	vmax.f32 v0, v42;
	v33 =	vmul.f32 v33, v63;
	v31 =	vmul.f32 v37, v61  }
0xbe: {  	v3 =	vadd.f32 v4, v3;
	v12 =	vld [tilespmem:s26+$0xF0];
	v30 =	vadd.f32 v30, v32;
	v0 =	vmul.f32 v0, v15  }
0xbf: {  	v47 =	vld [tilespmem:s28+$0xC0];
	v6 =	vadd.f32 v33, v6;
	v31 =	vadd.f32 v31, v35  }
0xc0: {  	v48 =	vld [tilespmem:s28+$0xD0];
	v4 =	vadd.f32 v30, v5;
	v0 =	vadd.f32 v34, v0  }
0xc1: {  	v18 =	vmov v15;
	v5 =	vld [tilespmem:s28+$0xE0];
	v30 =	vadd.f32 v43, v19;
	v15 =	vadd.f32 v44, v22  }
0xc2: {  	v16 =	vld [tilespmem:s26+$0x100];
	v50 =	vadd.f32 v45, v20;
	v51 =	vadd.f32 v46, v23  }
0xc3: {  	v0 =	vadd.f32 v2, v0;
	v2 =	vadd.f32 v31, v6;
	v6 =	vld [tilespmem:s28+$0xF0]  }
0xc4: {  	v32 =	vadd.f32 v47, v21;
	v36 =	vmul.f32 $2.000000030e-01, v30;
	v59 =	vmul.f32 $2.000000030e-01, v15  }
0xc5: {  	v17 =	vadd.f32 v48, v14;
	v38 =	vmul.f32 $2.000000030e-01, v50;
	v60 =	vmul.f32 $2.000000030e-01, v51  }
0xc6: {  	v62 =	vmul.f32 $2.000000030e-01, v32;
	v5 =	vadd.f32 v5, v12;
	v0 =	vadd.f32 v41, v0  }
0xc7: {  	v29 =	vmovc v12;
	v31 =	vmovc v14;
	v12 =	vmul.f32 $2.000000030e-01, v17;
	v30 =	vmax.f32 v30, v36;
	v14 =	vmax.f32 v15, v59  }
0xc8: {  	v34 =	vmax.f32 v50, v38;
	v44 =	vmul.f32 $2.000000030e-01, v5;
	v6 =	vadd.f32 v6, v16  }
0xc9: {  	v35 =	vmax.f32 v51, v60;
	v30 =	vmul.f32 v30, v18;
	v14 =	vmul.f32 v14, v8  }
0xca: {  	v32 =	vmax.f32 v32, v62;
	v15 =	vmul.f32 v34, v9;
	v45 =	vmul.f32 $2.000000030e-01, v6  }
0xcb: {  	(xrf2) =	vadd.scan.msk.f32 $0xffff, v1;
	v12 =	vmax.f32 v17, v12;
	v46 =	vmul.f32 v35, v10;
	v1 =	vmul.f32 v32, v11  }
0xcc: {  	v47 =	vmul.f32 v12, v63;
	v5 =	vmax.f32 v5, v44;
	v6 =	vmax.f32 v6, v45  }
0xcd: {  	(xrf2) =	vadd.scan.msk.f32 $0xffff, v3;
	v24 =	vld [tilespmem:s26+$0xFFFFFF10];
	v2 =	vadd.f32 v2, v4;
	v3 =	vmul.f32 v5, v7;
	v4 =	vmul.f32 v6, v61  }
0xce: {  	v26 =	vld [tilespmem:s26+$0xFFFFFF20];
	v5 =	vadd.f32 v14, v30;
	v1 =	vadd.f32 v47, v1  }
0xcf: {  	v41 =	vld [tilespmem:s26+$0xFFFFFF40];
	v6 =	vadd.f32 v46, v15;
	v3 =	vadd.f32 v4, v3  }
0xd0: {  	v17 =	vld [tilespmem:s26+$0xFFFFFEF0]  }
0xd1: {  	v33 =	vmovc v16;
	(xrf2) =	vadd.scan.msk.f32 $0xffff, v0;
	v16 =	vmov v18;
	v18 =	vld [tilespmem:s26+$0xFFFFFF00];
	v0 =	vadd.f32 v6, v5;
	v1 =	vadd.f32 v3, v1  }
0xd2: {  	v5 =	vld [tilespmem:s28+$0xFFFFFF40]  }
0xd3: {  	(xrf2) =	vadd.scan.msk.f32 $0xffff, v2;
	v2 =	vld [tilespmem:s28+$0xFFFFFF20];
	v0 =	vadd.f32 v1, v0  }
0xd4: {  	v44 =	vld [tilespmem:s28+$0xFFFFFF60]  }
0xd5: {  	v1 =	vld [tilespmem:s28+$0xFFFFFF10];
	(xrf2) =	vadd.scan.msk.f32 $0xffff, v0  }
0xd6: {  	v28 =	vld [tilespmem:s26+$0xFFFFFF30]  }
0xd7: {  	v42 =	vld [tilespmem:s26+$0xFFFFFF50];
	v5 =	vadd.f32 v5, v26;
	v0, _, _ =	vpop (xrf2)  }
0xd8: {  	v62 =	vld [tilespmem:s28+$0xFFFFFF70];
	v2 =	vadd.f32 v2, v18;
	v0 =	vmul.f32 $1.442695020e+00, v0  }
0xd9: {  	v44 =	vadd.f32 v44, v41;
	v4 =	vld [tilespmem:s28+$0xFFFFFF30];
	v6 =	vmul.f32 $2.000000030e-01, v5  }
0xda: {  	v36 =	vld [tilespmem:s28+$0xFFFFFF50];
	v60 =	vmul.f32 $2.000000030e-01, v2;
	v3, _, _ =	vpop (xrf2);
	v1 =	vadd.f32 v1, v17;
	v0 =	vbroadcast v0, $0xF  }
0xdb: {  	v38 =	vld [tilespmem:s26+$0xFFFFFF90];
	v5 =	vmax.f32 v5, v6;
	v6 =	vmul.f32 $2.000000030e-01, v44;
	v3 =	vmul.f32 $1.442695020e+00, v3;
	v48, _, _ =	vpop (xrf2)  }
0xdc: {  	v34 =	vld [tilespmem:s26+$0xFFFFFF70];
	v50 =	vmul.f32 $1.442695020e+00, v48;
	v59 =	vmul.f32 $2.000000030e-01, v1  }
0xdd: {  	v35 =	vld [tilespmem:s26+$0xFFFFFF80];
	v62 =	vadd.f32 v62, v42;
	v3 =	vbroadcast v3, $0xF;
	(erf) = vpow2.f32 v0  }
0xde: {  	v4 =	vadd.f32 v4, v24;
	v47 =	vmax.f32 v44, v6;
	v6 =	vld [tilespmem:s28+$0xFFFFFFA0];
	v51 =	vbroadcast v50, $0xF;
	v0, _, _ =	vpop (xrf2)  }
0xdf: {  	v45 =	vld [tilespmem:s28+$0xFFFFFF90];
	v14 =	vmax.f32 v1, v59;
	(erf) = vpow2.f32 v3;
	v0 =	vmul.f32 $1.442695020e+00, v0;
	v1, _, _ =	vpop (xrf2)  }
0xe0: {  	v32 =	vld [tilespmem:s28+$0xFFFFFF80];
	v2 =	vmax.f32 v2, v60;
	v3 =	vmul.f32 $2.000000030e-01, v4;
	v1 =	vmul.f32 $1.442695020e+00, v1  }
0xe1: {  	v13 =	vld [tilespmem:$0x1FFF0];
	v2 =	vmul.f32 v2, v9;
	v43 =	vbroadcast v0, $0xF;
	v0 =	vadd.f32 v36, v28  }
0xe2: {  	v39 =	vld [tilespmem:s26+$0xFFFFFFB0];
	(erf) = vpow2.f32 v51;
	v3 =	vmax.f32 v4, v3;
	v1 =	vbroadcast v1, $0xF  }
0xe3: {  	v40 =	vld [tilespmem:s26+$0xFFFFFFC0];
	v6 =	vadd.f32 v6, v38;
	v4 =	vmul.f32 $2.000000030e-01, v0;
	(erf) = vpow2.f32 v43  }
0xe4: {  	v37 =	vld [tilespmem:s26+$0xFFFFFFD0];
	v45 =	vadd.f32 v45, v35;
	(erf) = vpow2.f32 v1;
	v1 =	vmul.f32 $2.000000030e-01, v62  }
0xe5: {  	v46 =	vld [tilespmem:s28+$0xFFFFFFB0];
	v3 =	vmul.f32 v3, v10;
	v50 =	vmul.f32 $2.000000030e-01, v6;
	v43 =	vadd.f32 v32, v34  }
0xe6: {  	v44 =	vld [tilespmem:s26+$0xFFFFFFE0];
	v32 =	vmul.f32 $2.000000030e-01, v45;
	v4 =	vmax.f32 v0, v4;
	v0 =	vpop (erf);
	v48 =	vmax.f32 v62, v1  }
0xe7: {  	v36 =	vld [tilespmem:s26+$0xFFFFFFA0];
	v49 =	vmul.f32 v0, v49;
	v62 =	vadd.f32 v3, v2;
	v2 =	vmul.f32 v5, v11  }
0xe8: {  	v3 =	vmul.f32 v4, v63;
	v5 =	vmul.f32 v0, v55;
	v55 =	vld [tilespmem:s28+$0xFFFFFFC0]  }
0xe9: {  	v51 =	vmul.f32 v0, v56;
	v56 =	vmul.f32 v0, v53;
	v53 =	vld [tilespmem:s28+$0xFFFFFFD0]  }
0xea: {  	v57 =	vmul.f32 v0, v57;
	v59 =	vmul.f32 v0, v54;
	v54 =	vld [tilespmem:s28+$0xFFFFFFE0]  }
0xeb: {  	v50 =	vmax.f32 v6, v50;
	v1 =	vmul.f32 $2.000000030e-01, v43;
	v12 =	vadd.f32 v3, v2;
	v3 =	vld [tilespmem:s28+$0xFFFFFFF0];
	[tilespmem:s25+$0x90] =	vst v49  }
0xec: {  	v58 =	vmul.f32 v0, v58;
	v46 =	vadd.f32 v46, v36;
	v2 =	vmul.f32 v13, v0;
	[tilespmem:s25+$0xA0] =	vst v57  }
0xed: {  	v60 =	vmul.f32 v0, v52;
	v4 =	vmax.f32 v43, v1;
	[tilespmem:s25+$0xB0] =	vst v5;
	v55 =	vadd.f32 v55, v39  }
0xee: {  	v1 =	vmul.f32 $2.000000030e-01, v46;
	v43 =	vmax.f32 v45, v32;
	[tilespmem:s25+$0x110] =	vst v2;
	v0 =	vadd.f32 v53, v40  }
0xef: {  	v4 =	vmul.f32 v4, v16;
	v2 =	vadd.f32 v54, v37;
	v5 =	vld [tilespmem:$0x1FEB0];
	[tilespmem:s25+$0xC0] =	vst v51;
	v45 =	vmul.f32 $2.000000030e-01, v55  }
0xf0: {  	v43 =	vmul.f32 v43, v8;
	[tilespmem:s25+$0xD0] =	vst v56;
	v3 =	vadd.f32 v3, v44;
	v32 =	vmul.f32 $2.000000030e-01, v0  }
0xf1: {  	v1 =	vmax.f32 v46, v1;
	v46 =	vmul.f32 v47, v7;
	[tilespmem:s25+$0xE0] =	vst v59;
	v57 =	vmul.f32 $2.000000030e-01, v2  }
0xf2: {  	v1 =	vmul.f32 v1, v10;
	[tilespmem:s25+$0xF0] =	vst v58;
	v0 =	vmax.f32 v0, v32;
	v32 =	vmul.f32 $2.000000030e-01, v3  }
0xf3: {  	[tilespmem:s25+$0x100] =	vst v60;
	v49 =	vmax.f32 v55, v45;
	v2 =	vmax.f32 v2, v57;
	v57 =	vmul.f32 v50, v9;
	v45 =	vpop (erf)  }
0xf4: {  	v2 =	vmul.f32 v2, v7;
	v7 =	vld [tilespmem:$0x1FEC0];
	v3 =	vmax.f32 v3, v32;
	v5 =	vmul.f32 v45, v5  }
0xf5: {  	v4 =	vadd.f32 v43, v4;
	v1 =	vadd.f32 v1, v57;
	v3 =	vmul.f32 v3, v61  }
0xf6: {  	[tilespmem:s25+$0xFFFFFF70] =	vst v5  }
0xf7: {  	v2 =	vadd.f32 v3, v2;
	v3 =	vadd.f32 v1, v4;
	v1 =	vld [tilespmem:$0x1FED0];
	_ =	sdelay $0x1  }
0xf8: {  	v10 =	vmul.f32 v45, v7;
	_ =	sdelay $0x1  }
0xf9: {  	[tilespmem:s25+$0xFFFFFF80] =	vst v10  }
0xfa: {  	v4 =	vld [tilespmem:$0x1FEE0];
	v1 =	vmul.f32 v45, v1;
	_ =	sdelay $0x1  }
0xfb: {  	v5 =	vld [tilespmem:$0x1FEF0];
	[tilespmem:s25+$0xFFFFFF90] =	vst v1  }
0xfc: {  	v1 =	vld [tilespmem:$0x1FF00];
	_ =	sdelay $0x1  }
0xfd: {  	v4 =	vmul.f32 v45, v4;
	_ =	sdelay $0x1  }
0xfe: {  	[tilespmem:s25+$0xFFFFFFA0] =	vst v4  }
0xff: {  	v32 =	vmul.f32 v49, v11;
	v11 =	vmul.f32 v45, v1;
	v1 =	vld [tilespmem:$0x1FF10]  }
0x100: {  	v15 =	vld [tilespmem:s28+$0xFFFFFF00];
	v0 =	vmul.f32 v0, v63  }
0x101: {  	v6 =	vld [tilespmem:s28+$0x10]  }
0x102: {  	v52 =	vld [tilespmem:s26+$0x0];
	v0 =	vadd.f32 v0, v32;
	v5 =	vmul.f32 v45, v5  }
0x103: {  	v53 =	vld [tilespmem:s26+$0x10]  }
0x104: {  	v54 =	vld [tilespmem:s26+$0x20];
	v0 =	vadd.f32 v2, v0;
	[tilespmem:s25+$0xFFFFFFB0] =	vst v5;
	v4 =	vmul.f32 v45, v1  }
0x105: {  	v51 =	vld [tilespmem:s28+$0x0];
	[tilespmem:s25+$0xFFFFFFC0] =	vst v11  }
0x106: {  	v10 =	vadd.f32 v0, v3;
	v0 =	vld [tilespmem:$0x1FF20];
	[tilespmem:s25+$0xFFFFFFD0] =	vst v4  }
0x107: {  	v4 =	vld [tilespmem:$0x1FF30]  }
0x108: {  	v56 =	vld [tilespmem:s26+$0x40]  }
0x109: {  	v55 =	vld [tilespmem:s26+$0x30]  }
0x10a: {  	v9 =	vld [tilespmem:s28+$0x20];
	v1 =	vpop (erf)  }
0x10b: {  	v48 =	vmul.f32 v48, v61;
	v50 =	vld [tilespmem:s26+$0x60];
	v0 =	vmul.f32 v1, v0  }
0x10c: {  	v43 =	vadd.f32 v51, v52;
	v51 =	vld [tilespmem:s26+$0x70];
	v4 =	vmul.f32 v1, v4  }
0x10d: {  	v46 =	vadd.f32 v48, v46;
	v6 =	vadd.f32 v6, v53;
	v63 =	vld [tilespmem:s28+$0x40];
	[tilespmem:s25+$0xFFFFFEE0] =	vst v0  }
0x10e: {  	v57 =	vld [tilespmem:s26+$0x50];
	v58 =	vmul.f32 $2.000000030e-01, v43;
	[tilespmem:s25+$0xFFFFFEF0] =	vst v4  }
0x10f: {  	v60 =	vadd.f32 v46, v12;
	v46 =	vmul.f32 $2.000000030e-01, v6;
	v4 =	vld [tilespmem:$0x1FF40]  }
0x110: {  	v49 =	vld [tilespmem:s28+$0x30]  }
0x111: {  	v48 =	vadd.f32 v9, v54;
	v7 =	vmax.f32 v6, v46;
	v59 =	vpop (erf);
	v6 =	vld [tilespmem:$0x1FF50]  }
0x112: {  	v9 =	vmax.f32 v43, v58;
	v43 =	vld [tilespmem:s26+$0xFFFFFEE0];
	v58 =	vpop (erf)  }
0x113: {  	v32 =	vmul.f32 $2.000000030e-01, v48;
	v3 =	vld [tilespmem:s28+$0x60];
	v11 =	vmul.f32 v13, v58  }
0x114: {  	v2 =	vld [tilespmem:s28+$0x50];
	v4 =	vmul.f32 v1, v4  }
0x115: {  	v46 =	vmax.f32 v48, v32;
	v48 =	vadd.f32 v49, v55;
	v5 =	vld [tilespmem:s28+$0x70];
	[tilespmem:s26+$0x110] =	vst v11  }
0x116: {  	v61 =	vmul.f32 v1, v6;
	v6 =	vld [tilespmem:$0x1FF60];
	[tilespmem:s25+$0xFFFFFF00] =	vst v4  }
0x117: {  	v32 =	vmul.f32 $2.000000030e-01, v48;
	v4 =	vld [tilespmem:$0x1FF70]  }
0x118: {  	v3 =	vadd.f32 v3, v50  }
0x119: {  	v63 =	vadd.f32 v63, v56;
	v2 =	vadd.f32 v2, v57;
	v49 =	vmax.f32 v48, v32  }
0x11a: {  	v32 =	vmul.f32 $2.000000030e-01, v3;
	v48 =	vadd.f32 v5, v51;
	v0 =	vmul.f32 v14, v8  }
0x11b: {  	(xrf2) =	vadd.scan.msk.f32 $0xffff, v10;
	v5 =	vadd.f32 v15, v43;
	v47 =	vmul.f32 v1, v6;
	v6 =	vmul.f32 $2.000000030e-01, v2  }
0x11c: {  	v3 =	vmax.f32 v3, v32;
	[tilespmem:s25+$0xFFFFFF10] =	vst v61;
	v11 =	vmul.f32 v1, v4;
	v4 =	vmul.f32 $2.000000030e-01, v63  }
0x11d: {  	[tilespmem:s25+$0xFFFFFF20] =	vst v47;
	v47 =	vmul.f32 v9, v16;
	v2 =	vmax.f32 v2, v6;
	v6 =	vmul.f32 $2.000000030e-01, v5  }
0x11e: {  	s29 =	simm.s32 $0x4;
	s30 =	simm.s32 $0x720;
	v16 =	vmovc v8;
	v61 =	vmax.f32 v63, v4;
	v4 =	vmul.f32 $2.000000030e-01, v48;
	[tilespmem:s25+$0xFFFFFF30] =	vst v11;
	v63 =	vmul.f32 v7, v8  }
.LBB2_5:
0x11f: {  	v14 =	vld [tilespmem:$0x1FF90]  }
0x120: {  	v30 =	vmov v17;
	v17 =	vld [tilespmem:$0x1FFA0]  }
0x121: {  	v32 =	vmov v18;
	v18 =	vld [tilespmem:$0x1FFB0]  }
0x122: {  	[tilespmem:$0x1FDF0] =	vst v24;
	v24 =	vld [tilespmem:$0x1FFC0]  }
0x123: {  	v15 =	vld [tilespmem:$0x1FF80]  }
0x124: {  	[tilespmem:$0x1FE00] =	vst v26;
	v26 =	vld [tilespmem:$0x1FFD0]  }
0x125: {  	[tilespmem:$0x1FE10] =	vst v28;
	v28 =	vld [tilespmem:$0x1FFE0];
	_ =	sdelay $0x1  }
0x126: {  	v5 =	vmax.f32 v5, v6;
	v46 =	vmul.f32 v46, v14  }
0x127: {  	v7 =	vld [tilespmem:s30+$0x90];
	v49 =	vmul.f32 v49, v17;
	v8 =	vmul.f32 v5, v15  }
0x128: {  	v9 =	vld [tilespmem:s30+$0xE0];
	v4 =	vmax.f32 v48, v4;
	v6 =	vmul.f32 v61, v18;
	v2 =	vmul.f32 v2, v24  }
0x129: {  	v3 =	vmul.f32 v3, v26;
	v4 =	vmul.f32 v4, v28;
	v0 =	vadd.f32 v0, v8;
	v8 =	vld [tilespmem:$0x1FE20]  }
0x12a: {  	v11 =	vmovc v41;
	v41 =	vld [tilespmem:s30+$0xF0];
	v27 =	vmul.f32 v59, v27;
	v47 =	vadd.f32 v63, v47;
	v46 =	vadd.f32 v49, v46  }
0x12b: {  	v25 =	vmul.f32 v59, v25;
	v48 =	vld [tilespmem:s30+$0xA0];
	v2 =	vadd.f32 v2, v6;
	v5, _, _ =	vpop (xrf2);
	v3 =	vadd.f32 v4, v3  }
0x12c: {  	v63 =	vld [tilespmem:s30+$0xC0];
	[tilespmem:s25+$0x60] =	vst v27;
	v5 =	vmul.f32 $1.442695020e+00, v5  }
0x12d: {  	[tilespmem:s25+$0x70] =	vst v25;
	v4 =	vadd.f32 v46, v47;
	v47 =	vld [tilespmem:$0x1FE40];
	v2 =	vadd.f32 v3, v2;
	v3 =	vmul.f32 v13, v45  }
0x12e: {  	[tilespmem:$0x1FE20] =	vst v11;
	v0 =	vadd.f32 v62, v0;
	v49 =	vmul.f32 v1, v8;
	v8 =	vld [tilespmem:$0x1FE30]  }
0x12f: {  	v10 =	vmov v42;
	v61 =	vld [tilespmem:s30+$0xB0];
	[tilespmem:s25+$0xFFFFFFF0] =	vst v3  }
0x130: {  	v0 =	vadd.f32 v60, v0;
	v60 =	vld [tilespmem:$0x1FE60];
	[tilespmem:$0x1FE30] =	vst v10  }
0x131: {  	v2 =	vadd.f32 v2, v4;
	v4 =	vld [tilespmem:$0x1FE70];
	[tilespmem:s25+$0xFFFFFF40] =	vst v49;
	v49 =	vbroadcast v5, $0xF;
	v5 =	vmovc v52;
	v52 =	vmov v53  }
0x132: {  	v3 =	vld [tilespmem:$0x1FE90];
	v42 =	vmul.f32 v45, v47;
	v53 =	vmov v54;
	[tilespmem:$0x1FE60] =	vst v52  }
0x133: {  	v6 =	vld [tilespmem:s30+$0xD0];
	[tilespmem:$0x1FE70] =	vst v53;
	v12 =	vmul.f32 v1, v8;
	v1 =	vmul.f32 v13, v1  }
0x134: {  	v62 =	vld [tilespmem:s30+$0x100];
	[tilespmem:s25+$0xFFFFFFE0] =	vst v42  }
0x135: {  	v10 =	vmul.f32 v59, v60;
	v8 =	vmov v44;
	[tilespmem:s25+$0xFFFFFF60] =	vst v1;
	v1 =	vld [tilespmem:$0x1FE50]  }
0x136: {  	(xrf2) =	vadd.scan.msk.f32 $0xffff, v0;
	v0 =	vld [tilespmem:$0x1FE80];
	v4 =	vmul.f32 v59, v4;
	[tilespmem:$0x1FE40] =	vst v8  }
0x137: {  	s28 =	sadd.s32 $0x200, s28;
	v46 =	vld [tilespmem:s30+$0xFFFFFF00];
	v3 =	vmul.f32 v59, v3;
	[tilespmem:s25+$0x10] =	vst v10  }
0x138: {  	v45 =	vld [tilespmem:s28+$0x90];
	[tilespmem:s25+$0x20] =	vst v4  }
0x139: {  	(xrf2) =	vadd.scan.msk.f32 $0xffff, v2;
	v2 =	vld [tilespmem:s28+$0xE0];
	[tilespmem:s25+$0x40] =	vst v3  }
0x13a: {  	v52 =	vld [tilespmem:s28+$0xD0];
	[tilespmem:s25+$0xFFFFFF50] =	vst v12;
	v1 =	vmul.f32 v59, v1  }
0x13b: {  	v54 =	vmul.f32 v58, v22;
	v8 =	vld [tilespmem:s28+$0x80];
	v0 =	vmul.f32 v59, v0;
	[tilespmem:$0x1FE50] =	vst v5  }
0x13c: {  	v53 =	vmul.f32 v58, v19;
	v19 =	vmov v7;
	v7 =	vmul.f32 v58, v23;
	[tilespmem:s25+$0x0] =	vst v1;
	v1 =	vld [tilespmem:$0x1FEA0]  }
0x13d: {  	v22 =	vmovc v48;
	v23 =	vmov v63;
	v44 =	vmul.f32 v13, v59;
	v4 =	vmul.f32 v58, v20;
	[tilespmem:s25+$0x30] =	vst v0;
	v0 =	vld [tilespmem:s28+$0xF0]  }
0x13e: {  	v63 =	vld [tilespmem:s30+$0xFFFFFEF0];
	v2 =	vadd.f32 v2, v41;
	v12 =	vmovc v55;
	v55 =	vmovc v56;
	v56 =	vmov v57;
	v57 =	vmul.f32 v58, v33  }
0x13f: {  	(erf) = vpow2.f32 v49;
	v42 =	vld [tilespmem:s28+$0xB0];
	[tilespmem:$0x1FE90] =	vst v55;
	v55 =	vmul.f32 v58, v21;
	v21 =	vmovc v6;
	v6 =	vadd.f32 v45, v22  }
0x140: {  	v49 =	vld [tilespmem:s28+$0xC0];
	[tilespmem:$0x1FE80] =	vst v12;
	v12 =	vmul.f32 $2.000000030e-01, v2;
	v3 =	vadd.f32 v8, v19;
	v8 =	vmul.f32 v58, v29  }
0x141: {  	v5 =	vld [tilespmem:s28+$0xA0];
	[tilespmem:s25+$0x80] =	vst v44;
	v52 =	vadd.f32 v52, v9;
	v60 =	vmul.f32 $2.000000030e-01, v6;
	v1 =	vmul.f32 v59, v1  }
0x142: {  	v47 =	vld [tilespmem:s30+$0xFFFFFF10];
	v0 =	vadd.f32 v0, v62;
	[tilespmem:$0x1FEA0] =	vst v56;
	v56 =	vmul.f32 v58, v31;
	v58 =	vmul.f32 $2.000000030e-01, v3  }
0x143: {  	v25 =	vmovc v51;
	v20 =	vmov v61;
	v48 =	vld [tilespmem:s30+$0xFFFFFF20];
	v11 =	vmul.f32 $2.000000030e-01, v52;
	v2 =	vmax.f32 v2, v12;
	[tilespmem:s25+$0x50] =	vst v1;
	s25 =	smov.u32 s26  }
0x144: {  	v51 =	vld [tilespmem:s28+$0xFFFFFF10];
	v29 =	vmovc v41;
	v6 =	vmax.f32 v6, v60;
	v3 =	vmax.f32 v3, v58;
	v58 =	vmul.f32 $2.000000030e-01, v0;
	[tilespmem:s25+$0x90] =	vst v53  }
0x145: {  	v41 =	vld [tilespmem:s30+$0xFFFFFF40];
	v6 =	vmul.f32 v6, v16;
	v3 =	vmul.f32 v3, v15;
	v59 =	vadd.f32 v49, v21;
	[tilespmem:s25+$0xA0] =	vst v54  }
0x146: {  	v0 =	vmax.f32 v0, v58;
	v49 =	vld [tilespmem:s30+$0xFFFFFF30];
	v1 =	vadd.f32 v5, v20;
	v5 =	vadd.f32 v42, v23;
	[tilespmem:s25+$0xB0] =	vst v4  }
0x147: {  	v2 =	vmul.f32 v2, v26;
	v0 =	vmul.f32 v0, v28;
	v3 =	vadd.f32 v6, v3;
	v6 =	vld [tilespmem:s28+$0xFFFFFF60];
	[tilespmem:s25+$0xC0] =	vst v7  }
0x148: {  	v31 =	vmov v9;
	v53, _, _ =	vpop (xrf2);
	[tilespmem:s25+$0xD0] =	vst v55;
	v55 =	vld [tilespmem:s28+$0xFFFFFF20];
	v10 =	vmul.f32 $2.000000030e-01, v1;
	v9 =	vmul.f32 $2.000000030e-01, v5  }
0x149: {  	v44 =	vmul.f32 $2.000000030e-01, v59;
	v0 =	vadd.f32 v0, v2;
	v54 =	vmax.f32 v52, v11;
	[tilespmem:s25+$0xF0] =	vst v8;
	v8 =	vld [tilespmem:s28+$0xFFFFFF40];
	v7, _, _ =	vpop (xrf2)  }
0x14a: {  	[tilespmem:s25+$0x100] =	vst v57;
	v57 =	vld [tilespmem:s28+$0xFFFFFF50];
	v2 =	vmul.f32 $1.442695020e+00, v7;
	v1 =	vmax.f32 v1, v10;
	v4 =	vmax.f32 v5, v9  }
0x14b: {  	v12 =	vld [tilespmem:s28+$0xFFFFFF30];
	v5 =	vmax.f32 v59, v44;
	v10 =	vmul.f32 v54, v24;
	v1 =	vmul.f32 v1, v14  }
0x14c: {  	v42 =	vld [tilespmem:s30+$0xFFFFFF50];
	v7 =	vadd.f32 v51, v63;
	v4 =	vmul.f32 v4, v17;
	v5 =	vmul.f32 v5, v18  }
0x14d: {  	v6 =	vadd.f32 v6, v41;
	v59 =	vld [tilespmem:s28+$0xFFFFFF70];
	v58 =	vadd.f32 v55, v46  }
0x14e: {  	v27 =	vmovc v50;
	v50 =	vld [tilespmem:s30+$0xFFFFFFC0];
	v2 =	vbroadcast v2, $0xF;
	v1 =	vadd.f32 v4, v1;
	v5 =	vadd.f32 v10, v5  }
0x14f: {  	v61 =	vld [tilespmem:s28+$0xFFFFFF00];
	v8 =	vadd.f32 v8, v48;
	v44 =	vadd.f32 v57, v49;
	v4 =	vmul.f32 $1.442695020e+00, v53  }
0x150: {  	v11 =	vld [tilespmem:s30+$0xFFFFFF70];
	v60 =	vmul.f32 $2.000000030e-01, v58;
	v1 =	vadd.f32 v1, v3;
	v0 =	vadd.f32 v0, v5  }
0x151: {  	v33 =	vmovc v62;
	v51 =	vld [tilespmem:s30+$0xFFFFFF90];
	v62 =	vmul.f32 $2.000000030e-01, v8;
	v3 =	vmul.f32 $2.000000030e-01, v7;
	v5 =	vadd.f32 v12, v47  }
0x152: {  	v54 =	vld [tilespmem:s30+$0xFFFFFFB0];
	v4 =	vbroadcast v4, $0xF;
	v10 =	vadd.f32 v59, v42;
	v0 =	vadd.f32 v0, v1  }
0x153: {  	v55 =	vld [tilespmem:s30+$0xFFFFFFD0];
	v1 =	vmul.f32 $2.000000030e-01, v5;
	v3 =	vmax.f32 v7, v3;
	v7 =	vmul.f32 $2.000000030e-01, v44  }
0x154: {  	v45 =	vpop (erf);
	v53 =	vld [tilespmem:s30+$0xFFFFFFA0];
	v9 =	vmax.f32 v58, v60;
	v57 =	vmul.f32 $2.000000030e-01, v10;
	(erf) = vpow2.f32 v4  }
0x155: {  	v12 =	vld [tilespmem:s30+$0xFFFFFF80];
	(erf) = vpow2.f32 v2;
	v1 =	vmax.f32 v5, v1;
	v5 =	vmul.f32 $2.000000030e-01, v6  }
0x156: {  	v59 =	vld [tilespmem:s28+$0xFFFFFF90];
	(xrf2) =	vadd.scan.msk.f32 $0xffff, v0;
	v7 =	vmax.f32 v44, v7;
	v0 =	vmul.f32 v3, v16;
	v3 =	vmul.f32 v9, v14  }
0x157: {  	v8 =	vmax.f32 v8, v62;
	v58 =	vld [tilespmem:s28+$0xFFFFFF80];
	v1 =	vmul.f32 v1, v17;
	v7 =	vmul.f32 v7, v24  }
0x158: {  	v4 =	vld [tilespmem:s28+$0xFFFFFFB0];
	v5 =	vmax.f32 v6, v5;
	v6 =	vmul.f32 v8, v18;
	v8 =	vmax.f32 v10, v57  }
0x159: {  	[tilespmem:s25+$0xE0] =	vst v56;
	v44 =	vld [tilespmem:s30+$0xFFFFFFE0];
	v5 =	vmul.f32 v5, v26;
	v8 =	vmul.f32 v8, v28  }
0x15a: {  	v62 =	vadd.f32 v1, v3;
	v1 =	vld [tilespmem:s28+$0xFFFFFFA0];
	v3 =	vadd.f32 v7, v6;
	v6 =	vmul.f32 v45, v34;
	v34 =	vmovc v11  }
0x15b: {  	v7 =	vmul.f32 v45, v35;
	v35 =	vmovc v12;
	v11 =	vld [tilespmem:s28+$0xFFFFFFD0];
	v12 =	vmul.f32 v45, v39;
	v2 =	vadd.f32 v8, v5  }
0x15c: {  	v5 =	vld [tilespmem:s28+$0xFFFFFFC0];
	v8 =	vmul.f32 v45, v38;
	v9 =	vadd.f32 v58, v34;
	[tilespmem:s25+$0xFFFFFF70] =	vst v6;
	v6 =	vmul.f32 v45, v36  }
0x15d: {  	v36 =	vmov v53;
	v60 =	vadd.f32 v2, v3;
	v2 =	vadd.f32 v59, v35;
	v3 =	vld [tilespmem:s28+$0xFFFFFFE0];
	[tilespmem:s25+$0xFFFFFF80] =	vst v7  }
0x15e: {  	v39 =	vmovc v54;
	v7 =	vmul.f32 v45, v40;
	v56 =	vmul.f32 $2.000000030e-01, v9;
	v4 =	vadd.f32 v4, v36;
	v58 =	vld [tilespmem:s28+$0xFFFFFFF0];
	[tilespmem:s25+$0xFFFFFF90] =	vst v8  }
0x15f: {  	v54 =	vld [tilespmem:s30+$0x20];
	v40 =	vmovc v50;
	v57 =	vadd.f32 v1, v51;
	[tilespmem:s25+$0xFFFFFFA0] =	vst v6;
	v6 =	vmul.f32 v45, v37;
	v8 =	vmul.f32 $2.000000030e-01, v2  }
0x160: {  	v53 =	vld [tilespmem:s30+$0x10];
	[tilespmem:s25+$0xFFFFFFB0] =	vst v12;
	v9 =	vmax.f32 v9, v56;
	v12 =	vmul.f32 $2.000000030e-01, v4;
	v11 =	vadd.f32 v11, v40  }
0x161: {  	v50 =	vld [tilespmem:s30+$0x60];
	v52, _, _ =	vpop (xrf2);
	v10 =	vmul.f32 $2.000000030e-01, v57;
	v5 =	vadd.f32 v5, v39;
	v9 =	vmul.f32 v9, v15  }
0x162: {  	v37 =	vmovc v55;
	v55 =	vld [tilespmem:s30+$0x30];
	[tilespmem:s25+$0xFFFFFFD0] =	vst v6;
	v1 =	vmul.f32 $1.442695020e+00, v52;
	v2 =	vmax.f32 v2, v8;
	v6 =	vmul.f32 $2.000000030e-01, v11  }
0x163: {  	v38 =	vmovc v51;
	v51 =	vld [tilespmem:s30+$0x70];
	[tilespmem:s25+$0xFFFFFFC0] =	vst v7;
	v4 =	vmax.f32 v4, v12;
	v7 =	vmul.f32 $2.000000030e-01, v5;
	v3 =	vadd.f32 v3, v37  }
0x164: {  	v56 =	vld [tilespmem:s30+$0x40];
	v10 =	vmax.f32 v57, v10;
	v2 =	vmul.f32 v2, v16;
	v4 =	vmul.f32 v4, v17  }
0x165: {  	v52 =	vld [tilespmem:s30+$0x0];
	v59 =	vbroadcast v1, $0xF;
	v8 =	vadd.f32 v58, v44;
	v6 =	vmax.f32 v11, v6  }
0x166: {  	v10 =	vmul.f32 v10, v14;
	v14 =	vld [tilespmem:$0x1FE10];
	v12 =	vmul.f32 $2.000000030e-01, v3;
	v5 =	vmax.f32 v5, v7  }
0x167: {  	v6 =	vmul.f32 v6, v24;
	v2 =	vadd.f32 v2, v9;
	v9 =	vld [tilespmem:s28+$0x10];
	v7 =	vmul.f32 $2.000000030e-01, v8  }
0x168: {  	(erf) = vpow2.f32 v59;
	v5 =	vmul.f32 v5, v18;
	v4 =	vadd.f32 v4, v10;
	v10 =	vld [tilespmem:s28+$0x20]  }
0x169: {  	v1 =	vpop (erf);
	v7 =	vmax.f32 v8, v7;
	v8 =	vld [tilespmem:s28+$0x0]  }
0x16a: {  	v3 =	vmax.f32 v3, v12;
	v43 =	vmul.f32 v1, v43;
	v5 =	vadd.f32 v6, v5;
	v6 =	vld [tilespmem:s28+$0x30]  }
0x16b: {  	v3 =	vmul.f32 v3, v26;
	v2 =	vadd.f32 v4, v2;
	v4 =	vld [tilespmem:s28+$0x40];
	v7 =	vmul.f32 v7, v28  }
0x16c: {  	v12 =	vmul.f32 v1, v30;
	[tilespmem:s25+$0xFFFFFEE0] =	vst v43;
	v43 =	vld [tilespmem:$0x1FDF0]  }
0x16d: {  	v57 =	vld [tilespmem:s30+$0x50];
	v3 =	vadd.f32 v7, v3  }
0x16e: {  	[tilespmem:s25+$0xFFFFFEF0] =	vst v12;
	v12 =	vld [tilespmem:$0x1FE00];
	v10 =	vadd.f32 v10, v54  }
0x16f: {  	v17 =	vmovc v63;
	v63 =	vld [tilespmem:s28+$0x50];
	v14 =	vmul.f32 v1, v14;
	v8 =	vadd.f32 v8, v52;
	v3 =	vadd.f32 v3, v5  }
0x170: {  	v59 =	vpop (erf);
	v7 =	vmul.f32 v1, v32;
	v5 =	vadd.f32 v9, v53;
	v9 =	vld [tilespmem:s28+$0x60];
	v6 =	vadd.f32 v6, v55  }
0x171: {  	v4 =	vadd.f32 v4, v56;
	v11 =	vmul.f32 v1, v43;
	v43 =	vld [tilespmem:s30+$0xFFFFFEE0];
	v58 =	vpop (erf);
	v32 =	vmul.f32 $2.000000030e-01, v8  }
0x172: {  	v2 =	vadd.f32 v3, v2;
	v3 =	vmul.f32 $2.000000030e-01, v5;
	v30 =	vmul.f32 v13, v58;
	v13 =	vld [tilespmem:s28+$0x70]  }
0x173: {  	s29 =	sadd.s32 $0x4, s29;
	v12 =	vmul.f32 v1, v12;
	[tilespmem:s25+$0xFFFFFF00] =	vst v7;
	v7 =	vmax.f32 v8, v32;
	v8 =	vmul.f32 $2.000000030e-01, v10  }
0x174: {  	p0 =	slt.u32 s29, $0x7C;
	v24 =	vmovc v47;
	v3 =	vmax.f32 v5, v3;
	v5 =	vmul.f32 $2.000000030e-01, v6;
	v32 =	vadd.f32 v63, v57  }
.Ltmp1:
0x175: {  	v18 =	vmovc v46;
	(xrf2) =	vadd.scan.msk.f32 $0xffff, v2;
	v2 =	vmul.f32 $2.000000030e-01, v4;
	v46 =	vmax.f32 v10, v8;
	v8 =	vadd.f32 v9, v50;
	(pc) =	sbr.rel @p0 .LBB2_5-.Ltmp1, $4  }
0x176: {  	v28 =	vmovc v49;
	[tilespmem:s25+$0xFFFFFF30] =	vst v14;
	v47 =	vmul.f32 v7, v15;
	v49 =	vmax.f32 v6, v5;
	v6 =	vmul.f32 $2.000000030e-01, v32  }
0x177: {  	v26 =	vmovc v48;
	[tilespmem:s25+$0xFFFFFF10] =	vst v11;
	v5 =	vadd.f32 v61, v43;
	v48 =	vadd.f32 v13, v51;
	v9 =	vmul.f32 $2.000000030e-01, v8  }
0x178: {  	[tilespmem:s25+$0xFFFFFF20] =	vst v12;
	v63 =	vmul.f32 v3, v16;
	v61 =	vmax.f32 v4, v2;
	v2 =	vmax.f32 v32, v6  }
0x179: {  	s26 =	smov.u32 s30;
	[tilespmem:s30+$0x110] =	vst v30;
	s30 =	sadd.s32 $0x240, s30;
	v13 =	vld [tilespmem:$0x1FFF0];
	v6 =	vmul.f32 $2.000000030e-01, v5;
	v4 =	vmul.f32 $2.000000030e-01, v48;
	v3 =	vmax.f32 v8, v9  }
0x17a: {  	_ = 	snop  }
0x17b: {  	v5 =	vmax.f32 v5, v6;
	v6 =	vld [tilespmem:$0x1FF80];
	_ =	sdelay $0x3  }
0x17c: {  	v15 =	vld [tilespmem:$0x1FE20]  }
0x17d: {  	v5 =	vmul.f32 v5, v6;
	v6 =	vld [tilespmem:$0x1FE30];
	_ =	sdelay $0x3  }
0x17e: {  	v0 =	vadd.f32 v0, v5;
	v5 =	vmul.f32 v1, v15  }
0x17f: {  	v6 =	vmul.f32 v1, v6  }
0x180: {  	[tilespmem:s25+$0xFFFFFF40] =	vst v5  }
0x181: {  	v5 =	vld [tilespmem:$0x1FF90];
	[tilespmem:s25+$0xFFFFFF50] =	vst v6  }
0x182: {  	v7 =	vld [tilespmem:$0x1FE40];
	_ =	sdelay $0x3  }
0x183: {  	v30 =	vmul.f32 v13, v1  }
0x184: {  	v7 =	vmul.f32 v45, v7  }
0x185: {  	v6 =	vld [tilespmem:$0x1FFA0];
	[tilespmem:s25+$0xFFFFFF60] =	vst v30  }
0x186: {  	v32 =	vld [tilespmem:$0x1FFB0];
	[tilespmem:s25+$0xFFFFFFE0] =	vst v7  }
0x187: {  	v7 =	vld [tilespmem:$0x1FFC0];
	_ =	sdelay $0x2  }
0x188: {  	v45 =	vmul.f32 v13, v45;
	_ =	sdelay $0x1  }
0x189: {  	v2 =	vmul.f32 v2, v7;
	v7 =	vld [tilespmem:$0x1FE50];
	[tilespmem:s25+$0xFFFFFFF0] =	vst v45  }
0x18a: {  	v1 =	vld [tilespmem:$0x1FFD0]  }
0x18b: {  	v5 =	vmul.f32 v46, v5;
	v46 =	vld [tilespmem:$0x1FE60];
	_ =	sdelay $0x1  }
0x18c: {  	v9 =	vld [tilespmem:$0x1FFE0];
	_ =	sdelay $0x1  }
0x18d: {  	v7 =	vmul.f32 v59, v7  }
0x18e: {  	v1 =	vmul.f32 v3, v1;
	v3 =	vmul.f32 v59, v46  }
0x18f: {  	v4 =	vmax.f32 v48, v4;
	v6 =	vmul.f32 v49, v6;
	[tilespmem:s25+$0x0] =	vst v7  }
0x190: {  	v4 =	vmul.f32 v4, v9;
	v9 =	vld [tilespmem:$0x1FE70];
	[tilespmem:s25+$0x10] =	vst v3  }
0x191: {  	v5 =	vadd.f32 v6, v5;
	v6 =	vld [tilespmem:$0x1FE80];
	_ =	sdelay $0x2  }
0x192: {  	v0 =	vadd.f32 v62, v0  }
0x193: {  	v9 =	vmul.f32 v59, v9  }
0x194: {  	v0 =	vadd.f32 v60, v0;
	v6 =	vmul.f32 v59, v6  }
0x195: {  	[tilespmem:s25+$0x20] =	vst v9  }
0x196: {  	(xrf2) =	vadd.scan.msk.f32 $0xffff, v0;
	v48 =	vld [tilespmem:$0x1FE90];
	[tilespmem:s25+$0x30] =	vst v6  }
0x197: {  	v0 =	vmul.f32 v61, v32;
	v7, _, _ =	vpop (xrf2);
	v49 =	vld [tilespmem:$0x1FEA0]  }
0x198: {  	v8 =	vadd.f32 v63, v47;
	v63 =	vmul.f32 v58, v19;
	v47 =	vmul.f32 $1.442695020e+00, v7  }
0x199: {  	v60 =	vmul.f32 v59, v27;
	v0 =	vadd.f32 v2, v0;
	v1 =	vadd.f32 v4, v1  }
0x19a: {  	v61 =	vmul.f32 v59, v25;
	v3 =	vbroadcast v47, $0xF  }
0x19b: {  	v62 =	vmul.f32 v13, v59;
	v5 =	vadd.f32 v5, v8;
	v0 =	vadd.f32 v1, v0;
	[tilespmem:s25+$0x60] =	vst v60  }
0x19c: {  	(erf) = vpow2.f32 v3;
	[tilespmem:s25+$0x70] =	vst v61;
	v4 =	vmul.f32 v59, v49  }
0x19d: {  	v0 =	vadd.f32 v0, v5;
	v5 =	vmul.f32 v58, v22;
	[tilespmem:s25+$0x80] =	vst v62  }
0x19e: {  	[tilespmem:s26+$0x90] =	vst v63  }
0x19f: {  	v14 =	vmul.f32 v58, v20;
	(xrf2) =	vadd.scan.msk.f32 $0xffff, v0;
	[tilespmem:s26+$0xA0] =	vst v5  }
0x1a0: {  	v15 =	vmul.f32 v58, v23;
	[tilespmem:s25+$0x50] =	vst v4;
	v4, _, _ =	vpop (xrf2)  }
0x1a1: {  	v19 =	vmul.f32 v58, v21;
	[tilespmem:s26+$0xB0] =	vst v14;
	v12 =	vmul.f32 $1.442695020e+00, v4  }
0x1a2: {  	v20 =	vmul.f32 v58, v31;
	[tilespmem:s26+$0xC0] =	vst v15  }
0x1a3: {  	v21 =	vmul.f32 v58, v29;
	[tilespmem:s26+$0xD0] =	vst v19;
	v1 =	vbroadcast v12, $0xF  }
0x1a4: {  	v22 =	vmul.f32 v58, v33;
	[tilespmem:s26+$0xE0] =	vst v20  }
0x1a5: {  	[tilespmem:s26+$0xF0] =	vst v21;
	v2 =	vmul.f32 v59, v48;
	v23 =	vpop (erf);
	(erf) = vpow2.f32 v1  }
0x1a6: {  	[tilespmem:s26+$0x100] =	vst v22;
	v25 =	vmul.f32 v23, v34  }
0x1a7: {  	[tilespmem:s25+$0x40] =	vst v2;
	v27 =	vmul.f32 v23, v35  }
0x1a8: {  	v29 =	vmul.f32 v23, v38;
	[tilespmem:s26+$0xFFFFFF70] =	vst v25  }
0x1a9: {  	v31 =	vmul.f32 v23, v36;
	[tilespmem:s26+$0xFFFFFF80] =	vst v27;
	v30, _, _ =	vpop (xrf2)  }
0x1aa: {  	v33 =	vmul.f32 v23, v39;
	[tilespmem:s26+$0xFFFFFF90] =	vst v29;
	v32 =	vmul.f32 $1.442695020e+00, v30  }
0x1ab: {  	v34 =	vmul.f32 v23, v40;
	[tilespmem:s26+$0xFFFFFFA0] =	vst v31  }
0x1ac: {  	v35 =	vmul.f32 v23, v37;
	[tilespmem:s26+$0xFFFFFFB0] =	vst v33;
	v1 =	vbroadcast v32, $0xF  }
0x1ad: {  	v48 =	vmul.f32 v23, v44;
	[tilespmem:s26+$0xFFFFFFC0] =	vst v34  }
0x1ae: {  	v0 =	vmul.f32 v13, v23;
	[tilespmem:s26+$0xFFFFFFD0] =	vst v35;
	(erf) = vpow2.f32 v1;
	v36 =	vpop (erf)  }
0x1af: {  	[tilespmem:s26+$0xFFFFFFE0] =	vst v48;
	v37 =	vmul.f32 v36, v43  }
0x1b0: {  	[tilespmem:s26+$0xFFFFFFF0] =	vst v0;
	v38 =	vmul.f32 v36, v17  }
0x1b1: {  	v39 =	vmul.f32 v36, v18;
	[tilespmem:s26+$0xFFFFFEE0] =	vst v37  }
0x1b2: {  	v40 =	vmul.f32 v36, v24;
	[tilespmem:s26+$0xFFFFFEF0] =	vst v38  }
0x1b3: {  	v43 =	vmul.f32 v36, v26;
	[tilespmem:s26+$0xFFFFFF00] =	vst v39  }
0x1b4: {  	v45 =	vmul.f32 v36, v28;
	[tilespmem:s26+$0xFFFFFF10] =	vst v40  }
0x1b5: {  	v46 =	vmul.f32 v36, v41;
	[tilespmem:s26+$0xFFFFFF20] =	vst v43  }
0x1b6: {  	v47 =	vmul.f32 v36, v42;
	[tilespmem:s26+$0xFFFFFF30] =	vst v45  }
0x1b7: {  	v2 =	vmul.f32 v13, v36;
	v49 =	vpop (erf);
	[tilespmem:s26+$0xFFFFFF40] =	vst v46  }
0x1b8: {  	[tilespmem:s26+$0xFFFFFF50] =	vst v47;
	v52 =	vmul.f32 v49, v52  }
0x1b9: {  	[tilespmem:s26+$0xFFFFFF60] =	vst v2;
	v53 =	vmul.f32 v49, v53  }
0x1ba: {  	v54 =	vmul.f32 v49, v54;
	[tilespmem:s26+$0x0] =	vst v52  }
0x1bb: {  	v58 =	vmul.f32 v49, v55;
	[tilespmem:s26+$0x10] =	vst v53  }
0x1bc: {  	v59 =	vmul.f32 v49, v56;
	[tilespmem:s26+$0x20] =	vst v54  }
0x1bd: {  	v60 =	vmul.f32 v49, v57;
	[tilespmem:s26+$0x30] =	vst v58  }
0x1be: {  	v61 =	vmul.f32 v49, v50;
	[tilespmem:s26+$0x40] =	vst v59  }
0x1bf: {  	v62 =	vmul.f32 v49, v51;
	[tilespmem:s26+$0x50] =	vst v60  }
0x1c0: {  	s24 =	sadd.s32 $0x1, s24;
	v63 =	vmul.f32 v13, v49;
	[tilespmem:s26+$0x60] =	vst v61  }
0x1c1: {  	p0 =	sne.s32 s24, $0x51;
	[tilespmem:s26+$0x70] =	vst v62  }
.Ltmp2:
0x1c2: {  	[tilespmem:s26+$0x80] =	vst v63;
	(pc) =	sbr.rel @p0 .LBB2_4-.Ltmp2, $4  }
0x1c3: {  	[spmem:s4] =	stream.indirect.scatter.add.f32 [tilespmem:s16], [sflag:$0x3], $0x90, s19, s19, $0xb8;
	[tilespmem:$0x1F180] =	vst v63  }
0x1c4: {  	_ =	swait.ge [sflag:s17], $0x4800  }
0x1c5: {  	[sflag:s17] =	ssyncset.done $0x0  }
0x1c6: {  	v8 =	vmov v16;
	[sflag:s17] =	ssyncadd.s32 $0xFFFFB800  }
0x1c7: {  	s23 =	sadd.s32 $0x1, s23  }
0x1c8: {  	s24 =	sshll.u32 s2, $0x6;
	[bflag:$0x0] =	sbarrier.arrive $0xFFFF;
	p0 =	sne.s32 s23, s15  }
.Ltmp3:
0x1c9: {  	s25 =	sshrl.u32 s8, $0x3;
	s24 =	sor.u32 $0x1C03, s24;
	(pc) =	sbr.rel @p0 .LBB2_1-.Ltmp3, $4  }
0x1ca: {  	[hbm:s14], [sflag:s24] =	dma.local [spmem:s25], $0x2D00  }
0x1cb: {  	_ =	swait.ge [sflag:s17], $0x2D00  }
0x1cc: {  	[sflag:s17] =	ssyncset.done $0x0  }
0x1cd: {  	v0 =	vimm.f32 $0.0e+00;
	[sflag:s17] =	ssyncadd.s32 $0xFFFFD300  }
0x1ce: {  	_ =	sfence.sel $0x180000  }
0x1cf: {  	[bflag:$0x0] =	sbarrier.arrive $0xFFFF  }
0x1d0: {  	p0 =	sne.s32 s2, $0x0;
	_ =	strace $0x9000004A  }
0x1d1: {  	s0 =	sadd.s32 @!p0 $0x100000, s1;
	[bflag:$0x2] =	sbarrier.arrive $0xFFFF  }
0x1d2: {  	[sflag:s0] =	ssyncadd.tile.s32 @!p0 $0x1;
	_ =	shalt  }
.Lfunc_end2:
_tile_overlayer_lowered:
.L_overlay_start_2:
0x1d3: {  	(tag) =	ssettag $0x2  }
0x1d4: {  	s0 =	rddreg [dreg:$0x0];
	s2 =	stileid.u32  }
0x1d5: {  	s1 =	rddreg [dreg:$0x1];
	p0 =	sne.s32 s2, $0x0  }
0x1d6: {  	s3 =	rddreg [dreg:$0x2];
	[bflag:$0x3] =	sbarrier.arrive $0xFFFF;
	s2 =	simm.s32 @!p0 $0x1C03  }
0x1d7: {  	[timem:s3], [sflag:s2] =	dma.local @!p0 [hbm:s0], s1  }
0x1d8: {  	s0 =	simm.s32 @!p0 $0x3  }
0x1d9: {  	_ =	swait.ge @!p0 [sflag:s0], s1  }
0x1da: {  	s1 =	ssub.s32 @!p0 $0x0, s1;
	[sflag:s0] =	ssyncset.done @!p0 $0x0  }
0x1db: {  	[sflag:s0] =	ssyncadd.s32 @!p0 s1  }
0x1dc: {  	[bflag:$0x3] =	sbarrier.arrive $0xFFFF  }
0x1dd: {  	_ =	shalt  }

// kernel: kernel.7.cloned.1.call-start
scs
__scs_entry_jumppad:
0x0: {  	(pc) =	sbr.rel $0x88, $3  }
0x1: {  	(tag) =	ssettag $0x0;
	lr =	simm.s32 $0x1  }
0x2: {  	[smem:$0x3F97] =	sst lr;
	_ =	strace $0xD0000000  }
0x3: {  	_ = 	snop  }
0x4: {  	_ = 	snop  }
0x5: {  	_ = 	snop  }
0x6: {  	_ = 	snop  }
0x7: {  	_ = 	snop  }
__scs_overlays_trampoline_lowered:
0x8: {  	[smem:$0x3FA6] =	sst s0  }
0x9: {  	[smem:$0x3FA7] =	sst s1  }
0xa: {  	[smem:$0x3FA8] =	sst s2  }
0xb: {  	[smem:$0x3FA9] =	sst s3  }
0xc: {  	[smem:$0x3FAA] =	sst s4  }
0xd: {  	[smem:$0x3FAB] =	sst s5  }
0xe: {  	[smem:$0x3FAC] =	sst s6  }
0xf: {  	[smem:$0x3FAD] =	sst s7  }
0x10: {  	[smem:$0x3FAE] =	sst s8  }
0x11: {  	[smem:$0x3FAF] =	sst s9;
	s0 =	simm.s32 @!p0 $0x0  }
0x12: {  	s1 =	sld [smem:$0x3F95];
	s0 =	simm.s32 @p0 $0x1  }
0x13: {  	[smem:$0x3FB0] =	sst s0;
	s0 =	simm.s32 @!p1 $0x0  }
0x14: {  	s2 =	sld [smem:$0x3F94];
	s0 =	simm.s32 @p1 $0x1  }
0x15: {  	[smem:$0x3FB1] =	sst s0;
	s0 =	simm.s32 @!p2 $0x0  }
0x16: {  	s3 =	sld [smem:$0x3FDB];
	s0 =	simm.s32 @p2 $0x1  }
0x17: {  	s4 =	simm.s32 $0x1BF5;
	[smem:$0x3FB3] =	sst s0  }
0x18: {  	s0 =	sld [smem:$0x3F96];
	_ =	swait.ge [sflag:s4], $0x0  }
0x19: {  	s7 =	sld [smem:$0x3F97]  }
0x1a: {  	s8 =	sadd.s32 $0xFFFFE003, lr  }
0x1b: {  	s9 =	sadd.s32 $0xFFFFFEF7, lr;
	s5 =	simm.s32 $0xFFFFFFFF;
	p2 =	slt.u32 s8, $0xFFFFF086  }
0x1c: {  	p1 =	slt.u32 s9, $0xF7A;
	s5 =	simm.s32 @!p2 $0x0  }
0x1d: {  	s5 =	simm.s32 @p1 $0x1;
	p0 =	seq.s32 s7, s2  }
0x1e: {  	s7 =	smul.u32 @!p0 $0xF7A, s2;
	p2 =	seq.s32 @!p0 s5, $0x0  }
0x1f: {  	s9 =	smul.u32 $0xF7A, s1;
	s8 =	simm.s32 @!p0 $0x1BF5;
	p2 =	por !p2, p0  }
0x20: {  	[sflag:s8] =	ssyncset.s32 @!p0 $0xFFFFF086;
	s6 =	sadd.s32 @!p0 s3, s7;
	s7 =	simm.s32 @!p0 $0x108  }
0x21: {  	s3 =	sadd.s32 s3, s9;
	s6 =	sadd.s32 @!p0 $0x88, s6;
	s7 =	simm.s32 @p2 $0x1082  }
0x22: {  	[simem:s7], [sflag:s8] =	dma.local @!p0 [hbm:s6], $0xF7A  }
0x23: {  	s9 =	sor.u32 $0xD0000000, s2;
	s6 =	simm.s32 $0x108;
	_ =	swait.ge @!p0 [sflag:s8], $0x0  }
0x24: {  	s3 =	sadd.s32 $0x88, s3;
	s6 =	simm.s32 @!p1 $0x1082;
	[sflag:s4] =	ssyncset.s32 $0xFFFFF086  }
0x25: {  	[simem:s6], [sflag:s4] =	dma.local [hbm:s3], $0xF7A  }
0x26: {  	[smem:$0x3F97] =	sst s1;
	(tag) =	ssettag s2;
	_ =	strace s9  }
0x27: {  	s1 =	sld [smem:$0x3FA7]  }
0x28: {  	s2 =	sld [smem:$0x3FA8]  }
0x29: {  	s4 =	sld [smem:$0x3FAA]  }
0x2a: {  	p0 =	seq.s32 s5, $0x0;
	s5 =	sld [smem:$0x3FAB]  }
0x2b: {  	s6 =	sld [smem:$0x3FAC]  }
0x2c: {  	s7 =	sld [smem:$0x3FAD]  }
0x2d: {  	s3 =	simm.s32 $0x108;
	s8 =	sld [smem:$0x3FAE]  }
0x2e: {  	s3 =	simm.s32 @!p0 $0x1082;
	s9 =	sld [smem:$0x3FAF]  }
0x2f: {  	lr =	sadd.s32 s0, s3;
	s0 =	sld [smem:$0x3FA6]  }
0x30: {  	s3 =	sld [smem:$0x3FA9]  }
0x31: {  	[smem:$0x3FB2] =	sst s10  }
0x32: {  	s10 =	sld [smem:$0x3FB0];
	_ =	sdelay $0x3  }
0x33: {  	p0 =	seq.s32 s10, $0x1;
	s10 =	sld [smem:$0x3FB2];
	_ =	sdelay $0x3  }
0x34: {  	[smem:$0x3FB2] =	sst s10  }
0x35: {  	s10 =	sld [smem:$0x3FB1];
	_ =	sdelay $0x3  }
0x36: {  	p1 =	seq.s32 s10, $0x1;
	s10 =	sld [smem:$0x3FB2];
	_ =	sdelay $0x3  }
0x37: {  	[smem:$0x3FB2] =	sst s10  }
0x38: {  	s10 =	sld [smem:$0x3FB3]  }
0x39: {  	_ = 	snop;
	(pc) =	sbr.ind lr, $3  }
0x3a: {  	_ = 	snop  }
0x3b: {  	_ = 	snop  }
0x3c: {  	p2 =	seq.s32 s10, $0x1;
	s10 =	sld [smem:$0x3FB2]  }
0x3d: {  	_ =	shalt  }
0x3e: {  	_ =	shalt  }
0x3f: {  	_ =	shalt  }
0x40: {  	_ =	shalt  }
0x41: {  	_ =	shalt  }
0x42: {  	_ =	shalt  }
0x43: {  	_ =	shalt  }
0x44: {  	_ =	shalt  }
0x45: {  	_ =	shalt  }
0x46: {  	_ =	shalt  }
0x47: {  	_ =	shalt  }
0x48: {  	_ =	shalt  }
0x49: {  	_ =	shalt  }
0x4a: {  	_ =	shalt  }
0x4b: {  	_ =	shalt  }
0x4c: {  	_ =	shalt  }
0x4d: {  	_ =	shalt  }
0x4e: {  	_ =	shalt  }
0x4f: {  	_ =	shalt  }
0x50: {  	_ =	shalt  }
0x51: {  	_ =	shalt  }
0x52: {  	_ =	shalt  }
0x53: {  	_ =	shalt  }
0x54: {  	_ =	shalt  }
0x55: {  	_ =	shalt  }
0x56: {  	_ =	shalt  }
0x57: {  	_ =	shalt  }
0x58: {  	_ =	shalt  }
0x59: {  	_ =	shalt  }
0x5a: {  	_ =	shalt  }
0x5b: {  	_ =	shalt  }
0x5c: {  	_ =	shalt  }
0x5d: {  	_ =	shalt  }
0x5e: {  	_ =	shalt  }
0x5f: {  	_ =	shalt  }
0x60: {  	_ =	shalt  }
0x61: {  	_ =	shalt  }
0x62: {  	_ =	shalt  }
0x63: {  	_ =	shalt  }
0x64: {  	_ =	shalt  }
0x65: {  	_ =	shalt  }
0x66: {  	_ =	shalt  }
0x67: {  	_ =	shalt  }
0x68: {  	_ =	shalt  }
0x69: {  	_ =	shalt  }
0x6a: {  	_ =	shalt  }
0x6b: {  	_ =	shalt  }
0x6c: {  	_ =	shalt  }
0x6d: {  	_ =	shalt  }
0x6e: {  	_ =	shalt  }
0x6f: {  	_ =	shalt  }
0x70: {  	_ =	shalt  }
0x71: {  	_ =	shalt  }
0x72: {  	_ =	shalt  }
0x73: {  	_ =	shalt  }
0x74: {  	_ =	shalt  }
0x75: {  	_ =	shalt  }
0x76: {  	_ =	shalt  }
0x77: {  	_ =	shalt  }
0x78: {  	_ =	shalt  }
0x79: {  	_ =	shalt  }
0x7a: {  	_ =	shalt  }
0x7b: {  	_ =	shalt  }
0x7c: {  	_ =	shalt  }
0x7d: {  	_ =	shalt  }
0x7e: {  	_ =	shalt  }
0x7f: {  	_ =	shalt  }
0x80: {  	_ =	shalt  }
0x81: {  	_ =	shalt  }
0x82: {  	_ =	shalt  }
0x83: {  	_ =	shalt  }
0x84: {  	_ =	shalt  }
0x85: {  	_ =	shalt  }
0x86: {  	_ =	shalt  }
0x87: {  	_ =	shalt  }
.Lfunc_end0:
.L_simem_size_0:
called_computation_lowered:
.L_overlay_start_0:
0x88: {  	s2 =	sld [smem:$0x3FD9]  }
0x89: {  	s3 =	sld [smem:$0x3FFE];
	_ =	sdelay $0x1  }
0x8a: {  	s1 =	srdreg.scid  }
0x8b: {  	s0 =	sand.u32 $0x1, s1  }
0x8c: {  	s17 =	sshll.u32 s0, $0xA;
	s2 =	sadd.s32 s3, s2  }
0x8d: {  	s2 =	sadd.s32 s2, s17  }
0x8e: {  	[smem:$0x3FBE] =	sst s2  }
0x8f: {  	_ = 	snop  }
0x90: {  	s2 =	sld [smem:$0x3FC6]  }
0x91: {  	s18 =	sld [smem:$0x3FD0];
	(tm) =	ssettm $0x1  }
0x92: {  	s4 =	sld [smem:$0x3FFB];
	_ =	sdelay $0x3  }
0x93: {  	_ =	strace s4  }
0x94: {  	s4 =	sld [smem:$0x3FFC];
	_ =	sdelay $0x3  }
0x95: {  	_ =	strace s4  }
0x96: {  	s4 =	sld [smem:$0x3FFD];
	_ =	sdelay $0x3  }
0x97: {  	_ =	strace s4  }
0x98: {  	_ =	strace $0x8FFFFFFF  }
0x99: {  	s19 =	sld [smem:$0x3FDB];
	_ =	sdelay $0x1  }
0x9a: {  	s5 =	simm.s32 $_scs_section_size  }
0x9b: {  	s6 =	simm.s32 $_size__tile_overlayer_lowered;
	s7 =	simm.s32 $_tile_overlayer_lowered  }
0x9c: {  	s22 =	simm.s32 $0x1BFF;
	s21 =	sshll.u32 s7, $0x1;
	s4 =	sadd.s32 s5, s19  }
0x9d: {  	s8 =	simm.s32 $0x0;
	s20 =	sshll.u32 s6, $0x1;
	s6 =	sadd.s32 s21, s4  }
0x9e: {  	[timem:s8], [sflag:s22] =	dma.local [hbm:s6], s20  }
0x9f: {  	_ =	swait.ge [sflag:s22], s20  }
0xa0: {  	s5 =	ssub.s32 $0x0, s20;
	[sflag:s22] =	ssyncset.done $0x0  }
0xa1: {  	[sflag:s22] =	ssyncadd.s32 s5;
	_ =	sdelay $0x1  }
0xa2: {  	s23 =	simm.s32 $0x1B8B  }
0xa3: {  	_ =	swait.ge [sflag:s23], $0x1  }
0xa4: {  	[sflag:s23] =	ssyncset.done $0x0  }
0xa5: {  	s25 =	simm.s32 $0x1B8E;
	s24 =	sld [smem:$0x3FFE];
	[sflag:s23] =	ssyncadd.s32 $0xFFFFFFFF  }
0xa6: {  	s26 =	simm.s32 $execute0_lowered;
	[smem:$0x3FD2] =	sst s25  }
0xa7: {  	s6 =	sshll.u32 s26, $0x1;
	_ =	strace $0x80000046;
	[dreg:$0x1] =	wrdreg $0xFFFFFFFF  }
0xa8: {  	s28 =	simm.s32 $_size_execute0_lowered;
	s4 =	sadd.s32 s4, s6;
	[dreg:$0x0] =	wrdreg $0x0  }
0xa9: {  	s6 =	sshll.u32 s28, $0x1;
	[dreg:$0x2] =	wrdreg s4  }
0xaa: {  	[dreg:$0x3] =	wrdreg s6  }
0xab: {  	[dreg:$0x4] =	wrdreg $0xC0  }
0xac: {  	_ =	task [dreg:s8], $0x5FFFF  }
0xad: {  	[dreg:$0x1] =	wrdreg $0xFFFFFFFF  }
0xae: {  	[dreg:$0x0] =	wrdreg $0x60  }
0xaf: {  	[dreg:$0x2] =	wrdreg s24  }
0xb0: {  	[dreg:$0x3] =	wrdreg s2  }
0xb1: {  	[dreg:$0x4] =	wrdreg s18  }
0xb2: {  	[dreg:$0x5] =	wrdreg $0x89800  }
0xb3: {  	[dreg:$0x6] =	wrdreg $0x9  }
0xb4: {  	_ =	task.clear_ibuf [dreg:s8], $0x7FFFF;
	_ =	strace $0x90000046  }
0xb5: {  	s29 =	simm.s32 $0x9;
	_ =	strace $0x80000048  }
0xb6: {  	_ =	swait.ge [sflag:s29], $0x1  }
0xb7: {  	[sflag:s29] =	ssyncadd.s32 $0xFFFFFFFF  }
0xb8: {  	_ =	strace $0x90000048  }
0xb9: {  	_ =	sfence  }
0xba: {  	s30 =	sld [smem:$0x0];
	_ =	sdelay $0x2  }
0xbb: {  	s31 =	sshll.u32 s1, $0xD;
	s1 =	sshrl.u32 s1, $0x2  }
0xbc: {  	s3 =	sand.u32 $0x4000, s31;
	s1 =	sadd.s32 s1, s30  }
0xbd: {  	s0 =	sor.u32 s3, s0;
	s1 =	sshll.u32 s1, $0x11  }
0xbe: {  	s0 =	sor.u32 s1, s0  }
0xbf: {  	s0 =	sadd.s32 $0x8F2B, s0  }
0xc0: {  	[sflag:s0] =	ssyncadd.remote.s32 $0x1  }
0xc1: {  	_ =	sfence.sel $0xFFFF  }
0xc2: {  	[dreg:$0x0] =	wrdreg $0xFFFFFFFF;
	(pc) =	sbr.abs _section_cstart, $3  }
0xc3: {  	[dreg:$0x1] =	wrdreg $0xFFFFFFFF  }
0xc4: {  	_ =	task.clear_ibuf [dreg:s8], $0x2FFFF;
	_ =	strace $0x9FFFFFFF  }
0xc5: {  	(tm) =	ssettm $0x7FFFFFFF  }
tec
execute0_lowered:
.L_overlay_start_1:
0x0: {  	(tag) =	ssettag $0x1  }
0x1: {  	s8 =	rddreg [dreg:$0x0]  }
0x2: {  	s0 =	rddreg [dreg:$0x1]  }
0x3: {  	s3 =	rddreg [dreg:$0x2]  }
0x4: {  	s1 =	srdreg.scid;
	s4 =	rddreg [dreg:$0x3]  }
0x5: {  	s2 =	stileid.u32;
	s5 =	simm.s32 $0x0;
	s16 =	simm.s32 $0x180  }
0x6: {  	s17 =	simm.s32 $0x3;
	s18 =	simm.s32 $0x100;
	s19 =	simm.s32 $0x80  }
0x7: {  	s20 =	simm.s32 $0x4980;
	s21 =	simm.s32 $0x1;
	s22 =	simm.s32 $0x2  }
0x8: {  	s9 =	sand.u32 $0x1, s1;
	s1 =	rddreg [dreg:$0x4];
	s7 =	smul.u32 $0x16800, s2  }
0x9: {  	s23 =	simm.s32 $0x0;
	[smem:$0x7FF] =	sst s5;
	s11 =	smul.u32 $0x5A000, s2  }
0xa: {  	s6 =	smul.u32 $0x168000, s9;
	_ =	strace $0x80000047;
	s30 =	ssub.s32 $0x2, s9  }
0xb: {  	s9 =	sshll.u32 s9, $0x4;
	s31 =	sshrl.u32 s30, $0x1;
	s11 =	sshrl.u32 s11, $0x2  }
0xc: {  	s13 =	sor.u32 s2, s9;
	s7 =	sadd.s32 s7, s6;
	s6 =	sadd.s32 $0x29A00, s8  }
0xd: {  	s15 =	ssub.s32 s30, s31;
	s13 =	smul.u32 $0x5100, s13;
	s10 =	sshrl.u32 s7, $0x3  }
0xe: {  	v0 =	vimm.f32 $0.0e+00;
	vm0 =	vcmask $0x300;
	s7 =	sadd.s32 $0x1A00, s8;
	s14 =	sadd.s32 s10, s8;
	s8 =	sadd.s32 s11, s4  }
0xf: {  	v13 =	vsel vm0, $0x3F800000, v0;
	s15 =	smax.u32 s15, $0x1;
	s9 =	sadd.s32 $0x4800, s8;
	s10 =	sadd.s32 $0x9000, s8  }
0x10: {  	[tilespmem:$0x1FFF0] =	vst v13;
	s11 =	sadd.s32 $0xD800, s8;
	s12 =	sadd.s32 $0x12000, s8;
	s14 =	sadd.s32 $0x56A00, s14  }
.LBB2_1:
0x11: {  	s24 =	simm.s32 $0x0;
	s25 =	simm.s32 $0x240  }
.LBB2_2:
0x12: {  	p0 =	sne.s32 s25, $0x11DC0;
	[tilespmem:s24+$0x200] =	vst v0  }
0x13: {  	[tilespmem:s24+$0x180] =	vst v0  }
0x14: {  	[tilespmem:s24+$0x190] =	vst v0  }
0x15: {  	[tilespmem:s24+$0x1A0] =	vst v0  }
.Ltmp0:
0x16: {  	[tilespmem:s24+$0x1B0] =	vst v0;
	(pc) =	sbr.rel @p0 .LBB2_2-.Ltmp0, $4  }
0x17: {  	[tilespmem:s24+$0x1C0] =	vst v0  }
0x18: {  	[tilespmem:s24+$0x1D0] =	vst v0  }
0x19: {  	[tilespmem:s24+$0x1E0] =	vst v0  }
0x1a: {  	[tilespmem:s24+$0x1F0] =	vst v0;
	s24 =	sshra.s32 s25, $0x2;
	s25 =	sadd.s32 $0x240, s25  }
0x1b: {  	[tilespmem:s24+$0x200] =	vst v0  }
0x1c: {  	[tilespmem:s24+$0x180] =	vst v0  }
0x1d: {  	[tilespmem:s24+$0x190] =	vst v0  }
0x1e: {  	[tilespmem:s24+$0x1A0] =	vst v0  }
0x1f: {  	[tilespmem:s24+$0x1B0] =	vst v0  }
0x20: {  	[tilespmem:s24+$0x1C0] =	vst v0  }
0x21: {  	[tilespmem:s24+$0x1D0] =	vst v0  }
0x22: {  	[tilespmem:s24+$0x1E0] =	vst v0  }
0x23: {  	[tilespmem:s24+$0x1F0] =	vst v0  }
0x24: {  	[spmem:s8] =	stream.linear.scatter [tilespmem:s16], [sflag:$0x3], $0x4800, $0x38;
	[tilespmem:$0x1F180] =	vst v63  }
0x25: {  	_ =	swait.ge [sflag:s17], $0x4800  }
0x26: {  	[sflag:s17] =	ssyncset.done $0x0  }
0x27: {  	[sflag:s17] =	ssyncadd.s32 $0xFFFFB800  }
0x28: {  	[spmem:s9] =	stream.linear.scatter [tilespmem:s16], [sflag:$0x3], $0x4800, $0x38;
	[tilespmem:$0x1F180] =	vst v63  }
0x29: {  	_ =	swait.ge [sflag:s17], $0x4800  }
0x2a: {  	[sflag:s17] =	ssyncset.done $0x0  }
0x2b: {  	[sflag:s17] =	ssyncadd.s32 $0xFFFFB800  }
0x2c: {  	[spmem:s10] =	stream.linear.scatter [tilespmem:s16], [sflag:$0x3], $0x4800, $0x38;
	[tilespmem:$0x1F180] =	vst v63  }
0x2d: {  	_ =	swait.ge [sflag:s17], $0x4800  }
0x2e: {  	[sflag:s17] =	ssyncset.done $0x0  }
0x2f: {  	[sflag:s17] =	ssyncadd.s32 $0xFFFFB800  }
0x30: {  	[spmem:s11] =	stream.linear.scatter [tilespmem:s16], [sflag:$0x3], $0x4800, $0x38;
	[tilespmem:$0x1F180] =	vst v63  }
0x31: {  	_ =	swait.ge [sflag:s17], $0x4800  }
0x32: {  	[sflag:s17] =	ssyncset.done $0x0  }
0x33: {  	[sflag:s17] =	ssyncadd.s32 $0xFFFFB800  }
0x34: {  	[spmem:s12] =	stream.linear.scatter [tilespmem:s16], [sflag:$0x3], $0x4800, $0x38;
	[tilespmem:$0x1F180] =	vst v63  }
0x35: {  	_ =	swait.ge [sflag:s17], $0x4800  }
0x36: {  	[sflag:s17] =	ssyncset.done $0x0  }
0x37: {  	s24 =	simm.s32 $0x0;
	[sflag:s17] =	ssyncadd.s32 $0xFFFFB800  }
0x38: {  	[tilespmem:s18], [sflag:$0x3] =	stream.linear.gather [hbm4b:s0+s24], $0x80, $0x38;
	[tilespmem:$0x1F180] =	vst v63  }
0x39: {  	_ =	swait.ge [sflag:s17], $0x80  }
0x3a: {  	[sflag:s17] =	ssyncset.done $0x0  }
0x3b: {  	[sflag:s17] =	ssyncadd.s32 $0xFFFFFF80  }
0x3c: {  	v57 =	vld [tilespmem:$0x100]  }
0x3d: {  	v58 =	vld [tilespmem:$0x120]  }
0x3e: {  	v59 =	vld [tilespmem:$0x130]  }
0x3f: {  	v60 =	vld [tilespmem:$0x140]  }
0x40: {  	v61 =	vld [tilespmem:$0x150]  }
0x41: {  	v62 =	vld [tilespmem:$0x160];
	[tilespmem:$0x1FF80] =	vst v57  }
0x42: {  	v63 =	vld [tilespmem:$0x170];
	[tilespmem:$0x1FF90] =	vst v58  }
0x43: {  	[tilespmem:$0x1FFA0] =	vst v59  }
0x44: {  	[tilespmem:$0x1FFB0] =	vst v60  }
0x45: {  	[tilespmem:$0x1FFC0] =	vst v61  }
0x46: {  	[tilespmem:$0x1FFD0] =	vst v62  }
0x47: {  	[tilespmem:$0x1FFE0] =	vst v63  }
0x48: {  	v8 =	vld [tilespmem:$0x110];
	[bflag:$0x0] =	sbarrier.arrive $0xFFFF  }
.LBB2_4:
0x49: {  	s25 =	sshll.u32 s24, $0x8  }
0x4a: {  	s25 =	sadd.s32 s13, s25  }
0x4b: {  	s25 =	sshrl.u32 s25, $0x3  }
0x4c: {  	s25 =	sadd.s32 s3, s25  }
0x4d: {  	[tilespmem:s5], [sflag:$0x3] =	stream.linear.gather [hbm4b:s25+s5], $0x100, $0x38;
	[tilespmem:$0x1F180] =	vst v63  }
0x4e: {  	_ =	swait.ge [sflag:s17], $0x100  }
0x4f: {  	[sflag:s17] =	ssyncset.done $0x0  }
0x50: {  	[sflag:s17] =	ssyncadd.s32 $0xFFFFFF00  }
0x51: {  	[tilespmem:s16], [sflag:$0x1] =	stream.indirect.gather [hbm4b:s6+s19], $0x90, s5, s19, $0xb8;
	[tilespmem:$0x1F180] =	vst v63  }
0x52: {  	_ = 	snop  }
0x53: {  	[tilespmem:s20], [sflag:$0x2] =	stream.indirect.gather [hbm4b:s7+s19], $0x80, s19, s19, $0xb8;
	[tilespmem:$0x1F180] =	vst v63  }
0x54: {  	_ =	swait.ge [sflag:s21], $0x4800  }
0x55: {  	[sflag:s21] =	ssyncset.done $0x0  }
0x56: {  	[sflag:s21] =	ssyncadd.s32 $0xFFFFB800  }
0x57: {  	_ =	swait.ge [sflag:s22], $0x4000  }
0x58: {  	[sflag:s22] =	ssyncset.done $0x0  }
0x59: {  	s25 =	simm.s32 $0x2A0;
	[sflag:s22] =	ssyncadd.s32 $0xFFFFC000  }
0x5a: {  	v49 =	vld [tilespmem:s25+$0x90]  }
0x5b: {  	v57 =	vld [tilespmem:s25+$0xA0]  }
0x5c: {  	v55 =	vld [tilespmem:s25+$0xB0]  }
0x5d: {  	v56 =	vld [tilespmem:s25+$0xC0]  }
0x5e: {  	v53 =	vld [tilespmem:s25+$0xD0]  }
0x5f: {  	v54 =	vld [tilespmem:s25+$0xE0]  }
0x60: {  	v58 =	vld [tilespmem:s25+$0xF0]  }
0x61: {  	s26 =	simm.s32 $0x4A80;
	v52 =	vld [tilespmem:s25+$0x100]  }
0x62: {  	v1 =	vld [tilespmem:s26+$0x80]  }
0x63: {  	v2 =	vld [tilespmem:s26+$0x90]  }
0x64: {  	v3 =	vld [tilespmem:s26+$0xA0]  }
0x65: {  	v33 =	vld [tilespmem:s25+$0xFFFFFEF0]  }
0x66: {  	v4 =	vld [tilespmem:s26+$0xB0]  }
0x67: {  	v5 =	vld [tilespmem:s26+$0xC0]  }
0x68: {  	v6 =	vld [tilespmem:s26+$0xD0]  }
0x69: {  	v12 =	vld [tilespmem:s26+$0xE0]  }
0x6a: {  	v13 =	vld [tilespmem:s26+$0xF0];
	[tilespmem:$0x1FF30] =	vst v33  }
0x6b: {  	v31 =	vld [tilespmem:s25+$0xFFFFFF00];
	_ =	sdelay $0x4  }
0x6c: {  	[tilespmem:$0x1FF40] =	vst v31  }
0x6d: {  	v32 =	vld [tilespmem:s25+$0xFFFFFF10];
	_ =	sdelay $0x4  }
0x6e: {  	[tilespmem:$0x1FF50] =	vst v32  }
0x6f: {  	v30 =	vld [tilespmem:s25+$0xFFFFFF20];
	_ =	sdelay $0x4  }
0x70: {  	[tilespmem:$0x1FF60] =	vst v30  }
0x71: {  	v29 =	vld [tilespmem:s25+$0xFFFFFF30];
	_ =	sdelay $0x4  }
0x72: {  	[tilespmem:$0x1FF70] =	vst v29  }
0x73: {  	v27 =	vld [tilespmem:s25+$0xFFFFFF40]  }
0x74: {  	v28 =	vld [tilespmem:s25+$0xFFFFFF50]  }
0x75: {  	v0 =	vld [tilespmem:s26+$0xFFFFFF00]  }
0x76: {  	v14 =	vld [tilespmem:s26+$0xFFFFFF10]  }
0x77: {  	v15 =	vld [tilespmem:s26+$0xFFFFFF20]  }
0x78: {  	v35 =	vld [tilespmem:s25+$0xFFFFFF70]  }
0x79: {  	v2 =	vadd.f32 v2, v57;
	v17 =	vld [tilespmem:s26+$0xFFFFFF30]  }
0x7a: {  	v20 =	vld [tilespmem:s26+$0xFFFFFF40]  }
0x7b: {  	v18 =	vmul.f32 $2.000000030e-01, v2;
	v23 =	vld [tilespmem:s26+$0xFFFFFF50]  }
0x7c: {  	v26 =	vld [tilespmem:s26+$0xFFFFFF60]  }
0x7d: {  	v2 =	vmax.f32 v2, v18;
	v18 =	vld [tilespmem:s26+$0xFFFFFF70];
	[tilespmem:$0x1FEB0] =	vst v35  }
0x7e: {  	v36 =	vld [tilespmem:s25+$0xFFFFFF80];
	_ =	sdelay $0x4  }
0x7f: {  	[tilespmem:$0x1FEC0] =	vst v36  }
0x80: {  	v34 =	vld [tilespmem:s25+$0xFFFFFF90];
	_ =	sdelay $0x4  }
0x81: {  	[tilespmem:$0x1FED0] =	vst v34  }
0x82: {  	v37 =	vld [tilespmem:s25+$0xFFFFFFA0];
	_ =	sdelay $0x4  }
0x83: {  	[tilespmem:$0x1FEE0] =	vst v37  }
0x84: {  	v40 =	vld [tilespmem:s25+$0xFFFFFFB0]  }
0x85: {  	v38 =	vld [tilespmem:$0x1FF80]  }
0x86: {  	v9 =	vld [tilespmem:$0x1FF90];
	v1 =	vadd.f32 v1, v49  }
0x87: {  	v10 =	vld [tilespmem:$0x1FFA0];
	v3 =	vadd.f32 v3, v55;
	v4 =	vadd.f32 v4, v56  }
0x88: {  	v11 =	vld [tilespmem:$0x1FFB0];
	v5 =	vadd.f32 v5, v53;
	v6 =	vadd.f32 v6, v54;
	v16 =	vmul.f32 $2.000000030e-01, v1  }
0x89: {  	v63 =	vld [tilespmem:$0x1FFC0];
	v19 =	vmul.f32 $2.000000030e-01, v3;
	v21 =	vmul.f32 $2.000000030e-01, v4;
	[tilespmem:$0x1FEF0] =	vst v40  }
0x8a: {  	v12 =	vadd.f32 v12, v58;
	v22 =	vmul.f32 $2.000000030e-01, v5;
	v24 =	vmul.f32 $2.000000030e-01, v6;
	v39 =	vld [tilespmem:s25+$0xFFFFFFC0]  }
0x8b: {  	v1 =	vmax.f32 v1, v16;
	v3 =	vmax.f32 v3, v19;
	v4 =	vmax.f32 v4, v21  }
0x8c: {  	v5 =	vmax.f32 v5, v22;
	v1 =	vmul.f32 v1, v38;
	v2 =	vmul.f32 v2, v8  }
0x8d: {  	v7 =	vld [tilespmem:$0x1FFD0];
	v6 =	vmax.f32 v6, v24;
	v3 =	vmul.f32 v3, v9;
	v4 =	vmul.f32 v4, v10  }
0x8e: {  	v61 =	vld [tilespmem:$0x1FFE0];
	v13 =	vadd.f32 v13, v52;
	v5 =	vmul.f32 v5, v11;
	v6 =	vmul.f32 v6, v63  }
0x8f: {  	v25 =	vmul.f32 $2.000000030e-01, v12;
	v1 =	vadd.f32 v2, v1;
	v2 =	vadd.f32 v4, v3;
	[tilespmem:$0x1FF00] =	vst v39  }
0x90: {  	v16 =	vmul.f32 $2.000000030e-01, v13;
	v3 =	vadd.f32 v6, v5;
	v5 =	vadd.f32 v15, v31;
	v31 =	vld [tilespmem:s25+$0xFFFFFFD0];
	_ =	sdelay $0x1  }
0x91: {  	v12 =	vmax.f32 v12, v25;
	v13 =	vmax.f32 v13, v16  }
0x92: {  	v12 =	vmul.f32 v12, v7;
	v13 =	vmul.f32 v13, v61;
	_ =	sdelay $0x1  }
0x93: {  	v4 =	vadd.f32 v13, v12;
	[tilespmem:$0x1FF10] =	vst v31  }
0x94: {  	v6 =	vadd.f32 v17, v32;
	v13 =	vadd.f32 v20, v30;
	v12 =	vld [tilespmem:s25+$0xFFFFFFE0];
	[tilespmem:$0x1FE20] =	vst v27  }
0x95: {  	v15 =	vadd.f32 v23, v29;
	v16 =	vadd.f32 v26, v27;
	v17 =	vld [tilespmem:s26+$0xFFFFFF80];
	[tilespmem:$0x1FE30] =	vst v28  }
0x96: {  	v18 =	vadd.f32 v18, v28;
	v19 =	vmul.f32 $2.000000030e-01, v5;
	v20 =	vmul.f32 $2.000000030e-01, v13;
	v21 =	vld [tilespmem:s26+$0xFFFFFF90]  }
0x97: {  	v22 =	vadd.f32 v14, v33;
	v14 =	vmul.f32 $2.000000030e-01, v15;
	v23 =	vmul.f32 $2.000000030e-01, v16;
	v24 =	vld [tilespmem:s26+$0xFFFFFFA0]  }
0x98: {  	v1 =	vadd.f32 v2, v1;
	v2 =	vmul.f32 $2.000000030e-01, v6;
	v25 =	vmul.f32 $2.000000030e-01, v18;
	v26 =	vld [tilespmem:s26+$0xFFFFFFB0]  }
0x99: {  	v13 =	vmax.f32 v13, v20;
	v14 =	vmax.f32 v15, v14;
	v15 =	vmax.f32 v16, v23;
	v20 =	vld [tilespmem:s26+$0xFFFFFFC0]  }
0x9a: {  	v16 =	vmax.f32 v18, v25;
	v13 =	vmul.f32 v13, v11;
	v14 =	vmul.f32 v14, v63;
	v23 =	vld [tilespmem:s26+$0xFFFFFFD0]  }
0x9b: {  	v5 =	vmax.f32 v5, v19;
	v15 =	vmul.f32 v15, v7;
	v16 =	vmul.f32 v16, v61;
	v19 =	vld [tilespmem:s26+$0xFFFFFFE0]  }
0x9c: {  	v3 =	vadd.f32 v4, v3;
	v4 =	vmul.f32 v5, v9;
	v5 =	vld [tilespmem:s26+$0xFFFFFFF0]  }
0x9d: {  	v2 =	vmax.f32 v6, v2;
	v6 =	vadd.f32 v14, v13;
	v13 =	vadd.f32 v16, v15;
	v15 =	vld [tilespmem:s25+$0x0]  }
0x9e: {  	v2 =	vmul.f32 v2, v10;
	v45 =	vld [tilespmem:s25+$0x10]  }
0x9f: {  	v1 =	vadd.f32 v3, v1;
	v14 =	vld [tilespmem:s25+$0x30]  }
0xa0: {  	v2 =	vadd.f32 v2, v4;
	v41 =	vadd.f32 v13, v6;
	v18 =	vld [tilespmem:s25+$0x40]  }
0xa1: {  	v16 =	vld [tilespmem:s25+$0x50];
	v3 =	vadd.f32 v17, v35;
	v4 =	vadd.f32 v21, v36  }
0xa2: {  	v27 =	vld [tilespmem:s25+$0x60];
	v21 =	vadd.f32 v24, v34;
	v24 =	vmul.f32 $2.000000030e-01, v22;
	v26 =	vadd.f32 v26, v37  }
0xa3: {  	v17 =	vld [tilespmem:s25+$0x20];
	[tilespmem:$0x1FE40] =	vst v12;
	v20 =	vadd.f32 v20, v40;
	v23 =	vadd.f32 v23, v39;
	v6 =	vmul.f32 $2.000000030e-01, v3  }
0xa4: {  	v19 =	vadd.f32 v19, v31;
	v46 =	vld [tilespmem:s26+$0x10];
	v25 =	vmul.f32 $2.000000030e-01, v4;
	v28 =	vmul.f32 $2.000000030e-01, v21  }
0xa5: {  	v5 =	vadd.f32 v5, v12;
	v47 =	vld [tilespmem:s26+$0x50];
	v30 =	vmul.f32 $2.000000030e-01, v20;
	v31 =	vmul.f32 $2.000000030e-01, v23  }
0xa6: {  	v3 =	vmax.f32 v3, v6;
	v6 =	vmul.f32 $2.000000030e-01, v26;
	v4 =	vmax.f32 v4, v25;
	v25 =	vld [tilespmem:s25+$0x70]  }
0xa7: {  	v21 =	vmax.f32 v21, v28;
	v28 =	vmul.f32 $2.000000030e-01, v19;
	v23 =	vmax.f32 v23, v31;
	v31 =	vld [tilespmem:s26+$0x20]  }
0xa8: {  	v20 =	vmax.f32 v20, v30;
	v30 =	vmul.f32 $2.000000030e-01, v5;
	v6 =	vmax.f32 v26, v6;
	v26 =	vld [tilespmem:s26+$0x0]  }
0xa9: {  	v21 =	vmul.f32 v21, v9;
	v19 =	vmax.f32 v19, v28;
	v6 =	vmul.f32 v6, v10;
	v28 =	vld [tilespmem:s26+$0x30]  }
0xaa: {  	v3 =	vmul.f32 v3, v38;
	v4 =	vmul.f32 v4, v8;
	v5 =	vmax.f32 v5, v30;
	v30 =	vld [tilespmem:s26+$0x40]  }
0xab: {  	v6 =	vadd.f32 v6, v21;
	v21 =	vld [tilespmem:s26+$0x60];
	[tilespmem:$0x1FE50] =	vst v15  }
0xac: {  	v3 =	vadd.f32 v4, v3;
	v4 =	vmul.f32 v19, v7;
	v19 =	vmax.f32 v22, v24;
	v24 =	vld [tilespmem:s26+$0x70];
	[tilespmem:$0x1FE60] =	vst v45  }
0xad: {  	[tilespmem:$0x1FE70] =	vst v17  }
0xae: {  	v20 =	vmul.f32 v20, v11;
	v23 =	vmul.f32 v23, v63;
	v12 =	vld [tilespmem:s25+$0xFFFFFEE0]  }
0xaf: {  	v33 =	vadd.f32 v47, v16;
	v5 =	vmul.f32 v5, v61  }
0xb0: {  	v20 =	vadd.f32 v23, v20;
	v23 =	vadd.f32 v46, v45  }
0xb1: {  	v4 =	vadd.f32 v5, v4;
	v5 =	vadd.f32 v26, v15  }
0xb2: {  	v34 =	vmul.f32 v19, v8;
	v26 =	vadd.f32 v31, v17;
	[tilespmem:$0x1FE80] =	vst v14;
	v31 =	vmul.f32 $2.000000030e-01, v23  }
0xb3: {  	s26 =	simm.s32 $0x4E0;
	v3 =	vadd.f32 v6, v3;
	v28 =	vadd.f32 v28, v14;
	v6 =	vmul.f32 $2.000000030e-01, v5;
	[tilespmem:$0x1FF20] =	vst v12  }
0xb4: {  	v4 =	vadd.f32 v4, v20;
	v48 =	vmul.f32 $2.000000030e-01, v26;
	v31 =	vmax.f32 v23, v31;
	v19 =	vld [tilespmem:s26+$0x90]  }
0xb5: {  	v51 =	vadd.f32 v21, v27;
	v31 =	vmul.f32 v31, v8;
	v5 =	vmax.f32 v5, v6;
	v22 =	vld [tilespmem:s26+$0xA0];
	[tilespmem:$0x1FE90] =	vst v18  }
0xb6: {  	v6 =	vadd.f32 v30, v18;
	v30 =	vmul.f32 $2.000000030e-01, v28;
	v32 =	vmax.f32 v26, v48;
	v20 =	vld [tilespmem:s26+$0xB0];
	[tilespmem:$0x1FEA0] =	vst v16  }
0xb7: {  	v59 =	vadd.f32 v24, v25;
	v60 =	vmul.f32 $2.000000030e-01, v51;
	v5 =	vmul.f32 v5, v38;
	v23 =	vld [tilespmem:s26+$0xC0]  }
0xb8: {  	v0 =	vadd.f32 v0, v12;
	v32 =	vmul.f32 v32, v9;
	v50 =	vmul.f32 $2.000000030e-01, v6;
	v21 =	vld [tilespmem:s26+$0xD0]  }
0xb9: {  	s28 =	simm.s32 $0x4C80;
	v30 =	vmax.f32 v28, v30;
	v28 =	vmul.f32 $2.000000030e-01, v33;
	v62 =	vmul.f32 $2.000000030e-01, v59;
	v14 =	vld [tilespmem:s26+$0xE0]  }
0xba: {  	v42 =	vmul.f32 $2.000000030e-01, v0;
	v35 =	vmax.f32 v51, v60;
	v30 =	vmul.f32 v30, v10;
	v43 =	vld [tilespmem:s28+$0x80]  }
0xbb: {  	v5 =	vadd.f32 v31, v5;
	v6 =	vmax.f32 v6, v50;
	v33 =	vmax.f32 v33, v28;
	v44 =	vld [tilespmem:s28+$0x90]  }
0xbc: {  	v37 =	vmax.f32 v59, v62;
	v45 =	vld [tilespmem:s28+$0xA0];
	v35 =	vmul.f32 v35, v7;
	v6 =	vmul.f32 v6, v11  }
0xbd: {  	v15 =	vmovc v38;
	v46 =	vld [tilespmem:s28+$0xB0];
	v0 =	vmax.f32 v0, v42;
	v33 =	vmul.f32 v33, v63;
	v31 =	vmul.f32 v37, v61  }
0xbe: {  	v3 =	vadd.f32 v4, v3;
	v12 =	vld [tilespmem:s26+$0xF0];
	v30 =	vadd.f32 v30, v32;
	v0 =	vmul.f32 v0, v15  }
0xbf: {  	v47 =	vld [tilespmem:s28+$0xC0];
	v6 =	vadd.f32 v33, v6;
	v31 =	vadd.f32 v31, v35  }
0xc0: {  	v48 =	vld [tilespmem:s28+$0xD0];
	v4 =	vadd.f32 v30, v5;
	v0 =	vadd.f32 v34, v0  }
0xc1: {  	v18 =	vmov v15;
	v5 =	vld [tilespmem:s28+$0xE0];
	v30 =	vadd.f32 v43, v19;
	v15 =	vadd.f32 v44, v22  }
0xc2: {  	v16 =	vld [tilespmem:s26+$0x100];
	v50 =	vadd.f32 v45, v20;
	v51 =	vadd.f32 v46, v23  }
0xc3: {  	v0 =	vadd.f32 v2, v0;
	v2 =	vadd.f32 v31, v6;
	v6 =	vld [tilespmem:s28+$0xF0]  }
0xc4: {  	v32 =	vadd.f32 v47, v21;
	v36 =	vmul.f32 $2.000000030e-01, v30;
	v59 =	vmul.f32 $2.000000030e-01, v15  }
0xc5: {  	v17 =	vadd.f32 v48, v14;
	v38 =	vmul.f32 $2.000000030e-01, v50;
	v60 =	vmul.f32 $2.000000030e-01, v51  }
0xc6: {  	v62 =	vmul.f32 $2.000000030e-01, v32;
	v5 =	vadd.f32 v5, v12;
	v0 =	vadd.f32 v41, v0  }
0xc7: {  	v29 =	vmovc v12;
	v31 =	vmovc v14;
	v12 =	vmul.f32 $2.000000030e-01, v17;
	v30 =	vmax.f32 v30, v36;
	v14 =	vmax.f32 v15, v59  }
0xc8: {  	v34 =	vmax.f32 v50, v38;
	v44 =	vmul.f32 $2.000000030e-01, v5;
	v6 =	vadd.f32 v6, v16  }
0xc9: {  	v35 =	vmax.f32 v51, v60;
	v30 =	vmul.f32 v30, v18;
	v14 =	vmul.f32 v14, v8  }
0xca: {  	v32 =	vmax.f32 v32, v62;
	v15 =	vmul.f32 v34, v9;
	v45 =	vmul.f32 $2.000000030e-01, v6  }
0xcb: {  	(xrf2) =	vadd.scan.msk.f32 $0xffff, v1;
	v12 =	vmax.f32 v17, v12;
	v46 =	vmul.f32 v35, v10;
	v1 =	vmul.f32 v32, v11  }
0xcc: {  	v47 =	vmul.f32 v12, v63;
	v5 =	vmax.f32 v5, v44;
	v6 =	vmax.f32 v6, v45  }
0xcd: {  	(xrf2) =	vadd.scan.msk.f32 $0xffff, v3;
	v24 =	vld [tilespmem:s26+$0xFFFFFF10];
	v2 =	vadd.f32 v2, v4;
	v3 =	vmul.f32 v5, v7;
	v4 =	vmul.f32 v6, v61  }
0xce: {  	v26 =	vld [tilespmem:s26+$0xFFFFFF20];
	v5 =	vadd.f32 v14, v30;
	v1 =	vadd.f32 v47, v1  }
0xcf: {  	v41 =	vld [tilespmem:s26+$0xFFFFFF40];
	v6 =	vadd.f32 v46, v15;
	v3 =	vadd.f32 v4, v3  }
0xd0: {  	v17 =	vld [tilespmem:s26+$0xFFFFFEF0]  }
0xd1: {  	v33 =	vmovc v16;
	(xrf2) =	vadd.scan.msk.f32 $0xffff, v0;
	v16 =	vmov v18;
	v18 =	vld [tilespmem:s26+$0xFFFFFF00];
	v0 =	vadd.f32 v6, v5;
	v1 =	vadd.f32 v3, v1  }
0xd2: {  	v5 =	vld [tilespmem:s28+$0xFFFFFF40]  }
0xd3: {  	(xrf2) =	vadd.scan.msk.f32 $0xffff, v2;
	v2 =	vld [tilespmem:s28+$0xFFFFFF20];
	v0 =	vadd.f32 v1, v0  }
0xd4: {  	v44 =	vld [tilespmem:s28+$0xFFFFFF60]  }
0xd5: {  	v1 =	vld [tilespmem:s28+$0xFFFFFF10];
	(xrf2) =	vadd.scan.msk.f32 $0xffff, v0  }
0xd6: {  	v28 =	vld [tilespmem:s26+$0xFFFFFF30]  }
0xd7: {  	v42 =	vld [tilespmem:s26+$0xFFFFFF50];
	v5 =	vadd.f32 v5, v26;
	v0, _, _ =	vpop (xrf2)  }
0xd8: {  	v62 =	vld [tilespmem:s28+$0xFFFFFF70];
	v2 =	vadd.f32 v2, v18;
	v0 =	vmul.f32 $1.442695020e+00, v0  }
0xd9: {  	v44 =	vadd.f32 v44, v41;
	v4 =	vld [tilespmem:s28+$0xFFFFFF30];
	v6 =	vmul.f32 $2.000000030e-01, v5  }
0xda: {  	v36 =	vld [tilespmem:s28+$0xFFFFFF50];
	v60 =	vmul.f32 $2.000000030e-01, v2;
	v3, _, _ =	vpop (xrf2);
	v1 =	vadd.f32 v1, v17;
	v0 =	vbroadcast v0, $0xF  }
0xdb: {  	v38 =	vld [tilespmem:s26+$0xFFFFFF90];
	v5 =	vmax.f32 v5, v6;
	v6 =	vmul.f32 $2.000000030e-01, v44;
	v3 =	vmul.f32 $1.442695020e+00, v3;
	v48, _, _ =	vpop (xrf2)  }
0xdc: {  	v34 =	vld [tilespmem:s26+$0xFFFFFF70];
	v50 =	vmul.f32 $1.442695020e+00, v48;
	v59 =	vmul.f32 $2.000000030e-01, v1  }
0xdd: {  	v35 =	vld [tilespmem:s26+$0xFFFFFF80];
	v62 =	vadd.f32 v62, v42;
	v3 =	vbroadcast v3, $0xF;
	(erf) = vpow2.f32 v0  }
0xde: {  	v4 =	vadd.f32 v4, v24;
	v47 =	vmax.f32 v44, v6;
	v6 =	vld [tilespmem:s28+$0xFFFFFFA0];
	v51 =	vbroadcast v50, $0xF;
	v0, _, _ =	vpop (xrf2)  }
0xdf: {  	v45 =	vld [tilespmem:s28+$0xFFFFFF90];
	v14 =	vmax.f32 v1, v59;
	(erf) = vpow2.f32 v3;
	v0 =	vmul.f32 $1.442695020e+00, v0;
	v1, _, _ =	vpop (xrf2)  }
0xe0: {  	v32 =	vld [tilespmem:s28+$0xFFFFFF80];
	v2 =	vmax.f32 v2, v60;
	v3 =	vmul.f32 $2.000000030e-01, v4;
	v1 =	vmul.f32 $1.442695020e+00, v1  }
0xe1: {  	v13 =	vld [tilespmem:$0x1FFF0];
	v2 =	vmul.f32 v2, v9;
	v43 =	vbroadcast v0, $0xF;
	v0 =	vadd.f32 v36, v28  }
0xe2: {  	v39 =	vld [tilespmem:s26+$0xFFFFFFB0];
	(erf) = vpow2.f32 v51;
	v3 =	vmax.f32 v4, v3;
	v1 =	vbroadcast v1, $0xF  }
0xe3: {  	v40 =	vld [tilespmem:s26+$0xFFFFFFC0];
	v6 =	vadd.f32 v6, v38;
	v4 =	vmul.f32 $2.000000030e-01, v0;
	(erf) = vpow2.f32 v43  }
0xe4: {  	v37 =	vld [tilespmem:s26+$0xFFFFFFD0];
	v45 =	vadd.f32 v45, v35;
	(erf) = vpow2.f32 v1;
	v1 =	vmul.f32 $2.000000030e-01, v62  }
0xe5: {  	v46 =	vld [tilespmem:s28+$0xFFFFFFB0];
	v3 =	vmul.f32 v3, v10;
	v50 =	vmul.f32 $2.000000030e-01, v6;
	v43 =	vadd.f32 v32, v34  }
0xe6: {  	v44 =	vld [tilespmem:s26+$0xFFFFFFE0];
	v32 =	vmul.f32 $2.000000030e-01, v45;
	v4 =	vmax.f32 v0, v4;
	v0 =	vpop (erf);
	v48 =	vmax.f32 v62, v1  }
0xe7: {  	v36 =	vld [tilespmem:s26+$0xFFFFFFA0];
	v49 =	vmul.f32 v0, v49;
	v62 =	vadd.f32 v3, v2;
	v2 =	vmul.f32 v5, v11  }
0xe8: {  	v3 =	vmul.f32 v4, v63;
	v5 =	vmul.f32 v0, v55;
	v55 =	vld [tilespmem:s28+$0xFFFFFFC0]  }
0xe9: {  	v51 =	vmul.f32 v0, v56;
	v56 =	vmul.f32 v0, v53;
	v53 =	vld [tilespmem:s28+$0xFFFFFFD0]  }
0xea: {  	v57 =	vmul.f32 v0, v57;
	v59 =	vmul.f32 v0, v54;
	v54 =	vld [tilespmem:s28+$0xFFFFFFE0]  }
0xeb: {  	v50 =	vmax.f32 v6, v50;
	v1 =	vmul.f32 $2.000000030e-01, v43;
	v12 =	vadd.f32 v3, v2;
	v3 =	vld [tilespmem:s28+$0xFFFFFFF0];
	[tilespmem:s25+$0x90] =	vst v49  }
0xec: {  	v58 =	vmul.f32 v0, v58;
	v46 =	vadd.f32 v46, v36;
	v2 =	vmul.f32 v13, v0;
	[tilespmem:s25+$0xA0] =	vst v57  }
0xed: {  	v60 =	vmul.f32 v0, v52;
	v4 =	vmax.f32 v43, v1;
	[tilespmem:s25+$0xB0] =	vst v5;
	v55 =	vadd.f32 v55, v39  }
0xee: {  	v1 =	vmul.f32 $2.000000030e-01, v46;
	v43 =	vmax.f32 v45, v32;
	[tilespmem:s25+$0x110] =	vst v2;
	v0 =	vadd.f32 v53, v40  }
0xef: {  	v4 =	vmul.f32 v4, v16;
	v2 =	vadd.f32 v54, v37;
	v5 =	vld [tilespmem:$0x1FEB0];
	[tilespmem:s25+$0xC0] =	vst v51;
	v45 =	vmul.f32 $2.000000030e-01, v55  }
0xf0: {  	v43 =	vmul.f32 v43, v8;
	[tilespmem:s25+$0xD0] =	vst v56;
	v3 =	vadd.f32 v3, v44;
	v32 =	vmul.f32 $2.000000030e-01, v0  }
0xf1: {  	v1 =	vmax.f32 v46, v1;
	v46 =	vmul.f32 v47, v7;
	[tilespmem:s25+$0xE0] =	vst v59;
	v57 =	vmul.f32 $2.000000030e-01, v2  }
0xf2: {  	v1 =	vmul.f32 v1, v10;
	[tilespmem:s25+$0xF0] =	vst v58;
	v0 =	vmax.f32 v0, v32;
	v32 =	vmul.f32 $2.000000030e-01, v3  }
0xf3: {  	[tilespmem:s25+$0x100] =	vst v60;
	v49 =	vmax.f32 v55, v45;
	v2 =	vmax.f32 v2, v57;
	v57 =	vmul.f32 v50, v9;
	v45 =	vpop (erf)  }
0xf4: {  	v2 =	vmul.f32 v2, v7;
	v7 =	vld [tilespmem:$0x1FEC0];
	v3 =	vmax.f32 v3, v32;
	v5 =	vmul.f32 v45, v5  }
0xf5: {  	v4 =	vadd.f32 v43, v4;
	v1 =	vadd.f32 v1, v57;
	v3 =	vmul.f32 v3, v61  }
0xf6: {  	[tilespmem:s25+$0xFFFFFF70] =	vst v5  }
0xf7: {  	v2 =	vadd.f32 v3, v2;
	v3 =	vadd.f32 v1, v4;
	v1 =	vld [tilespmem:$0x1FED0];
	_ =	sdelay $0x1  }
0xf8: {  	v10 =	vmul.f32 v45, v7;
	_ =	sdelay $0x1  }
0xf9: {  	[tilespmem:s25+$0xFFFFFF80] =	vst v10  }
0xfa: {  	v4 =	vld [tilespmem:$0x1FEE0];
	v1 =	vmul.f32 v45, v1;
	_ =	sdelay $0x1  }
0xfb: {  	v5 =	vld [tilespmem:$0x1FEF0];
	[tilespmem:s25+$0xFFFFFF90] =	vst v1  }
0xfc: {  	v1 =	vld [tilespmem:$0x1FF00];
	_ =	sdelay $0x1  }
0xfd: {  	v4 =	vmul.f32 v45, v4;
	_ =	sdelay $0x1  }
0xfe: {  	[tilespmem:s25+$0xFFFFFFA0] =	vst v4  }
0xff: {  	v32 =	vmul.f32 v49, v11;
	v11 =	vmul.f32 v45, v1;
	v1 =	vld [tilespmem:$0x1FF10]  }
0x100: {  	v15 =	vld [tilespmem:s28+$0xFFFFFF00];
	v0 =	vmul.f32 v0, v63  }
0x101: {  	v6 =	vld [tilespmem:s28+$0x10]  }
0x102: {  	v52 =	vld [tilespmem:s26+$0x0];
	v0 =	vadd.f32 v0, v32;
	v5 =	vmul.f32 v45, v5  }
0x103: {  	v53 =	vld [tilespmem:s26+$0x10]  }
0x104: {  	v54 =	vld [tilespmem:s26+$0x20];
	v0 =	vadd.f32 v2, v0;
	[tilespmem:s25+$0xFFFFFFB0] =	vst v5;
	v4 =	vmul.f32 v45, v1  }
0x105: {  	v51 =	vld [tilespmem:s28+$0x0];
	[tilespmem:s25+$0xFFFFFFC0] =	vst v11  }
0x106: {  	v10 =	vadd.f32 v0, v3;
	v0 =	vld [tilespmem:$0x1FF20];
	[tilespmem:s25+$0xFFFFFFD0] =	vst v4  }
0x107: {  	v4 =	vld [tilespmem:$0x1FF30]  }
0x108: {  	v56 =	vld [tilespmem:s26+$0x40]  }
0x109: {  	v55 =	vld [tilespmem:s26+$0x30]  }
0x10a: {  	v9 =	vld [tilespmem:s28+$0x20];
	v1 =	vpop (erf)  }
0x10b: {  	v48 =	vmul.f32 v48, v61;
	v50 =	vld [tilespmem:s26+$0x60];
	v0 =	vmul.f32 v1, v0  }
0x10c: {  	v43 =	vadd.f32 v51, v52;
	v51 =	vld [tilespmem:s26+$0x70];
	v4 =	vmul.f32 v1, v4  }
0x10d: {  	v46 =	vadd.f32 v48, v46;
	v6 =	vadd.f32 v6, v53;
	v63 =	vld [tilespmem:s28+$0x40];
	[tilespmem:s25+$0xFFFFFEE0] =	vst v0  }
0x10e: {  	v57 =	vld [tilespmem:s26+$0x50];
	v58 =	vmul.f32 $2.000000030e-01, v43;
	[tilespmem:s25+$0xFFFFFEF0] =	vst v4  }
0x10f: {  	v60 =	vadd.f32 v46, v12;
	v46 =	vmul.f32 $2.000000030e-01, v6;
	v4 =	vld [tilespmem:$0x1FF40]  }
0x110: {  	v49 =	vld [tilespmem:s28+$0x30]  }
0x111: {  	v48 =	vadd.f32 v9, v54;
	v7 =	vmax.f32 v6, v46;
	v59 =	vpop (erf);
	v6 =	vld [tilespmem:$0x1FF50]  }
0x112: {  	v9 =	vmax.f32 v43, v58;
	v43 =	vld [tilespmem:s26+$0xFFFFFEE0];
	v58 =	vpop (erf)  }
0x113: {  	v32 =	vmul.f32 $2.000000030e-01, v48;
	v3 =	vld [tilespmem:s28+$0x60];
	v11 =	vmul.f32 v13, v58  }
0x114: {  	v2 =	vld [tilespmem:s28+$0x50];
	v4 =	vmul.f32 v1, v4  }
0x115: {  	v46 =	vmax.f32 v48, v32;
	v48 =	vadd.f32 v49, v55;
	v5 =	vld [tilespmem:s28+$0x70];
	[tilespmem:s26+$0x110] =	vst v11  }
0x116: {  	v61 =	vmul.f32 v1, v6;
	v6 =	vld [tilespmem:$0x1FF60];
	[tilespmem:s25+$0xFFFFFF00] =	vst v4  }
0x117: {  	v32 =	vmul.f32 $2.000000030e-01, v48;
	v4 =	vld [tilespmem:$0x1FF70]  }
0x118: {  	v3 =	vadd.f32 v3, v50  }
0x119: {  	v63 =	vadd.f32 v63, v56;
	v2 =	vadd.f32 v2, v57;
	v49 =	vmax.f32 v48, v32  }
0x11a: {  	v32 =	vmul.f32 $2.000000030e-01, v3;
	v48 =	vadd.f32 v5, v51;
	v0 =	vmul.f32 v14, v8  }
0x11b: {  	(xrf2) =	vadd.scan.msk.f32 $0xffff, v10;
	v5 =	vadd.f32 v15, v43;
	v47 =	vmul.f32 v1, v6;
	v6 =	vmul.f32 $2.000000030e-01, v2  }
0x11c: {  	v3 =	vmax.f32 v3, v32;
	[tilespmem:s25+$0xFFFFFF10] =	vst v61;
	v11 =	vmul.f32 v1, v4;
	v4 =	vmul.f32 $2.000000030e-01, v63  }
0x11d: {  	[tilespmem:s25+$0xFFFFFF20] =	vst v47;
	v47 =	vmul.f32 v9, v16;
	v2 =	vmax.f32 v2, v6;
	v6 =	vmul.f32 $2.000000030e-01, v5  }
0x11e: {  	s29 =	simm.s32 $0x4;
	s30 =	simm.s32 $0x720;
	v16 =	vmovc v8;
	v61 =	vmax.f32 v63, v4;
	v4 =	vmul.f32 $2.000000030e-01, v48;
	[tilespmem:s25+$0xFFFFFF30] =	vst v11;
	v63 =	vmul.f32 v7, v8  }
.LBB2_5:
0x11f: {  	v14 =	vld [tilespmem:$0x1FF90]  }
0x120: {  	v30 =	vmov v17;
	v17 =	vld [tilespmem:$0x1FFA0]  }
0x121: {  	v32 =	vmov v18;
	v18 =	vld [tilespmem:$0x1FFB0]  }
0x122: {  	[tilespmem:$0x1FDF0] =	vst v24;
	v24 =	vld [tilespmem:$0x1FFC0]  }
0x123: {  	v15 =	vld [tilespmem:$0x1FF80]  }
0x124: {  	[tilespmem:$0x1FE00] =	vst v26;
	v26 =	vld [tilespmem:$0x1FFD0]  }
0x125: {  	[tilespmem:$0x1FE10] =	vst v28;
	v28 =	vld [tilespmem:$0x1FFE0];
	_ =	sdelay $0x1  }
0x126: {  	v5 =	vmax.f32 v5, v6;
	v46 =	vmul.f32 v46, v14  }
0x127: {  	v7 =	vld [tilespmem:s30+$0x90];
	v49 =	vmul.f32 v49, v17;
	v8 =	vmul.f32 v5, v15  }
0x128: {  	v9 =	vld [tilespmem:s30+$0xE0];
	v4 =	vmax.f32 v48, v4;
	v6 =	vmul.f32 v61, v18;
	v2 =	vmul.f32 v2, v24  }
0x129: {  	v3 =	vmul.f32 v3, v26;
	v4 =	vmul.f32 v4, v28;
	v0 =	vadd.f32 v0, v8;
	v8 =	vld [tilespmem:$0x1FE20]  }
0x12a: {  	v11 =	vmovc v41;
	v41 =	vld [tilespmem:s30+$0xF0];
	v27 =	vmul.f32 v59, v27;
	v47 =	vadd.f32 v63, v47;
	v46 =	vadd.f32 v49, v46  }
0x12b: {  	v25 =	vmul.f32 v59, v25;
	v48 =	vld [tilespmem:s30+$0xA0];
	v2 =	vadd.f32 v2, v6;
	v5, _, _ =	vpop (xrf2);
	v3 =	vadd.f32 v4, v3  }
0x12c: {  	v63 =	vld [tilespmem:s30+$0xC0];
	[tilespmem:s25+$0x60] =	vst v27;
	v5 =	vmul.f32 $1.442695020e+00, v5  }
0x12d: {  	[tilespmem:s25+$0x70] =	vst v25;
	v4 =	vadd.f32 v46, v47;
	v47 =	vld [tilespmem:$0x1FE40];
	v2 =	vadd.f32 v3, v2;
	v3 =	vmul.f32 v13, v45  }
0x12e: {  	[tilespmem:$0x1FE20] =	vst v11;
	v0 =	vadd.f32 v62, v0;
	v49 =	vmul.f32 v1, v8;
	v8 =	vld [tilespmem:$0x1FE30]  }
0x12f: {  	v10 =	vmov v42;
	v61 =	vld [tilespmem:s30+$0xB0];
	[tilespmem:s25+$0xFFFFFFF0] =	vst v3  }
0x130: {  	v0 =	vadd.f32 v60, v0;
	v60 =	vld [tilespmem:$0x1FE60];
	[tilespmem:$0x1FE30] =	vst v10  }
0x131: {  	v2 =	vadd.f32 v2, v4;
	v4 =	vld [tilespmem:$0x1FE70];
	[tilespmem:s25+$0xFFFFFF40] =	vst v49;
	v49 =	vbroadcast v5, $0xF;
	v5 =	vmovc v52;
	v52 =	vmov v53  }
0x132: {  	v3 =	vld [tilespmem:$0x1FE90];
	v42 =	vmul.f32 v45, v47;
	v53 =	vmov v54;
	[tilespmem:$0x1FE60] =	vst v52  }
0x133: {  	v6 =	vld [tilespmem:s30+$0xD0];
	[tilespmem:$0x1FE70] =	vst v53;
	v12 =	vmul.f32 v1, v8;
	v1 =	vmul.f32 v13, v1  }
0x134: {  	v62 =	vld [tilespmem:s30+$0x100];
	[tilespmem:s25+$0xFFFFFFE0] =	vst v42  }
0x135: {  	v10 =	vmul.f32 v59, v60;
	v8 =	vmov v44;
	[tilespmem:s25+$0xFFFFFF60] =	vst v1;
	v1 =	vld [tilespmem:$0x1FE50]  }
0x136: {  	(xrf2) =	vadd.scan.msk.f32 $0xffff, v0;
	v0 =	vld [tilespmem:$0x1FE80];
	v4 =	vmul.f32 v59, v4;
	[tilespmem:$0x1FE40] =	vst v8  }
0x137: {  	s28 =	sadd.s32 $0x200, s28;
	v46 =	vld [tilespmem:s30+$0xFFFFFF00];
	v3 =	vmul.f32 v59, v3;
	[tilespmem:s25+$0x10] =	vst v10  }
0x138: {  	v45 =	vld [tilespmem:s28+$0x90];
	[tilespmem:s25+$0x20] =	vst v4  }
0x139: {  	(xrf2) =	vadd.scan.msk.f32 $0xffff, v2;
	v2 =	vld [tilespmem:s28+$0xE0];
	[tilespmem:s25+$0x40] =	vst v3  }
0x13a: {  	v52 =	vld [tilespmem:s28+$0xD0];
	[tilespmem:s25+$0xFFFFFF50] =	vst v12;
	v1 =	vmul.f32 v59, v1  }
0x13b: {  	v54 =	vmul.f32 v58, v22;
	v8 =	vld [tilespmem:s28+$0x80];
	v0 =	vmul.f32 v59, v0;
	[tilespmem:$0x1FE50] =	vst v5  }
0x13c: {  	v53 =	vmul.f32 v58, v19;
	v19 =	vmov v7;
	v7 =	vmul.f32 v58, v23;
	[tilespmem:s25+$0x0] =	vst v1;
	v1 =	vld [tilespmem:$0x1FEA0]  }
0x13d: {  	v22 =	vmovc v48;
	v23 =	vmov v63;
	v44 =	vmul.f32 v13, v59;
	v4 =	vmul.f32 v58, v20;
	[tilespmem:s25+$0x30] =	vst v0;
	v0 =	vld [tilespmem:s28+$0xF0]  }
0x13e: {  	v63 =	vld [tilespmem:s30+$0xFFFFFEF0];
	v2 =	vadd.f32 v2, v41;
	v12 =	vmovc v55;
	v55 =	vmovc v56;
	v56 =	vmov v57;
	v57 =	vmul.f32 v58, v33  }
0x13f: {  	(erf) = vpow2.f32 v49;
	v42 =	vld [tilespmem:s28+$0xB0];
	[tilespmem:$0x1FE90] =	vst v55;
	v55 =	vmul.f32 v58, v21;
	v21 =	vmovc v6;
	v6 =	vadd.f32 v45, v22  }
0x140: {  	v49 =	vld [tilespmem:s28+$0xC0];
	[tilespmem:$0x1FE80] =	vst v12;
	v12 =	vmul.f32 $2.000000030e-01, v2;
	v3 =	vadd.f32 v8, v19;
	v8 =	vmul.f32 v58, v29  }
0x141: {  	v5 =	vld [tilespmem:s28+$0xA0];
	[tilespmem:s25+$0x80] =	vst v44;
	v52 =	vadd.f32 v52, v9;
	v60 =	vmul.f32 $2.000000030e-01, v6;
	v1 =	vmul.f32 v59, v1  }
0x142: {  	v47 =	vld [tilespmem:s30+$0xFFFFFF10];
	v0 =	vadd.f32 v0, v62;
	[tilespmem:$0x1FEA0] =	vst v56;
	v56 =	vmul.f32 v58, v31;
	v58 =	vmul.f32 $2.000000030e-01, v3  }
0x143: {  	v25 =	vmovc v51;
	v20 =	vmov v61;
	v48 =	vld [tilespmem:s30+$0xFFFFFF20];
	v11 =	vmul.f32 $2.000000030e-01, v52;
	v2 =	vmax.f32 v2, v12;
	[tilespmem:s25+$0x50] =	vst v1;
	s25 =	smov.u32 s26  }
0x144: {  	v51 =	vld [tilespmem:s28+$0xFFFFFF10];
	v29 =	vmovc v41;
	v6 =	vmax.f32 v6, v60;
	v3 =	vmax.f32 v3, v58;
	v58 =	vmul.f32 $2.000000030e-01, v0;
	[tilespmem:s25+$0x90] =	vst v53  }
0x145: {  	v41 =	vld [tilespmem:s30+$0xFFFFFF40];
	v6 =	vmul.f32 v6, v16;
	v3 =	vmul.f32 v3, v15;
	v59 =	vadd.f32 v49, v21;
	[tilespmem:s25+$0xA0] =	vst v54  }
0x146: {  	v0 =	vmax.f32 v0, v58;
	v49 =	vld [tilespmem:s30+$0xFFFFFF30];
	v1 =	vadd.f32 v5, v20;
	v5 =	vadd.f32 v42, v23;
	[tilespmem:s25+$0xB0] =	vst v4  }
0x147: {  	v2 =	vmul.f32 v2, v26;
	v0 =	vmul.f32 v0, v28;
	v3 =	vadd.f32 v6, v3;
	v6 =	vld [tilespmem:s28+$0xFFFFFF60];
	[tilespmem:s25+$0xC0] =	vst v7  }
0x148: {  	v31 =	vmov v9;
	v53, _, _ =	vpop (xrf2);
	[tilespmem:s25+$0xD0] =	vst v55;
	v55 =	vld [tilespmem:s28+$0xFFFFFF20];
	v10 =	vmul.f32 $2.000000030e-01, v1;
	v9 =	vmul.f32 $2.000000030e-01, v5  }
0x149: {  	v44 =	vmul.f32 $2.000000030e-01, v59;
	v0 =	vadd.f32 v0, v2;
	v54 =	vmax.f32 v52, v11;
	[tilespmem:s25+$0xF0] =	vst v8;
	v8 =	vld [tilespmem:s28+$0xFFFFFF40];
	v7, _, _ =	vpop (xrf2)  }
0x14a: {  	[tilespmem:s25+$0x100] =	vst v57;
	v57 =	vld [tilespmem:s28+$0xFFFFFF50];
	v2 =	vmul.f32 $1.442695020e+00, v7;
	v1 =	vmax.f32 v1, v10;
	v4 =	vmax.f32 v5, v9  }
0x14b: {  	v12 =	vld [tilespmem:s28+$0xFFFFFF30];
	v5 =	vmax.f32 v59, v44;
	v10 =	vmul.f32 v54, v24;
	v1 =	vmul.f32 v1, v14  }
0x14c: {  	v42 =	vld [tilespmem:s30+$0xFFFFFF50];
	v7 =	vadd.f32 v51, v63;
	v4 =	vmul.f32 v4, v17;
	v5 =	vmul.f32 v5, v18  }
0x14d: {  	v6 =	vadd.f32 v6, v41;
	v59 =	vld [tilespmem:s28+$0xFFFFFF70];
	v58 =	vadd.f32 v55, v46  }
0x14e: {  	v27 =	vmovc v50;
	v50 =	vld [tilespmem:s30+$0xFFFFFFC0];
	v2 =	vbroadcast v2, $0xF;
	v1 =	vadd.f32 v4, v1;
	v5 =	vadd.f32 v10, v5  }
0x14f: {  	v61 =	vld [tilespmem:s28+$0xFFFFFF00];
	v8 =	vadd.f32 v8, v48;
	v44 =	vadd.f32 v57, v49;
	v4 =	vmul.f32 $1.442695020e+00, v53  }
0x150: {  	v11 =	vld [tilespmem:s30+$0xFFFFFF70];
	v60 =	vmul.f32 $2.000000030e-01, v58;
	v1 =	vadd.f32 v1, v3;
	v0 =	vadd.f32 v0, v5  }
0x151: {  	v33 =	vmovc v62;
	v51 =	vld [tilespmem:s30+$0xFFFFFF90];
	v62 =	vmul.f32 $2.000000030e-01, v8;
	v3 =	vmul.f32 $2.000000030e-01, v7;
	v5 =	vadd.f32 v12, v47  }
0x152: {  	v54 =	vld [tilespmem:s30+$0xFFFFFFB0];
	v4 =	vbroadcast v4, $0xF;
	v10 =	vadd.f32 v59, v42;
	v0 =	vadd.f32 v0, v1  }
0x153: {  	v55 =	vld [tilespmem:s30+$0xFFFFFFD0];
	v1 =	vmul.f32 $2.000000030e-01, v5;
	v3 =	vmax.f32 v7, v3;
	v7 =	vmul.f32 $2.000000030e-01, v44  }
0x154: {  	v45 =	vpop (erf);
	v53 =	vld [tilespmem:s30+$0xFFFFFFA0];
	v9 =	vmax.f32 v58, v60;
	v57 =	vmul.f32 $2.000000030e-01, v10;
	(erf) = vpow2.f32 v4  }
0x155: {  	v12 =	vld [tilespmem:s30+$0xFFFFFF80];
	(erf) = vpow2.f32 v2;
	v1 =	vmax.f32 v5, v1;
	v5 =	vmul.f32 $2.000000030e-01, v6  }
0x156: {  	v59 =	vld [tilespmem:s28+$0xFFFFFF90];
	(xrf2) =	vadd.scan.msk.f32 $0xffff, v0;
	v7 =	vmax.f32 v44, v7;
	v0 =	vmul.f32 v3, v16;
	v3 =	vmul.f32 v9, v14  }
0x157: {  	v8 =	vmax.f32 v8, v62;
	v58 =	vld [tilespmem:s28+$0xFFFFFF80];
	v1 =	vmul.f32 v1, v17;
	v7 =	vmul.f32 v7, v24  }
0x158: {  	v4 =	vld [tilespmem:s28+$0xFFFFFFB0];
	v5 =	vmax.f32 v6, v5;
	v6 =	vmul.f32 v8, v18;
	v8 =	vmax.f32 v10, v57  }
0x159: {  	[tilespmem:s25+$0xE0] =	vst v56;
	v44 =	vld [tilespmem:s30+$0xFFFFFFE0];
	v5 =	vmul.f32 v5, v26;
	v8 =	vmul.f32 v8, v28  }
0x15a: {  	v62 =	vadd.f32 v1, v3;
	v1 =	vld [tilespmem:s28+$0xFFFFFFA0];
	v3 =	vadd.f32 v7, v6;
	v6 =	vmul.f32 v45, v34;
	v34 =	vmovc v11  }
0x15b: {  	v7 =	vmul.f32 v45, v35;
	v35 =	vmovc v12;
	v11 =	vld [tilespmem:s28+$0xFFFFFFD0];
	v12 =	vmul.f32 v45, v39;
	v2 =	vadd.f32 v8, v5  }
0x15c: {  	v5 =	vld [tilespmem:s28+$0xFFFFFFC0];
	v8 =	vmul.f32 v45, v38;
	v9 =	vadd.f32 v58, v34;
	[tilespmem:s25+$0xFFFFFF70] =	vst v6;
	v6 =	vmul.f32 v45, v36  }
0x15d: {  	v36 =	vmov v53;
	v60 =	vadd.f32 v2, v3;
	v2 =	vadd.f32 v59, v35;
	v3 =	vld [tilespmem:s28+$0xFFFFFFE0];
	[tilespmem:s25+$0xFFFFFF80] =	vst v7  }
0x15e: {  	v39 =	vmovc v54;
	v7 =	vmul.f32 v45, v40;
	v56 =	vmul.f32 $2.000000030e-01, v9;
	v4 =	vadd.f32 v4, v36;
	v58 =	vld [tilespmem:s28+$0xFFFFFFF0];
	[tilespmem:s25+$0xFFFFFF90] =	vst v8  }
0x15f: {  	v54 =	vld [tilespmem:s30+$0x20];
	v40 =	vmovc v50;
	v57 =	vadd.f32 v1, v51;
	[tilespmem:s25+$0xFFFFFFA0] =	vst v6;
	v6 =	vmul.f32 v45, v37;
	v8 =	vmul.f32 $2.000000030e-01, v2  }
0x160: {  	v53 =	vld [tilespmem:s30+$0x10];
	[tilespmem:s25+$0xFFFFFFB0] =	vst v12;
	v9 =	vmax.f32 v9, v56;
	v12 =	vmul.f32 $2.000000030e-01, v4;
	v11 =	vadd.f32 v11, v40  }
0x161: {  	v50 =	vld [tilespmem:s30+$0x60];
	v52, _, _ =	vpop (xrf2);
	v10 =	vmul.f32 $2.000000030e-01, v57;
	v5 =	vadd.f32 v5, v39;
	v9 =	vmul.f32 v9, v15  }
0x162: {  	v37 =	vmovc v55;
	v55 =	vld [tilespmem:s30+$0x30];
	[tilespmem:s25+$0xFFFFFFD0] =	vst v6;
	v1 =	vmul.f32 $1.442695020e+00, v52;
	v2 =	vmax.f32 v2, v8;
	v6 =	vmul.f32 $2.000000030e-01, v11  }
0x163: {  	v38 =	vmovc v51;
	v51 =	vld [tilespmem:s30+$0x70];
	[tilespmem:s25+$0xFFFFFFC0] =	vst v7;
	v4 =	vmax.f32 v4, v12;
	v7 =	vmul.f32 $2.000000030e-01, v5;
	v3 =	vadd.f32 v3, v37  }
0x164: {  	v56 =	vld [tilespmem:s30+$0x40];
	v10 =	vmax.f32 v57, v10;
	v2 =	vmul.f32 v2, v16;
	v4 =	vmul.f32 v4, v17  }
0x165: {  	v52 =	vld [tilespmem:s30+$0x0];
	v59 =	vbroadcast v1, $0xF;
	v8 =	vadd.f32 v58, v44;
	v6 =	vmax.f32 v11, v6  }
0x166: {  	v10 =	vmul.f32 v10, v14;
	v14 =	vld [tilespmem:$0x1FE10];
	v12 =	vmul.f32 $2.000000030e-01, v3;
	v5 =	vmax.f32 v5, v7  }
0x167: {  	v6 =	vmul.f32 v6, v24;
	v2 =	vadd.f32 v2, v9;
	v9 =	vld [tilespmem:s28+$0x10];
	v7 =	vmul.f32 $2.000000030e-01, v8  }
0x168: {  	(erf) = vpow2.f32 v59;
	v5 =	vmul.f32 v5, v18;
	v4 =	vadd.f32 v4, v10;
	v10 =	vld [tilespmem:s28+$0x20]  }
0x169: {  	v1 =	vpop (erf);
	v7 =	vmax.f32 v8, v7;
	v8 =	vld [tilespmem:s28+$0x0]  }
0x16a: {  	v3 =	vmax.f32 v3, v12;
	v43 =	vmul.f32 v1, v43;
	v5 =	vadd.f32 v6, v5;
	v6 =	vld [tilespmem:s28+$0x30]  }
0x16b: {  	v3 =	vmul.f32 v3, v26;
	v2 =	vadd.f32 v4, v2;
	v4 =	vld [tilespmem:s28+$0x40];
	v7 =	vmul.f32 v7, v28  }
0x16c: {  	v12 =	vmul.f32 v1, v30;
	[tilespmem:s25+$0xFFFFFEE0] =	vst v43;
	v43 =	vld [tilespmem:$0x1FDF0]  }
0x16d: {  	v57 =	vld [tilespmem:s30+$0x50];
	v3 =	vadd.f32 v7, v3  }
0x16e: {  	[tilespmem:s25+$0xFFFFFEF0] =	vst v12;
	v12 =	vld [tilespmem:$0x1FE00];
	v10 =	vadd.f32 v10, v54  }
0x16f: {  	v17 =	vmovc v63;
	v63 =	vld [tilespmem:s28+$0x50];
	v14 =	vmul.f32 v1, v14;
	v8 =	vadd.f32 v8, v52;
	v3 =	vadd.f32 v3, v5  }
0x170: {  	v59 =	vpop (erf);
	v7 =	vmul.f32 v1, v32;
	v5 =	vadd.f32 v9, v53;
	v9 =	vld [tilespmem:s28+$0x60];
	v6 =	vadd.f32 v6, v55  }
0x171: {  	v4 =	vadd.f32 v4, v56;
	v11 =	vmul.f32 v1, v43;
	v43 =	vld [tilespmem:s30+$0xFFFFFEE0];
	v58 =	vpop (erf);
	v32 =	vmul.f32 $2.000000030e-01, v8  }
0x172: {  	v2 =	vadd.f32 v3, v2;
	v3 =	vmul.f32 $2.000000030e-01, v5;
	v30 =	vmul.f32 v13, v58;
	v13 =	vld [tilespmem:s28+$0x70]  }
0x173: {  	s29 =	sadd.s32 $0x4, s29;
	v12 =	vmul.f32 v1, v12;
	[tilespmem:s25+$0xFFFFFF00] =	vst v7;
	v7 =	vmax.f32 v8, v32;
	v8 =	vmul.f32 $2.000000030e-01, v10  }
0x174: {  	p0 =	slt.u32 s29, $0x7C;
	v24 =	vmovc v47;
	v3 =	vmax.f32 v5, v3;
	v5 =	vmul.f32 $2.000000030e-01, v6;
	v32 =	vadd.f32 v63, v57  }
.Ltmp1:
0x175: {  	v18 =	vmovc v46;
	(xrf2) =	vadd.scan.msk.f32 $0xffff, v2;
	v2 =	vmul.f32 $2.000000030e-01, v4;
	v46 =	vmax.f32 v10, v8;
	v8 =	vadd.f32 v9, v50;
	(pc) =	sbr.rel @p0 .LBB2_5-.Ltmp1, $4  }
0x176: {  	v28 =	vmovc v49;
	[tilespmem:s25+$0xFFFFFF30] =	vst v14;
	v47 =	vmul.f32 v7, v15;
	v49 =	vmax.f32 v6, v5;
	v6 =	vmul.f32 $2.000000030e-01, v32  }
0x177: {  	v26 =	vmovc v48;
	[tilespmem:s25+$0xFFFFFF10] =	vst v11;
	v5 =	vadd.f32 v61, v43;
	v48 =	vadd.f32 v13, v51;
	v9 =	vmul.f32 $2.000000030e-01, v8  }
0x178: {  	[tilespmem:s25+$0xFFFFFF20] =	vst v12;
	v63 =	vmul.f32 v3, v16;
	v61 =	vmax.f32 v4, v2;
	v2 =	vmax.f32 v32, v6  }
0x179: {  	s26 =	smov.u32 s30;
	[tilespmem:s30+$0x110] =	vst v30;
	s30 =	sadd.s32 $0x240, s30;
	v13 =	vld [tilespmem:$0x1FFF0];
	v6 =	vmul.f32 $2.000000030e-01, v5;
	v4 =	vmul.f32 $2.000000030e-01, v48;
	v3 =	vmax.f32 v8, v9  }
0x17a: {  	_ = 	snop  }
0x17b: {  	v5 =	vmax.f32 v5, v6;
	v6 =	vld [tilespmem:$0x1FF80];
	_ =	sdelay $0x3  }
0x17c: {  	v15 =	vld [tilespmem:$0x1FE20]  }
0x17d: {  	v5 =	vmul.f32 v5, v6;
	v6 =	vld [tilespmem:$0x1FE30];
	_ =	sdelay $0x3  }
0x17e: {  	v0 =	vadd.f32 v0, v5;
	v5 =	vmul.f32 v1, v15  }
0x17f: {  	v6 =	vmul.f32 v1, v6  }
0x180: {  	[tilespmem:s25+$0xFFFFFF40] =	vst v5  }
0x181: {  	v5 =	vld [tilespmem:$0x1FF90];
	[tilespmem:s25+$0xFFFFFF50] =	vst v6  }
0x182: {  	v7 =	vld [tilespmem:$0x1FE40];
	_ =	sdelay $0x3  }
0x183: {  	v30 =	vmul.f32 v13, v1  }
0x184: {  	v7 =	vmul.f32 v45, v7  }
0x185: {  	v6 =	vld [tilespmem:$0x1FFA0];
	[tilespmem:s25+$0xFFFFFF60] =	vst v30  }
0x186: {  	v32 =	vld [tilespmem:$0x1FFB0];
	[tilespmem:s25+$0xFFFFFFE0] =	vst v7  }
0x187: {  	v7 =	vld [tilespmem:$0x1FFC0];
	_ =	sdelay $0x2  }
0x188: {  	v45 =	vmul.f32 v13, v45;
	_ =	sdelay $0x1  }
0x189: {  	v2 =	vmul.f32 v2, v7;
	v7 =	vld [tilespmem:$0x1FE50];
	[tilespmem:s25+$0xFFFFFFF0] =	vst v45  }
0x18a: {  	v1 =	vld [tilespmem:$0x1FFD0]  }
0x18b: {  	v5 =	vmul.f32 v46, v5;
	v46 =	vld [tilespmem:$0x1FE60];
	_ =	sdelay $0x1  }
0x18c: {  	v9 =	vld [tilespmem:$0x1FFE0];
	_ =	sdelay $0x1  }
0x18d: {  	v7 =	vmul.f32 v59, v7  }
0x18e: {  	v1 =	vmul.f32 v3, v1;
	v3 =	vmul.f32 v59, v46  }
0x18f: {  	v4 =	vmax.f32 v48, v4;
	v6 =	vmul.f32 v49, v6;
	[tilespmem:s25+$0x0] =	vst v7  }
0x190: {  	v4 =	vmul.f32 v4, v9;
	v9 =	vld [tilespmem:$0x1FE70];
	[tilespmem:s25+$0x10] =	vst v3  }
0x191: {  	v5 =	vadd.f32 v6, v5;
	v6 =	vld [tilespmem:$0x1FE80];
	_ =	sdelay $0x2  }
0x192: {  	v0 =	vadd.f32 v62, v0  }
0x193: {  	v9 =	vmul.f32 v59, v9  }
0x194: {  	v0 =	vadd.f32 v60, v0;
	v6 =	vmul.f32 v59, v6  }
0x195: {  	[tilespmem:s25+$0x20] =	vst v9  }
0x196: {  	(xrf2) =	vadd.scan.msk.f32 $0xffff, v0;
	v48 =	vld [tilespmem:$0x1FE90];
	[tilespmem:s25+$0x30] =	vst v6  }
0x197: {  	v0 =	vmul.f32 v61, v32;
	v7, _, _ =	vpop (xrf2);
	v49 =	vld [tilespmem:$0x1FEA0]  }
0x198: {  	v8 =	vadd.f32 v63, v47;
	v63 =	vmul.f32 v58, v19;
	v47 =	vmul.f32 $1.442695020e+00, v7  }
0x199: {  	v60 =	vmul.f32 v59, v27;
	v0 =	vadd.f32 v2, v0;
	v1 =	vadd.f32 v4, v1  }
0x19a: {  	v61 =	vmul.f32 v59, v25;
	v3 =	vbroadcast v47, $0xF  }
0x19b: {  	v62 =	vmul.f32 v13, v59;
	v5 =	vadd.f32 v5, v8;
	v0 =	vadd.f32 v1, v0;
	[tilespmem:s25+$0x60] =	vst v60  }
0x19c: {  	(erf) = vpow2.f32 v3;
	[tilespmem:s25+$0x70] =	vst v61;
	v4 =	vmul.f32 v59, v49  }
0x19d: {  	v0 =	vadd.f32 v0, v5;
	v5 =	vmul.f32 v58, v22;
	[tilespmem:s25+$0x80] =	vst v62  }
0x19e: {  	[tilespmem:s26+$0x90] =	vst v63  }
0x19f: {  	v14 =	vmul.f32 v58, v20;
	(xrf2) =	vadd.scan.msk.f32 $0xffff, v0;
	[tilespmem:s26+$0xA0] =	vst v5  }
0x1a0: {  	v15 =	vmul.f32 v58, v23;
	[tilespmem:s25+$0x50] =	vst v4;
	v4, _, _ =	vpop (xrf2)  }
0x1a1: {  	v19 =	vmul.f32 v58, v21;
	[tilespmem:s26+$0xB0] =	vst v14;
	v12 =	vmul.f32 $1.442695020e+00, v4  }
0x1a2: {  	v20 =	vmul.f32 v58, v31;
	[tilespmem:s26+$0xC0] =	vst v15  }
0x1a3: {  	v21 =	vmul.f32 v58, v29;
	[tilespmem:s26+$0xD0] =	vst v19;
	v1 =	vbroadcast v12, $0xF  }
0x1a4: {  	v22 =	vmul.f32 v58, v33;
	[tilespmem:s26+$0xE0] =	vst v20  }
0x1a5: {  	[tilespmem:s26+$0xF0] =	vst v21;
	v2 =	vmul.f32 v59, v48;
	v23 =	vpop (erf);
	(erf) = vpow2.f32 v1  }
0x1a6: {  	[tilespmem:s26+$0x100] =	vst v22;
	v25 =	vmul.f32 v23, v34  }
0x1a7: {  	[tilespmem:s25+$0x40] =	vst v2;
	v27 =	vmul.f32 v23, v35  }
0x1a8: {  	v29 =	vmul.f32 v23, v38;
	[tilespmem:s26+$0xFFFFFF70] =	vst v25  }
0x1a9: {  	v31 =	vmul.f32 v23, v36;
	[tilespmem:s26+$0xFFFFFF80] =	vst v27;
	v30, _, _ =	vpop (xrf2)  }
0x1aa: {  	v33 =	vmul.f32 v23, v39;
	[tilespmem:s26+$0xFFFFFF90] =	vst v29;
	v32 =	vmul.f32 $1.442695020e+00, v30  }
0x1ab: {  	v34 =	vmul.f32 v23, v40;
	[tilespmem:s26+$0xFFFFFFA0] =	vst v31  }
0x1ac: {  	v35 =	vmul.f32 v23, v37;
	[tilespmem:s26+$0xFFFFFFB0] =	vst v33;
	v1 =	vbroadcast v32, $0xF  }
0x1ad: {  	v48 =	vmul.f32 v23, v44;
	[tilespmem:s26+$0xFFFFFFC0] =	vst v34  }
0x1ae: {  	v0 =	vmul.f32 v13, v23;
	[tilespmem:s26+$0xFFFFFFD0] =	vst v35;
	(erf) = vpow2.f32 v1;
	v36 =	vpop (erf)  }
0x1af: {  	[tilespmem:s26+$0xFFFFFFE0] =	vst v48;
	v37 =	vmul.f32 v36, v43  }
0x1b0: {  	[tilespmem:s26+$0xFFFFFFF0] =	vst v0;
	v38 =	vmul.f32 v36, v17  }
0x1b1: {  	v39 =	vmul.f32 v36, v18;
	[tilespmem:s26+$0xFFFFFEE0] =	vst v37  }
0x1b2: {  	v40 =	vmul.f32 v36, v24;
	[tilespmem:s26+$0xFFFFFEF0] =	vst v38  }
0x1b3: {  	v43 =	vmul.f32 v36, v26;
	[tilespmem:s26+$0xFFFFFF00] =	vst v39  }
0x1b4: {  	v45 =	vmul.f32 v36, v28;
	[tilespmem:s26+$0xFFFFFF10] =	vst v40  }
0x1b5: {  	v46 =	vmul.f32 v36, v41;
	[tilespmem:s26+$0xFFFFFF20] =	vst v43  }
0x1b6: {  	v47 =	vmul.f32 v36, v42;
	[tilespmem:s26+$0xFFFFFF30] =	vst v45  }
0x1b7: {  	v2 =	vmul.f32 v13, v36;
	v49 =	vpop (erf);
	[tilespmem:s26+$0xFFFFFF40] =	vst v46  }
0x1b8: {  	[tilespmem:s26+$0xFFFFFF50] =	vst v47;
	v52 =	vmul.f32 v49, v52  }
0x1b9: {  	[tilespmem:s26+$0xFFFFFF60] =	vst v2;
	v53 =	vmul.f32 v49, v53  }
0x1ba: {  	v54 =	vmul.f32 v49, v54;
	[tilespmem:s26+$0x0] =	vst v52  }
0x1bb: {  	v58 =	vmul.f32 v49, v55;
	[tilespmem:s26+$0x10] =	vst v53  }
0x1bc: {  	v59 =	vmul.f32 v49, v56;
	[tilespmem:s26+$0x20] =	vst v54  }
0x1bd: {  	v60 =	vmul.f32 v49, v57;
	[tilespmem:s26+$0x30] =	vst v58  }
0x1be: {  	v61 =	vmul.f32 v49, v50;
	[tilespmem:s26+$0x40] =	vst v59  }
0x1bf: {  	v62 =	vmul.f32 v49, v51;
	[tilespmem:s26+$0x50] =	vst v60  }
0x1c0: {  	s24 =	sadd.s32 $0x1, s24;
	v63 =	vmul.f32 v13, v49;
	[tilespmem:s26+$0x60] =	vst v61  }
0x1c1: {  	p0 =	sne.s32 s24, $0x51;
	[tilespmem:s26+$0x70] =	vst v62  }
.Ltmp2:
0x1c2: {  	[tilespmem:s26+$0x80] =	vst v63;
	(pc) =	sbr.rel @p0 .LBB2_4-.Ltmp2, $4  }
0x1c3: {  	[spmem:s4] =	stream.indirect.scatter.add.f32 [tilespmem:s16], [sflag:$0x3], $0x90, s19, s19, $0xb8;
	[tilespmem:$0x1F180] =	vst v63  }
0x1c4: {  	_ =	swait.ge [sflag:s17], $0x4800  }
0x1c5: {  	[sflag:s17] =	ssyncset.done $0x0  }
0x1c6: {  	v8 =	vmov v16;
	[sflag:s17] =	ssyncadd.s32 $0xFFFFB800  }
0x1c7: {  	s23 =	sadd.s32 $0x1, s23  }
0x1c8: {  	s24 =	sshll.u32 s2, $0x6;
	[bflag:$0x0] =	sbarrier.arrive $0xFFFF;
	p0 =	sne.s32 s23, s15  }
.Ltmp3:
0x1c9: {  	s25 =	sshrl.u32 s8, $0x3;
	s24 =	sor.u32 $0x1C03, s24;
	(pc) =	sbr.rel @p0 .LBB2_1-.Ltmp3, $4  }
0x1ca: {  	[hbm:s14], [sflag:s24] =	dma.local [spmem:s25], $0x2D00  }
0x1cb: {  	_ =	swait.ge [sflag:s17], $0x2D00  }
0x1cc: {  	[sflag:s17] =	ssyncset.done $0x0  }
0x1cd: {  	v0 =	vimm.f32 $0.0e+00;
	[sflag:s17] =	ssyncadd.s32 $0xFFFFD300  }
0x1ce: {  	_ =	sfence.sel $0x180000  }
0x1cf: {  	[bflag:$0x0] =	sbarrier.arrive $0xFFFF  }
0x1d0: {  	p0 =	sne.s32 s2, $0x0;
	_ =	strace $0x90000047  }
0x1d1: {  	s0 =	sadd.s32 @!p0 $0x100000, s1;
	[bflag:$0x2] =	sbarrier.arrive $0xFFFF  }
0x1d2: {  	[sflag:s0] =	ssyncadd.tile.s32 @!p0 $0x1;
	_ =	shalt  }
.Lfunc_end2:
_tile_overlayer_lowered:
.L_overlay_start_2:
0x1d3: {  	(tag) =	ssettag $0x2  }
0x1d4: {  	s0 =	rddreg [dreg:$0x0];
	s2 =	stileid.u32  }
0x1d5: {  	s1 =	rddreg [dreg:$0x1];
	p0 =	sne.s32 s2, $0x0  }
0x1d6: {  	s3 =	rddreg [dreg:$0x2];
	[bflag:$0x3] =	sbarrier.arrive $0xFFFF;
	s2 =	simm.s32 @!p0 $0x1C03  }
0x1d7: {  	[timem:s3], [sflag:s2] =	dma.local @!p0 [hbm:s0], s1  }
0x1d8: {  	s0 =	simm.s32 @!p0 $0x3  }
0x1d9: {  	_ =	swait.ge @!p0 [sflag:s0], s1  }
0x1da: {  	s1 =	ssub.s32 @!p0 $0x0, s1;
	[sflag:s0] =	ssyncset.done @!p0 $0x0  }
0x1db: {  	[sflag:s0] =	ssyncadd.s32 @!p0 s1  }
0x1dc: {  	[bflag:$0x3] =	sbarrier.arrive $0xFFFF  }
0x1dd: {  	_ =	shalt  }

</sc_bundles>
